<compile_context>
chip_gen: v7x
topology: tpu7x:2x2x1
jax: 0.10.2.dev20260603
libtpu: 0.0.44.dev20260713+nightly
codegen_flags: <defaults>
</compile_context>

<pallas_src>
import functools

import jax
import jax.numpy as jnp
from jax import lax
from jax.experimental import pallas as pl
from jax.experimental.pallas import tpu as pltpu
from jax.experimental.pallas import tpu_sc as plsc

N = 10000
E = 320000
D = 128
D_OUT = 64

N_PAD = 10240
CHUNK = 128
NC = 2
NS = 16
NW = NC * NS
E_PAD = N_PAD * NW
ROWS_PER_S = N_PAD // NS
PAD_DST = N + 100
NB = 5
DH = D // NC

DEG_CHUNKS = E_PAD // CHUNK // NW
DEG_GROUPS = DEG_CHUNKS // NB

AGG_CHUNKS = E_PAD // CHUNK // NS
AGG_PASSES = 2
PASS_CHUNKS = AGG_CHUNKS // AGG_PASSES
AGG_NB = 2
PASS_GROUPS = PASS_CHUNKS // AGG_NB

_sc_mesh = plsc.VectorSubcoreMesh(core_axis_name="c", subcore_axis_name="s")


@functools.partial(
    pl.kernel,
    mesh=_sc_mesh,
    out_type=jax.ShapeDtypeStruct((NC * N_PAD,), jnp.float32),
    scratch_types=[
        pltpu.VMEM_SHARED((N_PAD,), jnp.float32),
        pltpu.VMEM((DEG_CHUNKS, CHUNK), jnp.int32),
        pltpu.VMEM((CHUNK,), jnp.float32),
        pltpu.VMEM((ROWS_PER_S,), jnp.float32),
    ]
    + [pltpu.SemaphoreType.DMA] * NB,
)
def _deg_sc(dst_hbm, out_hbm, acc, didx, ones, stage, *sems):
    c = lax.axis_index("c")
    s = lax.axis_index("s")
    wid = s * NC + c

    def fill(i, _):
        stage[pl.ds(i * 16, 16)] = jnp.zeros((16,), jnp.float32)
        return 0

    lax.fori_loop(0, ROWS_PER_S // 16, fill, 0)

    def fill1(i, _):
        ones[pl.ds(i * 16, 16)] = jnp.full((16,), 1.0, jnp.float32)
        return 0

    lax.fori_loop(0, CHUNK // 16, fill1, 0)

    pltpu.sync_copy(stage, acc.at[pl.ds(s * ROWS_PER_S, ROWS_PER_S)])
    pltpu.sync_copy(dst_hbm.at[pl.ds(wid * DEG_CHUNKS, DEG_CHUNKS)], didx)
    plsc.subcore_barrier()

    def scat(ch, b):
        return pltpu.async_copy(ones, acc.at[didx.at[ch]], sems[b], add=True)

    for b in range(NB):
        scat(b, b)

    def body(k, _):
        for b in range(NB):
            pltpu.make_async_copy(ones, acc.at[didx.at[0]], sems[b]).wait()
            scat((k + 1) * NB + b, b)
        return 0

    lax.fori_loop(0, DEG_GROUPS - 1, body, 0)
    for b in range(NB):
        pltpu.make_async_copy(ones, acc.at[didx.at[0]], sems[b]).wait()
    plsc.subcore_barrier()

    pltpu.sync_copy(acc.at[pl.ds(s * ROWS_PER_S, ROWS_PER_S)], stage)
    pltpu.sync_copy(stage, out_hbm.at[pl.ds(c * N_PAD + s * ROWS_PER_S, ROWS_PER_S)])


@functools.partial(
    pl.kernel,
    mesh=_sc_mesh,
    out_type=jax.ShapeDtypeStruct((NC * N_PAD, DH), jnp.float32),
    compiler_params=pltpu.CompilerParams(use_tc_tiling_on_sc=False),
    scratch_types=[
        pltpu.VMEM_SHARED((N_PAD, DH), jnp.float32),
        pltpu.VMEM_SHARED((N_PAD, DH), jnp.float32),
        pltpu.VMEM((PASS_CHUNKS, CHUNK), jnp.int32),
        pltpu.VMEM((PASS_CHUNKS, CHUNK), jnp.int32),
    ]
    + [pltpu.VMEM((CHUNK, DH), jnp.float32)] * AGG_NB
    + [pltpu.SemaphoreType.DMA] * (2 * AGG_NB + 1),
)
def _agg_sc(zlo_hbm, zhi_hbm, src_hbm, dst_hbm, out_hbm, acc, zsp, sidx, didx,
            *rest):
    gbuf = rest[:AGG_NB]
    gsem = rest[AGG_NB : 2 * AGG_NB]
    ssem = rest[2 * AGG_NB : 3 * AGG_NB]
    stsem = rest[3 * AGG_NB]
    c = lax.axis_index("c")
    s = lax.axis_index("s")

    @pl.when(c == 0)
    def _():
        pltpu.async_copy(
            zlo_hbm.at[pl.ds(s * ROWS_PER_S, ROWS_PER_S)],
            zsp.at[pl.ds(s * ROWS_PER_S, ROWS_PER_S)],
            stsem,
        )

    @pl.when(c == 1)
    def _():
        pltpu.async_copy(
            zhi_hbm.at[pl.ds(s * ROWS_PER_S, ROWS_PER_S)],
            zsp.at[pl.ds(s * ROWS_PER_S, ROWS_PER_S)],
            stsem,
        )

    def fillz(i, _):
        gbuf[0][i // (DH // 16), pl.ds((i % (DH // 16)) * 16, 16)] = jnp.zeros(
            (16,), jnp.float32
        )
        return 0

    lax.fori_loop(0, CHUNK * DH // 16, fillz, 0)

    def zrow(j, _):
        pltpu.sync_copy(gbuf[0], acc.at[pl.ds(s * ROWS_PER_S + j * CHUNK, CHUNK)])
        return 0

    lax.fori_loop(0, ROWS_PER_S // CHUNK, zrow, 0)
    pltpu.make_async_copy(
        zlo_hbm.at[pl.ds(0, ROWS_PER_S)],
        zsp.at[pl.ds(0, ROWS_PER_S)],
        stsem,
    ).wait()
    plsc.subcore_barrier()

    def gat(ch, b):
        return pltpu.async_copy(zsp.at[sidx.at[ch]], gbuf[b], gsem[b])

    def gat_wait(b):
        pltpu.make_async_copy(zsp.at[sidx.at[0]], gbuf[b], gsem[b]).wait()

    def scat(ch, b):
        return pltpu.async_copy(gbuf[b], acc.at[didx.at[ch]], ssem[b], add=True)

    def scat_wait(b):
        pltpu.make_async_copy(gbuf[b], acc.at[didx.at[0]], ssem[b]).wait()

    for p in range(AGG_PASSES):
        base = s * AGG_CHUNKS + p * PASS_CHUNKS
        pltpu.sync_copy(src_hbm.at[pl.ds(base, PASS_CHUNKS)], sidx)
        pltpu.sync_copy(dst_hbm.at[pl.ds(base, PASS_CHUNKS)], didx)

        for b in range(AGG_NB):
            gat(b, b)

        def body(k, _):
            for b in range(AGG_NB):
                gat_wait(b)
                scat(k * AGG_NB + b, b)
            for b in range(AGG_NB):
                scat_wait(b)
                gat((k + 1) * AGG_NB + b, b)
            return 0

        lax.fori_loop(0, PASS_GROUPS - 1, body, 0)

        for b in range(AGG_NB):
            gat_wait(b)
            scat((PASS_GROUPS - 1) * AGG_NB + b, b)
        for b in range(AGG_NB):
            scat_wait(b)
    plsc.subcore_barrier()

    def crow(j, _):
        row = s * ROWS_PER_S + j * CHUNK
        pltpu.sync_copy(acc.at[pl.ds(row, CHUNK)], gbuf[0])
        pltpu.sync_copy(gbuf[0], out_hbm.at[pl.ds(c * N_PAD + row, CHUNK)])
        return 0

    lax.fori_loop(0, ROWS_PER_S // CHUNK, crow, 0)


_RB = 5120
_GRID = N_PAD // _RB


def _k_scale_matmul(x_ref, w_ref, dis_ref, o0_ref, o1_ref):
    z = dis_ref[...] * jnp.dot(
        x_ref[...], w_ref[...], preferred_element_type=jnp.float32
    )
    o0_ref[...] = z[:, :DH]
    o1_ref[...] = z[:, DH:]


def _k_mid(p0_ref, p1_ref, z0_ref, z1_ref, dis_ref, s_ref, u_ref, w_ref,
           o0_ref, o1_ref):
    dis = dis_ref[...]
    p = jnp.concatenate([p0_ref[...], p1_ref[...]], axis=1)
    z = jnp.concatenate([z0_ref[...], z1_ref[...]], axis=1)
    h = jnp.maximum(dis * (p + z) * s_ref[...] + u_ref[...], 0.0)
    zn = dis * jnp.dot(h, w_ref[...], preferred_element_type=jnp.float32)
    o0_ref[...] = zn[:, :DH]
    o1_ref[...] = zn[:, DH:]


def _k_final(p0_ref, p1_ref, z0_ref, z1_ref, dis_ref, s_ref, u_ref, w_ref,
             b_ref, o_ref):
    dis = dis_ref[...]
    p = jnp.concatenate([p0_ref[...], p1_ref[...]], axis=1)
    z = jnp.concatenate([z0_ref[...], z1_ref[...]], axis=1)
    h = jnp.maximum(dis * (p + z) * s_ref[...] + u_ref[...], 0.0)
    o_ref[...] = (
        jnp.dot(h, w_ref[...], preferred_element_type=jnp.float32) + b_ref[...]
    )


def _row_spec(cols):
    return pl.BlockSpec((_RB, cols), lambda i: (i, 0))


def _p1_spec():
    return pl.BlockSpec((_RB, DH), lambda i: (_GRID + i, 0))


def _full_spec(rows, cols):
    return pl.BlockSpec((rows, cols), lambda i: (0, 0))


_ZSHAPE = (
    jax.ShapeDtypeStruct((N_PAD, DH), jnp.float32),
    jax.ShapeDtypeStruct((N_PAD, DH), jnp.float32),
)


def _scale_matmul(x, w, dis_col):
    return pl.pallas_call(
        _k_scale_matmul,
        grid=(_GRID,),
        in_specs=[_row_spec(D), _full_spec(D, D), _row_spec(1)],
        out_specs=(_row_spec(DH), _row_spec(DH)),
        out_shape=_ZSHAPE,
    )(x, w, dis_col)


def _mid(p, z0, z1, dis_col, s_row, u_row, w):
    return pl.pallas_call(
        _k_mid,
        grid=(_GRID,),
        in_specs=[
            _row_spec(DH),
            _p1_spec(),
            _row_spec(DH),
            _row_spec(DH),
            _row_spec(1),
            _full_spec(1, D),
            _full_spec(1, D),
            _full_spec(D, D),
        ],
        out_specs=(_row_spec(DH), _row_spec(DH)),
        out_shape=_ZSHAPE,
    )(p, p, z0, z1, dis_col, s_row, u_row, w)


def _final(p, z0, z1, dis_col, s_row, u_row, w, b_row):
    return pl.pallas_call(
        _k_final,
        grid=(_GRID,),
        in_specs=[
            _row_spec(DH),
            _p1_spec(),
            _row_spec(DH),
            _row_spec(DH),
            _row_spec(1),
            _full_spec(1, D),
            _full_spec(1, D),
            _full_spec(D, D_OUT),
            _full_spec(1, D_OUT),
        ],
        out_specs=pl.BlockSpec((_RB, D_OUT), lambda i: (i, 0)),
        out_shape=jax.ShapeDtypeStruct((N_PAD, D_OUT), jnp.float32),
    )(p, p, z0, z1, dis_col, s_row, u_row, w, b_row)


@jax.jit
def kernel(x, edge_index, W1, b1, g1, be1, rm1, rv1, W2, b2, g2, be2, rm2, rv2,
           Wro, bro):
    pad_e = E_PAD - E
    src_p = jnp.concatenate([edge_index[0], jnp.zeros((pad_e,), jnp.int32)])
    dst_p = jnp.concatenate(
        [edge_index[1], jnp.full((pad_e,), PAD_DST, jnp.int32)]
    )
    src2d = src_p.reshape(E_PAD // CHUNK, CHUNK)
    dst2d = dst_p.reshape(E_PAD // CHUNK, CHUNK)
    x_p = jnp.concatenate([x, jnp.zeros((N_PAD - N, D), jnp.float32)])

    s1 = g1 * lax.rsqrt(rv1 + 1e-5)
    u1 = (b1 - rm1) * s1 + be1
    s2 = g2 * lax.rsqrt(rv2 + 1e-5)
    u2 = (b2 - rm2) * s2 + be2
    s1r, u1r = s1[None, :], u1[None, :]
    s2r, u2r = s2[None, :], u2[None, :]
    bror = bro[None, :]

    degp = _deg_sc(dst2d).reshape(NC, N_PAD)
    dis_col = lax.rsqrt(degp[0] + degp[1] + 1.0)[:, None]

    z1lo, z1hi = _scale_matmul(x_p, W1, dis_col)
    p1_ = _agg_sc(z1lo, z1hi, src2d, dst2d)

    z2lo, z2hi = _mid(p1_, z1lo, z1hi, dis_col, s1r, u1r, W2)
    p2_ = _agg_sc(z2lo, z2hi, src2d, dst2d)

    out = _final(p2_, z2lo, z2hi, dis_col, s2r, u2r, Wro, bror)
    return out[:N]

# --- scband reference (transcript-rebuilt; emitter-appended) ---
"""Pipeline reference for scband-gcn-10591389352000 (READ-ONLY COPY).

The authoritative reference and input builder live on the scoring server;
editing this copy changes nothing except your own understanding.
"""

import jax, jax.numpy as jnp
import numpy as np

N = 10000
E = 320000
D_IN = 128
D_HID = 128
D_OUT = 64


def setup_inputs(seed: int = 0):
    key = jax.random.key(seed)
    ks = jax.random.split(key, 16)
    x = jax.random.normal(ks[0], (N, D_IN), dtype=jnp.float32)
    edge_index = jax.random.randint(ks[1], (2, E), 0, N, dtype=jnp.int32)
    W1 = jax.random.normal(ks[2], (D_IN, D_HID), dtype=jnp.float32) * (1.0 / np.sqrt(D_IN))
    b1 = jnp.zeros((D_HID,), jnp.float32)
    g1 = jnp.ones((D_HID,), jnp.float32)
    be1 = jnp.zeros((D_HID,), jnp.float32)
    rm1 = jnp.zeros((D_HID,), jnp.float32)
    rv1 = jnp.ones((D_HID,), jnp.float32)
    W2 = jax.random.normal(ks[3], (D_HID, D_HID), dtype=jnp.float32) * (1.0 / np.sqrt(D_HID))
    b2 = jnp.zeros((D_HID,), jnp.float32)
    g2 = jnp.ones((D_HID,), jnp.float32)
    be2 = jnp.zeros((D_HID,), jnp.float32)
    rm2 = jnp.zeros((D_HID,), jnp.float32)
    rv2 = jnp.ones((D_HID,), jnp.float32)
    Wro = jax.random.normal(ks[4], (D_HID, D_OUT), dtype=jnp.float32) * (1.0 / np.sqrt(D_HID))
    bro = jnp.zeros((D_OUT,), jnp.float32)
    return {"x": x, "edge_index": edge_index, "W1": W1, "b1": b1, "g1": g1, "be1": be1,
            "rm1": rm1, "rv1": rv1, "W2": W2, "b2": b2, "g2": g2, "be2": be2,
            "rm2": rm2, "rv2": rv2, "Wro": Wro, "bro": bro}


def reference(x, edge_index, W1, b1, g1, be1, rm1, rv1, W2, b2, g2, be2, rm2, rv2, Wro, bro):
    loop = jnp.arange(N, dtype=edge_index.dtype)
    src = jnp.concatenate([edge_index[0], loop])
    dst = jnp.concatenate([edge_index[1], loop])
    deg = jnp.zeros((N,), jnp.float32).at[dst].add(1.0)
    dis = jnp.where(deg > 0, jax.lax.rsqrt(jnp.maximum(deg, 1e-12)), 0.0)
    norm = dis[src] * dis[dst]

    def gcn_conv(h, W, b):
        h = h @ W
        out = jnp.zeros((N, W.shape[1]), jnp.float32).at[dst].add(h[src] * norm[:, None])
        return out + b

    def bn_eval(h, g, be, rm, rv):
        return (h - rm) * jax.lax.rsqrt(rv + 1e-5) * g + be

    # forward applies convs[:-1] (first 2 of 3 layers), then readout linear; dropout is no-op in eval
    h = gcn_conv(x, W1, b1)
    h = jax.nn.relu(bn_eval(h, g1, be1, rm1, rv1))
    h = gcn_conv(h, W2, b2)
    h = jax.nn.relu(bn_eval(h, g2, be2, rm2, rv2))
    return h @ Wro + bro

if __name__ == "__main__":
    import jax
    _d = setup_inputs()
    print(jax.jit(kernel)(*tuple(_d.values())))

</pallas_src>

<mosaic_0001>
#map = affine_map<(d0, d1) -> (0, 0)>
module attributes {stable_mosaic.version = 14 : i64} {
  func.func @_agg_sc(%arg0: i32, %arg1: i32, %arg2: memref<10240x64xf32, #tpu.memory_space<hbm>>, %arg3: memref<10240x64xf32, #tpu.memory_space<hbm>>, %arg4: memref<2560x128xi32, #tpu.memory_space<hbm>>, %arg5: memref<2560x128xi32, #tpu.memory_space<hbm>>, %arg6: memref<20480x64xf32, #tpu.memory_space<hbm>>, %arg7: memref<10240x64xf32, #tpu.memory_space<vmem_shared>>, %arg8: memref<10240x64xf32, #tpu.memory_space<vmem_shared>>, %arg9: memref<80x128xi32, #tpu.memory_space<vmem>>, %arg10: memref<80x128xi32, #tpu.memory_space<vmem>>, %arg11: memref<128x64xf32, #tpu.memory_space<vmem>>, %arg12: memref<128x64xf32, #tpu.memory_space<vmem>>, %arg13: memref<!tpu.dma_semaphore, #tpu.memory_space<semaphore_mem>>, %arg14: memref<!tpu.dma_semaphore, #tpu.memory_space<semaphore_mem>>, %arg15: memref<!tpu.dma_semaphore, #tpu.memory_space<semaphore_mem>>, %arg16: memref<!tpu.dma_semaphore, #tpu.memory_space<semaphore_mem>>, %arg17: memref<!tpu.dma_semaphore, #tpu.memory_space<semaphore_mem>>) attributes {dimension_semantics = [#tpu.dimension_semantics<core_parallel>, #tpu.dimension_semantics<subcore_parallel>], iteration_bounds = array<i64: 2, 16>, scalar_prefetch = 0 : i64, scratch_operands = 11 : i64, tpu.core_type = #tpu.core_type<sc_vector_subcore>, window_params = [{transform_indices = #map}, {transform_indices = #map}, {transform_indices = #map}, {transform_indices = #map}, {transform_indices = #map}]} {
    %eq3A = arith.constant 0 : i32
    %eq3A_0 = arith.cmpi eq, %arg0, %eq3A : i32
    %convert_element_type3A = arith.extui %eq3A_0 : i1 to i32
    %cond3A = arith.constant 0 : i32
    %cond3A_1 = arith.cmpi ne, %convert_element_type3A, %cond3A : i32
    scf.if %cond3A_1 {
      %mul3A_164 = arith.constant 640 : i32
      %mul3A_165 = arith.muli %arg1, %mul3A_164 : i32
      %mul3A_166 = arith.constant 640 : i32
      %mul3A_167 = arith.muli %arg1, %mul3A_166 : i32
      %dma_start3A_168 = arith.constant 0 : i32
      %dma_start3A_169 = tpu.memref_slice %arg8[%mul3A_167, %dma_start3A_168] : memref<10240x64xf32, #tpu.memory_space<vmem_shared>> -> memref<640x64xf32, #tpu.memory_space<vmem_shared>>
      %dma_start3A_170 = arith.constant 0 : i32
      %dma_start3A_171 = tpu.memref_slice %arg2[%mul3A_165, %dma_start3A_170] : memref<10240x64xf32, #tpu.memory_space<hbm>> -> memref<640x64xf32, #tpu.memory_space<hbm>>
      tpu.enqueue_dma source(%dma_start3A_171 : memref<640x64xf32, #tpu.memory_space<hbm>>) target(%dma_start3A_169 : memref<640x64xf32, #tpu.memory_space<vmem_shared>>) target_semaphore(%arg17 : memref<!tpu.dma_semaphore, #tpu.memory_space<semaphore_mem>>)
    } else {
    }
    %eq3A_2 = arith.constant 1 : i32
    %eq3A_3 = arith.cmpi eq, %arg0, %eq3A_2 : i32
    %convert_element_type3A_4 = arith.extui %eq3A_3 : i1 to i32
    %cond3A_5 = arith.constant 0 : i32
    %cond3A_6 = arith.cmpi ne, %convert_element_type3A_4, %cond3A_5 : i32
    scf.if %cond3A_6 {
      %mul3A_164 = arith.constant 640 : i32
      %mul3A_165 = arith.muli %arg1, %mul3A_164 : i32
      %mul3A_166 = arith.constant 640 : i32
      %mul3A_167 = arith.muli %arg1, %mul3A_166 : i32
      %dma_start3A_168 = arith.constant 0 : i32
      %dma_start3A_169 = tpu.memref_slice %arg8[%mul3A_167, %dma_start3A_168] : memref<10240x64xf32, #tpu.memory_space<vmem_shared>> -> memref<640x64xf32, #tpu.memory_space<vmem_shared>>
      %dma_start3A_170 = arith.constant 0 : i32
      %dma_start3A_171 = tpu.memref_slice %arg3[%mul3A_165, %dma_start3A_170] : memref<10240x64xf32, #tpu.memory_space<hbm>> -> memref<640x64xf32, #tpu.memory_space<hbm>>
      tpu.enqueue_dma source(%dma_start3A_171 : memref<640x64xf32, #tpu.memory_space<hbm>>) target(%dma_start3A_169 : memref<640x64xf32, #tpu.memory_space<vmem_shared>>) target_semaphore(%arg17 : memref<!tpu.dma_semaphore, #tpu.memory_space<semaphore_mem>>)
    } else {
    }
    %scan3A = arith.constant 0 : i32
    %scan3A_7 = arith.constant 0 : i32
    %scan3A_8 = arith.constant 512 : i32
    %scan3A_9 = arith.addi %scan3A_7, %scan3A_8 : i32
    %scan3A_10 = arith.constant 1 : i32
    %scan3A_11 = scf.for %scan3A_164 = %scan3A_7 to %scan3A_9 step %scan3A_10 iter_args(%scan3A_165 = %scan3A) -> (i32)  : i32 {
      %broadcast_in_dim3A = arith.constant 0.000000e+00 : f32
      %broadcast_in_dim3A_166 = vector.broadcast %broadcast_in_dim3A : f32 to vector<16xf32>
      %jit3A = arith.constant 4 : i32
      %div3A = arith.divsi %scan3A_164, %jit3A : i32
      %sign3A = arith.constant 0 : i32
      %sign3A_167 = arith.cmpi sgt, %scan3A_164, %sign3A : i32
      %sign3A_168 = arith.extui %sign3A_167 : i1 to i32
      %sign3A_169 = arith.constant 0 : i32
      %sign3A_170 = arith.cmpi slt, %scan3A_164, %sign3A_169 : i32
      %sign3A_171 = arith.extui %sign3A_170 : i1 to i32
      %sign3A_172 = arith.subi %sign3A_168, %sign3A_171 : i32
      %sign3A_173 = arith.constant 0 : i32
      %sign3A_174 = arith.cmpi sgt, %jit3A, %sign3A_173 : i32
      %sign3A_175 = arith.extui %sign3A_174 : i1 to i32
      %sign3A_176 = arith.constant 0 : i32
      %sign3A_177 = arith.cmpi slt, %jit3A, %sign3A_176 : i32
      %sign3A_178 = arith.extui %sign3A_177 : i1 to i32
      %sign3A_179 = arith.subi %sign3A_175, %sign3A_178 : i32
      %ne3A = arith.cmpi ne, %sign3A_172, %sign3A_179 : i32
      %rem3A = arith.remsi %scan3A_164, %jit3A : i32
      %ne3A_180 = arith.constant 0 : i32
      %ne3A_181 = arith.cmpi ne, %rem3A, %ne3A_180 : i32
      %and3A = arith.andi %ne3A, %ne3A_181 : i1
      %sub3A = arith.constant 1 : i32
      %sub3A_182 = arith.subi %div3A, %sub3A : i32
      %select_n3A = arith.select %and3A, %sub3A_182, %div3A : i32
      %jit3A_183 = arith.constant 4 : i32
      %eq3A_184 = arith.constant 0 : i32
      %eq3A_185 = arith.cmpi eq, %jit3A_183, %eq3A_184 : i32
      %jit3A_186 = arith.constant 1 : i32
      %select_n3A_187 = arith.select %eq3A_185, %jit3A_186, %jit3A_183 : i32
      %rem3A_188 = arith.remsi %scan3A_164, %select_n3A_187 : i32
      %ne3A_189 = arith.constant 0 : i32
      %ne3A_190 = arith.cmpi ne, %rem3A_188, %ne3A_189 : i32
      %lt3A = arith.constant 0 : i32
      %lt3A_191 = arith.cmpi slt, %rem3A_188, %lt3A : i32
      %lt3A_192 = arith.constant 0 : i32
      %lt3A_193 = arith.cmpi slt, %select_n3A_187, %lt3A_192 : i32
      %ne3A_194 = arith.xori %lt3A_191, %lt3A_193 : i1
      %and3A_195 = arith.andi %ne3A_194, %ne3A_190 : i1
      %add3A_196 = arith.addi %rem3A_188, %select_n3A_187 : i32
      %select_n3A_197 = arith.select %and3A_195, %add3A_196, %rem3A_188 : i32
      %mul3A_198 = arith.constant 16 : i32
      %mul3A_199 = arith.muli %select_n3A_197, %mul3A_198 : i32
      %swap3A = arith.index_cast %select_n3A : i32 to index
      %swap3A_200 = arith.index_cast %mul3A_199 : i32 to index
      %swap3A_201 = tpu.vector_load %arg11[%swap3A, %swap3A_200] {strides = array<i32>} : memref<128x64xf32, #tpu.memory_space<vmem>>, vector<1x16xf32>,
      %swap3A_202 = vector.shape_cast %swap3A_201 : vector<1x16xf32> to vector<16xf32>
      %swap3A_203 = vector.shape_cast %broadcast_in_dim3A_166 : vector<16xf32> to vector<1x16xf32>
      tpu.vector_store %arg11[%swap3A, %swap3A_200], %swap3A_203 {strides = array<i32>} : memref<128x64xf32, #tpu.memory_space<vmem>>, vector<1x16xf32>,
      %scan3A_204 = arith.constant 0 : i32
      scf.yield %scan3A_204 : i32
    }
    %scan3A_12 = arith.constant 512 : i32
    %scan3A_13 = arith.constant 0 : i32
    %scan3A_14 = arith.constant 0 : i32
    %scan3A_15 = arith.constant 5 : i32
    %scan3A_16 = arith.addi %scan3A_14, %scan3A_15 : i32
    %scan3A_17 = arith.constant 1 : i32
    %scan3A_18 = scf.for %scan3A_164 = %scan3A_14 to %scan3A_16 step %scan3A_17 iter_args(%scan3A_165 = %scan3A_13) -> (i32)  : i32 {
      %mul3A_166 = arith.constant 640 : i32
      %mul3A_167 = arith.muli %arg1, %mul3A_166 : i32
      %mul3A_168 = arith.constant 128 : i32
      %mul3A_169 = arith.muli %scan3A_164, %mul3A_168 : i32
      %add3A_170 = arith.addi %mul3A_167, %mul3A_169 : i32
      "tpu.region"() ({
        %run_scoped3A = tpu.sem_alloc : memref<!tpu.dma_semaphore, #tpu.memory_space<semaphore_mem>>
        %dma_start3A_172 = arith.constant 0 : i32
        %dma_start3A_173 = tpu.memref_slice %arg7[%add3A_170, %dma_start3A_172] : memref<10240x64xf32, #tpu.memory_space<vmem_shared>> -> memref<128x64xf32, #tpu.memory_space<vmem_shared>>
        %dma_start3A_174 = arith.constant 0 : i32
        %dma_start3A_175 = tpu.memref_slice %arg7[%add3A_170, %dma_start3A_174] : memref<10240x64xf32, #tpu.memory_space<vmem_shared>> -> memref<128x64xf32, #tpu.memory_space<vmem_shared>>
        tpu.enqueue_dma source(%arg11 : memref<128x64xf32, #tpu.memory_space<vmem>>) target(%dma_start3A_175 : memref<128x64xf32, #tpu.memory_space<vmem_shared>>) target_semaphore(%run_scoped3A : memref<!tpu.dma_semaphore, #tpu.memory_space<semaphore_mem>>)
        %dma_wait3A_176 = arith.constant 0 : i32
        %dma_wait3A_177 = tpu.memref_slice %arg7[%add3A_170, %dma_wait3A_176] : memref<10240x64xf32, #tpu.memory_space<vmem_shared>> -> memref<128x64xf32, #tpu.memory_space<vmem_shared>>
        %dma_wait3A_178 = arith.constant 0 : i32
        %dma_wait3A_179 = tpu.memref_slice %arg7[%add3A_170, %dma_wait3A_178] : memref<10240x64xf32, #tpu.memory_space<vmem_shared>> -> memref<128x64xf32, #tpu.memory_space<vmem_shared>>
        tpu.wait_dma2 semaphore(%run_scoped3A : memref<!tpu.dma_semaphore, #tpu.memory_space<semaphore_mem>>) src(%arg11 : memref<128x64xf32, #tpu.memory_space<vmem>>) dst(%dma_wait3A_179 : memref<128x64xf32, #tpu.memory_space<vmem_shared>>)
        tpu.yield
      }) : () -> ()
      %scan3A_171 = arith.constant 0 : i32
      scf.yield %scan3A_171 : i32
    }
    %scan3A_19 = arith.constant 5 : i32
    %dma_wait3A = arith.constant 0 : i32
    %dma_wait3A_20 = arith.constant 0 : i32
    %dma_wait3A_21 = tpu.memref_slice %arg8[%dma_wait3A, %dma_wait3A_20] : memref<10240x64xf32, #tpu.memory_space<vmem_shared>> -> memref<640x64xf32, #tpu.memory_space<vmem_shared>>
    %dma_wait3A_22 = arith.constant 0 : i32
    %dma_wait3A_23 = arith.constant 0 : i32
    %dma_wait3A_24 = tpu.memref_slice %arg2[%dma_wait3A_22, %dma_wait3A_23] : memref<10240x64xf32, #tpu.memory_space<hbm>> -> memref<640x64xf32, #tpu.memory_space<hbm>>
    tpu.wait_dma2 semaphore(%arg17 : memref<!tpu.dma_semaphore, #tpu.memory_space<semaphore_mem>>) src(%dma_wait3A_24 : memref<640x64xf32, #tpu.memory_space<hbm>>) dst(%dma_wait3A_21 : memref<640x64xf32, #tpu.memory_space<vmem_shared>>)
    %barrier3A = arith.constant 0 : index
    tpu.barrier barrier_id(%barrier3A)
    %mul3A = arith.constant 160 : i32
    %mul3A_25 = arith.muli %arg1, %mul3A : i32
    %add3A = arith.constant 0 : i32
    %add3A_26 = arith.addi %mul3A_25, %add3A : i32
    "tpu.region"() ({
      %run_scoped3A = tpu.sem_alloc : memref<!tpu.dma_semaphore, #tpu.memory_space<semaphore_mem>>
      %dma_start3A_164 = arith.constant 0 : i32
      %dma_start3A_165 = tpu.memref_slice %arg4[%add3A_26, %dma_start3A_164] : memref<2560x128xi32, #tpu.memory_space<hbm>> -> memref<80x128xi32, #tpu.memory_space<hbm>>
      %dma_start3A_166 = arith.constant 0 : i32
      %dma_start3A_167 = tpu.memref_slice %arg4[%add3A_26, %dma_start3A_166] : memref<2560x128xi32, #tpu.memory_space<hbm>> -> memref<80x128xi32, #tpu.memory_space<hbm>>
      tpu.enqueue_dma source(%dma_start3A_167 : memref<80x128xi32, #tpu.memory_space<hbm>>) target(%arg9 : memref<80x128xi32, #tpu.memory_space<vmem>>) target_semaphore(%run_scoped3A : memref<!tpu.dma_semaphore, #tpu.memory_space<semaphore_mem>>)
      %dma_wait3A_168 = arith.constant 0 : i32
      %dma_wait3A_169 = tpu.memref_slice %arg4[%add3A_26, %dma_wait3A_168] : memref<2560x128xi32, #tpu.memory_space<hbm>> -> memref<80x128xi32, #tpu.memory_space<hbm>>
      %dma_wait3A_170 = arith.constant 0 : i32
      %dma_wait3A_171 = tpu.memref_slice %arg4[%add3A_26, %dma_wait3A_170] : memref<2560x128xi32, #tpu.memory_space<hbm>> -> memref<80x128xi32, #tpu.memory_space<hbm>>
      tpu.wait_dma2 semaphore(%run_scoped3A : memref<!tpu.dma_semaphore, #tpu.memory_space<semaphore_mem>>) src(%dma_wait3A_171 : memref<80x128xi32, #tpu.memory_space<hbm>>) dst(%arg9 : memref<80x128xi32, #tpu.memory_space<vmem>>)
      tpu.yield
    }) : () -> ()
    "tpu.region"() ({
      %run_scoped3A = tpu.sem_alloc : memref<!tpu.dma_semaphore, #tpu.memory_space<semaphore_mem>>
      %dma_start3A_164 = arith.constant 0 : i32
      %dma_start3A_165 = tpu.memref_slice %arg5[%add3A_26, %dma_start3A_164] : memref<2560x128xi32, #tpu.memory_space<hbm>> -> memref<80x128xi32, #tpu.memory_space<hbm>>
      %dma_start3A_166 = arith.constant 0 : i32
      %dma_start3A_167 = tpu.memref_slice %arg5[%add3A_26, %dma_start3A_166] : memref<2560x128xi32, #tpu.memory_space<hbm>> -> memref<80x128xi32, #tpu.memory_space<hbm>>
      tpu.enqueue_dma source(%dma_start3A_167 : memref<80x128xi32, #tpu.memory_space<hbm>>) target(%arg10 : memref<80x128xi32, #tpu.memory_space<vmem>>) target_semaphore(%run_scoped3A : memref<!tpu.dma_semaphore, #tpu.memory_space<semaphore_mem>>)
      %dma_wait3A_168 = arith.constant 0 : i32
      %dma_wait3A_169 = tpu.memref_slice %arg5[%add3A_26, %dma_wait3A_168] : memref<2560x128xi32, #tpu.memory_space<hbm>> -> memref<80x128xi32, #tpu.memory_space<hbm>>
      %dma_wait3A_170 = arith.constant 0 : i32
      %dma_wait3A_171 = tpu.memref_slice %arg5[%add3A_26, %dma_wait3A_170] : memref<2560x128xi32, #tpu.memory_space<hbm>> -> memref<80x128xi32, #tpu.memory_space<hbm>>
      tpu.wait_dma2 semaphore(%run_scoped3A : memref<!tpu.dma_semaphore, #tpu.memory_space<semaphore_mem>>) src(%dma_wait3A_171 : memref<80x128xi32, #tpu.memory_space<hbm>>) dst(%arg10 : memref<80x128xi32, #tpu.memory_space<vmem>>)
      tpu.yield
    }) : () -> ()
    %dma_start3A = arith.constant 0 : i32
    %dma_start3A_27 = arith.constant 0 : i32
    %dma_start3A_28 = tpu.memref_slice %arg9[%dma_start3A, %dma_start3A_27] : memref<80x128xi32, #tpu.memory_space<vmem>> -> memref<1x128xi32, #tpu.memory_space<vmem>>
    %dma_start3A_29 = tpu.memref_squeeze %dma_start3A_28 : memref<1x128xi32, #tpu.memory_space<vmem>> -> memref<128xi32, #tpu.memory_space<vmem>>
    %dma_start3A_30 = arith.constant 0 : i32
    %dma_start3A_31 = arith.constant 0 : i32
    %dma_start3A_32 = tpu.memref_slice %arg8[%dma_start3A_30, %dma_start3A_31] : memref<10240x64xf32, #tpu.memory_space<vmem_shared>> -> memref<10240x64xf32, #tpu.memory_space<vmem_shared>>
    tpu.enqueue_indirect_dma source(%dma_start3A_32 : memref<10240x64xf32, #tpu.memory_space<vmem_shared>>) target(%arg11 : memref<128x64xf32, #tpu.memory_space<vmem>>) offsets(%dma_start3A_29 : memref<128xi32, #tpu.memory_space<vmem>>) semaphore(%arg13 : memref<!tpu.dma_semaphore, #tpu.memory_space<semaphore_mem>>)
    %dma_start3A_33 = arith.constant 1 : i32
    %dma_start3A_34 = arith.constant 0 : i32
    %dma_start3A_35 = tpu.memref_slice %arg9[%dma_start3A_33, %dma_start3A_34] : memref<80x128xi32, #tpu.memory_space<vmem>> -> memref<1x128xi32, #tpu.memory_space<vmem>>
    %dma_start3A_36 = tpu.memref_squeeze %dma_start3A_35 : memref<1x128xi32, #tpu.memory_space<vmem>> -> memref<128xi32, #tpu.memory_space<vmem>>
    %dma_start3A_37 = arith.constant 0 : i32
    %dma_start3A_38 = arith.constant 0 : i32
    %dma_start3A_39 = tpu.memref_slice %arg8[%dma_start3A_37, %dma_start3A_38] : memref<10240x64xf32, #tpu.memory_space<vmem_shared>> -> memref<10240x64xf32, #tpu.memory_space<vmem_shared>>
    tpu.enqueue_indirect_dma source(%dma_start3A_39 : memref<10240x64xf32, #tpu.memory_space<vmem_shared>>) target(%arg12 : memref<128x64xf32, #tpu.memory_space<vmem>>) offsets(%dma_start3A_36 : memref<128xi32, #tpu.memory_space<vmem>>) semaphore(%arg14 : memref<!tpu.dma_semaphore, #tpu.memory_space<semaphore_mem>>)
    %scan3A_40 = arith.constant 0 : i32
    %scan3A_41 = arith.constant 0 : i32
    %scan3A_42 = arith.constant 39 : i32
    %scan3A_43 = arith.addi %scan3A_41, %scan3A_42 : i32
    %scan3A_44 = arith.constant 1 : i32
    %scan3A_45 = scf.for %scan3A_164 = %scan3A_41 to %scan3A_43 step %scan3A_44 iter_args(%scan3A_165 = %scan3A_40) -> (i32)  : i32 {
      %dma_wait3A_166 = arith.constant 0 : i32
      %dma_wait3A_167 = arith.constant 0 : i32
      %dma_wait3A_168 = tpu.memref_slice %arg9[%dma_wait3A_166, %dma_wait3A_167] : memref<80x128xi32, #tpu.memory_space<vmem>> -> memref<1x128xi32, #tpu.memory_space<vmem>>
      %dma_wait3A_169 = tpu.memref_squeeze %dma_wait3A_168 : memref<1x128xi32, #tpu.memory_space<vmem>> -> memref<128xi32, #tpu.memory_space<vmem>>
      %dma_wait3A_170 = arith.constant 0 : i32
      %dma_wait3A_171 = arith.constant 0 : i32
      %dma_wait3A_172 = tpu.memref_slice %arg8[%dma_wait3A_170, %dma_wait3A_171] : memref<10240x64xf32, #tpu.memory_space<vmem_shared>> -> memref<10240x64xf32, #tpu.memory_space<vmem_shared>>
      tpu.wait_indirect_dma semaphore(%arg13 : memref<!tpu.dma_semaphore, #tpu.memory_space<semaphore_mem>>) src(%dma_wait3A_172 : memref<10240x64xf32, #tpu.memory_space<vmem_shared>>) dst(%arg11 : memref<128x64xf32, #tpu.memory_space<vmem>>)
      %mul3A_173 = arith.constant 2 : i32
      %mul3A_174 = arith.muli %scan3A_164, %mul3A_173 : i32
      %add3A_175 = arith.constant 0 : i32
      %add3A_176 = arith.addi %mul3A_174, %add3A_175 : i32
      %dma_start3A_177 = arith.constant 0 : i32
      %dma_start3A_178 = tpu.memref_slice %arg10[%add3A_176, %dma_start3A_177] : memref<80x128xi32, #tpu.memory_space<vmem>> -> memref<1x128xi32, #tpu.memory_space<vmem>>
      %dma_start3A_179 = tpu.memref_squeeze %dma_start3A_178 : memref<1x128xi32, #tpu.memory_space<vmem>> -> memref<128xi32, #tpu.memory_space<vmem>>
      %dma_start3A_180 = arith.constant 0 : i32
      %dma_start3A_181 = arith.constant 0 : i32
      %dma_start3A_182 = tpu.memref_slice %arg7[%dma_start3A_180, %dma_start3A_181] : memref<10240x64xf32, #tpu.memory_space<vmem_shared>> -> memref<10240x64xf32, #tpu.memory_space<vmem_shared>>
      tpu.enqueue_indirect_dma source(%arg11 : memref<128x64xf32, #tpu.memory_space<vmem>>) target(%dma_start3A_182 : memref<10240x64xf32, #tpu.memory_space<vmem_shared>>) offsets(%dma_start3A_179 : memref<128xi32, #tpu.memory_space<vmem>>) semaphore(%arg15 : memref<!tpu.dma_semaphore, #tpu.memory_space<semaphore_mem>>) {add = true}
      %dma_wait3A_183 = arith.constant 0 : i32
      %dma_wait3A_184 = arith.constant 0 : i32
      %dma_wait3A_185 = tpu.memref_slice %arg9[%dma_wait3A_183, %dma_wait3A_184] : memref<80x128xi32, #tpu.memory_space<vmem>> -> memref<1x128xi32, #tpu.memory_space<vmem>>
      %dma_wait3A_186 = tpu.memref_squeeze %dma_wait3A_185 : memref<1x128xi32, #tpu.memory_space<vmem>> -> memref<128xi32, #tpu.memory_space<vmem>>
      %dma_wait3A_187 = arith.constant 0 : i32
      %dma_wait3A_188 = arith.constant 0 : i32
      %dma_wait3A_189 = tpu.memref_slice %arg8[%dma_wait3A_187, %dma_wait3A_188] : memref<10240x64xf32, #tpu.memory_space<vmem_shared>> -> memref<10240x64xf32, #tpu.memory_space<vmem_shared>>
      tpu.wait_indirect_dma semaphore(%arg14 : memref<!tpu.dma_semaphore, #tpu.memory_space<semaphore_mem>>) src(%dma_wait3A_189 : memref<10240x64xf32, #tpu.memory_space<vmem_shared>>) dst(%arg12 : memref<128x64xf32, #tpu.memory_space<vmem>>)
      %mul3A_190 = arith.constant 2 : i32
      %mul3A_191 = arith.muli %scan3A_164, %mul3A_190 : i32
      %add3A_192 = arith.constant 1 : i32
      %add3A_193 = arith.addi %mul3A_191, %add3A_192 : i32
      %dma_start3A_194 = arith.constant 0 : i32
      %dma_start3A_195 = tpu.memref_slice %arg10[%add3A_193, %dma_start3A_194] : memref<80x128xi32, #tpu.memory_space<vmem>> -> memref<1x128xi32, #tpu.memory_space<vmem>>
      %dma_start3A_196 = tpu.memref_squeeze %dma_start3A_195 : memref<1x128xi32, #tpu.memory_space<vmem>> -> memref<128xi32, #tpu.memory_space<vmem>>
      %dma_start3A_197 = arith.constant 0 : i32
      %dma_start3A_198 = arith.constant 0 : i32
      %dma_start3A_199 = tpu.memref_slice %arg7[%dma_start3A_197, %dma_start3A_198] : memref<10240x64xf32, #tpu.memory_space<vmem_shared>> -> memref<10240x64xf32, #tpu.memory_space<vmem_shared>>
      tpu.enqueue_indirect_dma source(%arg12 : memref<128x64xf32, #tpu.memory_space<vmem>>) target(%dma_start3A_199 : memref<10240x64xf32, #tpu.memory_space<vmem_shared>>) offsets(%dma_start3A_196 : memref<128xi32, #tpu.memory_space<vmem>>) semaphore(%arg16 : memref<!tpu.dma_semaphore, #tpu.memory_space<semaphore_mem>>) {add = true}
      %dma_wait3A_200 = arith.constant 0 : i32
      %dma_wait3A_201 = arith.constant 0 : i32
      %dma_wait3A_202 = tpu.memref_slice %arg10[%dma_wait3A_200, %dma_wait3A_201] : memref<80x128xi32, #tpu.memory_space<vmem>> -> memref<1x128xi32, #tpu.memory_space<vmem>>
      %dma_wait3A_203 = tpu.memref_squeeze %dma_wait3A_202 : memref<1x128xi32, #tpu.memory_space<vmem>> -> memref<128xi32, #tpu.memory_space<vmem>>
      %dma_wait3A_204 = arith.constant 0 : i32
      %dma_wait3A_205 = arith.constant 0 : i32
      %dma_wait3A_206 = tpu.memref_slice %arg7[%dma_wait3A_204, %dma_wait3A_205] : memref<10240x64xf32, #tpu.memory_space<vmem_shared>> -> memref<10240x64xf32, #tpu.memory_space<vmem_shared>>
      tpu.wait_indirect_dma semaphore(%arg15 : memref<!tpu.dma_semaphore, #tpu.memory_space<semaphore_mem>>) src(%arg11 : memref<128x64xf32, #tpu.memory_space<vmem>>) dst(%dma_wait3A_206 : memref<10240x64xf32, #tpu.memory_space<vmem_shared>>)
      %add3A_207 = arith.constant 1 : i32
      %add3A_208 = arith.addi %scan3A_164, %add3A_207 : i32
      %mul3A_209 = arith.constant 2 : i32
      %mul3A_210 = arith.muli %add3A_208, %mul3A_209 : i32
      %add3A_211 = arith.constant 0 : i32
      %add3A_212 = arith.addi %mul3A_210, %add3A_211 : i32
      %dma_start3A_213 = arith.constant 0 : i32
      %dma_start3A_214 = tpu.memref_slice %arg9[%add3A_212, %dma_start3A_213] : memref<80x128xi32, #tpu.memory_space<vmem>> -> memref<1x128xi32, #tpu.memory_space<vmem>>
      %dma_start3A_215 = tpu.memref_squeeze %dma_start3A_214 : memref<1x128xi32, #tpu.memory_space<vmem>> -> memref<128xi32, #tpu.memory_space<vmem>>
      %dma_start3A_216 = arith.constant 0 : i32
      %dma_start3A_217 = arith.constant 0 : i32
      %dma_start3A_218 = tpu.memref_slice %arg8[%dma_start3A_216, %dma_start3A_217] : memref<10240x64xf32, #tpu.memory_space<vmem_shared>> -> memref<10240x64xf32, #tpu.memory_space<vmem_shared>>
      tpu.enqueue_indirect_dma source(%dma_start3A_218 : memref<10240x64xf32, #tpu.memory_space<vmem_shared>>) target(%arg11 : memref<128x64xf32, #tpu.memory_space<vmem>>) offsets(%dma_start3A_215 : memref<128xi32, #tpu.memory_space<vmem>>) semaphore(%arg13 : memref<!tpu.dma_semaphore, #tpu.memory_space<semaphore_mem>>)
      %dma_wait3A_219 = arith.constant 0 : i32
      %dma_wait3A_220 = arith.constant 0 : i32
      %dma_wait3A_221 = tpu.memref_slice %arg10[%dma_wait3A_219, %dma_wait3A_220] : memref<80x128xi32, #tpu.memory_space<vmem>> -> memref<1x128xi32, #tpu.memory_space<vmem>>
      %dma_wait3A_222 = tpu.memref_squeeze %dma_wait3A_221 : memref<1x128xi32, #tpu.memory_space<vmem>> -> memref<128xi32, #tpu.memory_space<vmem>>
      %dma_wait3A_223 = arith.constant 0 : i32
      %dma_wait3A_224 = arith.constant 0 : i32
      %dma_wait3A_225 = tpu.memref_slice %arg7[%dma_wait3A_223, %dma_wait3A_224] : memref<10240x64xf32, #tpu.memory_space<vmem_shared>> -> memref<10240x64xf32, #tpu.memory_space<vmem_shared>>
      tpu.wait_indirect_dma semaphore(%arg16 : memref<!tpu.dma_semaphore, #tpu.memory_space<semaphore_mem>>) src(%arg12 : memref<128x64xf32, #tpu.memory_space<vmem>>) dst(%dma_wait3A_225 : memref<10240x64xf32, #tpu.memory_space<vmem_shared>>)
      %add3A_226 = arith.constant 1 : i32
      %add3A_227 = arith.addi %scan3A_164, %add3A_226 : i32
      %mul3A_228 = arith.constant 2 : i32
      %mul3A_229 = arith.muli %add3A_227, %mul3A_228 : i32
      %add3A_230 = arith.constant 1 : i32
      %add3A_231 = arith.addi %mul3A_229, %add3A_230 : i32
      %dma_start3A_232 = arith.constant 0 : i32
      %dma_start3A_233 = tpu.memref_slice %arg9[%add3A_231, %dma_start3A_232] : memref<80x128xi32, #tpu.memory_space<vmem>> -> memref<1x128xi32, #tpu.memory_space<vmem>>
      %dma_start3A_234 = tpu.memref_squeeze %dma_start3A_233 : memref<1x128xi32, #tpu.memory_space<vmem>> -> memref<128xi32, #tpu.memory_space<vmem>>
      %dma_start3A_235 = arith.constant 0 : i32
      %dma_start3A_236 = arith.constant 0 : i32
      %dma_start3A_237 = tpu.memref_slice %arg8[%dma_start3A_235, %dma_start3A_236] : memref<10240x64xf32, #tpu.memory_space<vmem_shared>> -> memref<10240x64xf32, #tpu.memory_space<vmem_shared>>
      tpu.enqueue_indirect_dma source(%dma_start3A_237 : memref<10240x64xf32, #tpu.memory_space<vmem_shared>>) target(%arg12 : memref<128x64xf32, #tpu.memory_space<vmem>>) offsets(%dma_start3A_234 : memref<128xi32, #tpu.memory_space<vmem>>) semaphore(%arg14 : memref<!tpu.dma_semaphore, #tpu.memory_space<semaphore_mem>>)
      %scan3A_238 = arith.constant 0 : i32
      scf.yield %scan3A_238 : i32
    }
    %scan3A_46 = arith.constant 39 : i32
    %dma_wait3A_47 = arith.constant 0 : i32
    %dma_wait3A_48 = arith.constant 0 : i32
    %dma_wait3A_49 = tpu.memref_slice %arg9[%dma_wait3A_47, %dma_wait3A_48] : memref<80x128xi32, #tpu.memory_space<vmem>> -> memref<1x128xi32, #tpu.memory_space<vmem>>
    %dma_wait3A_50 = tpu.memref_squeeze %dma_wait3A_49 : memref<1x128xi32, #tpu.memory_space<vmem>> -> memref<128xi32, #tpu.memory_space<vmem>>
    %dma_wait3A_51 = arith.constant 0 : i32
    %dma_wait3A_52 = arith.constant 0 : i32
    %dma_wait3A_53 = tpu.memref_slice %arg8[%dma_wait3A_51, %dma_wait3A_52] : memref<10240x64xf32, #tpu.memory_space<vmem_shared>> -> memref<10240x64xf32, #tpu.memory_space<vmem_shared>>
    tpu.wait_indirect_dma semaphore(%arg13 : memref<!tpu.dma_semaphore, #tpu.memory_space<semaphore_mem>>) src(%dma_wait3A_53 : memref<10240x64xf32, #tpu.memory_space<vmem_shared>>) dst(%arg11 : memref<128x64xf32, #tpu.memory_space<vmem>>)
    %dma_start3A_54 = arith.constant 78 : i32
    %dma_start3A_55 = arith.constant 0 : i32
    %dma_start3A_56 = tpu.memref_slice %arg10[%dma_start3A_54, %dma_start3A_55] : memref<80x128xi32, #tpu.memory_space<vmem>> -> memref<1x128xi32, #tpu.memory_space<vmem>>
    %dma_start3A_57 = tpu.memref_squeeze %dma_start3A_56 : memref<1x128xi32, #tpu.memory_space<vmem>> -> memref<128xi32, #tpu.memory_space<vmem>>
    %dma_start3A_58 = arith.constant 0 : i32
    %dma_start3A_59 = arith.constant 0 : i32
    %dma_start3A_60 = tpu.memref_slice %arg7[%dma_start3A_58, %dma_start3A_59] : memref<10240x64xf32, #tpu.memory_space<vmem_shared>> -> memref<10240x64xf32, #tpu.memory_space<vmem_shared>>
    tpu.enqueue_indirect_dma source(%arg11 : memref<128x64xf32, #tpu.memory_space<vmem>>) target(%dma_start3A_60 : memref<10240x64xf32, #tpu.memory_space<vmem_shared>>) offsets(%dma_start3A_57 : memref<128xi32, #tpu.memory_space<vmem>>) semaphore(%arg15 : memref<!tpu.dma_semaphore, #tpu.memory_space<semaphore_mem>>) {add = true}
    %dma_wait3A_61 = arith.constant 0 : i32
    %dma_wait3A_62 = arith.constant 0 : i32
    %dma_wait3A_63 = tpu.memref_slice %arg9[%dma_wait3A_61, %dma_wait3A_62] : memref<80x128xi32, #tpu.memory_space<vmem>> -> memref<1x128xi32, #tpu.memory_space<vmem>>
    %dma_wait3A_64 = tpu.memref_squeeze %dma_wait3A_63 : memref<1x128xi32, #tpu.memory_space<vmem>> -> memref<128xi32, #tpu.memory_space<vmem>>
    %dma_wait3A_65 = arith.constant 0 : i32
    %dma_wait3A_66 = arith.constant 0 : i32
    %dma_wait3A_67 = tpu.memref_slice %arg8[%dma_wait3A_65, %dma_wait3A_66] : memref<10240x64xf32, #tpu.memory_space<vmem_shared>> -> memref<10240x64xf32, #tpu.memory_space<vmem_shared>>
    tpu.wait_indirect_dma semaphore(%arg14 : memref<!tpu.dma_semaphore, #tpu.memory_space<semaphore_mem>>) src(%dma_wait3A_67 : memref<10240x64xf32, #tpu.memory_space<vmem_shared>>) dst(%arg12 : memref<128x64xf32, #tpu.memory_space<vmem>>)
    %dma_start3A_68 = arith.constant 79 : i32
    %dma_start3A_69 = arith.constant 0 : i32
    %dma_start3A_70 = tpu.memref_slice %arg10[%dma_start3A_68, %dma_start3A_69] : memref<80x128xi32, #tpu.memory_space<vmem>> -> memref<1x128xi32, #tpu.memory_space<vmem>>
    %dma_start3A_71 = tpu.memref_squeeze %dma_start3A_70 : memref<1x128xi32, #tpu.memory_space<vmem>> -> memref<128xi32, #tpu.memory_space<vmem>>
    %dma_start3A_72 = arith.constant 0 : i32
    %dma_start3A_73 = arith.constant 0 : i32
    %dma_start3A_74 = tpu.memref_slice %arg7[%dma_start3A_72, %dma_start3A_73] : memref<10240x64xf32, #tpu.memory_space<vmem_shared>> -> memref<10240x64xf32, #tpu.memory_space<vmem_shared>>
    tpu.enqueue_indirect_dma source(%arg12 : memref<128x64xf32, #tpu.memory_space<vmem>>) target(%dma_start3A_74 : memref<10240x64xf32, #tpu.memory_space<vmem_shared>>) offsets(%dma_start3A_71 : memref<128xi32, #tpu.memory_space<vmem>>) semaphore(%arg16 : memref<!tpu.dma_semaphore, #tpu.memory_space<semaphore_mem>>) {add = true}
    %dma_wait3A_75 = arith.constant 0 : i32
    %dma_wait3A_76 = arith.constant 0 : i32
    %dma_wait3A_77 = tpu.memref_slice %arg10[%dma_wait3A_75, %dma_wait3A_76] : memref<80x128xi32, #tpu.memory_space<vmem>> -> memref<1x128xi32, #tpu.memory_space<vmem>>
    %dma_wait3A_78 = tpu.memref_squeeze %dma_wait3A_77 : memref<1x128xi32, #tpu.memory_space<vmem>> -> memref<128xi32, #tpu.memory_space<vmem>>
    %dma_wait3A_79 = arith.constant 0 : i32
    %dma_wait3A_80 = arith.constant 0 : i32
    %dma_wait3A_81 = tpu.memref_slice %arg7[%dma_wait3A_79, %dma_wait3A_80] : memref<10240x64xf32, #tpu.memory_space<vmem_shared>> -> memref<10240x64xf32, #tpu.memory_space<vmem_shared>>
    tpu.wait_indirect_dma semaphore(%arg15 : memref<!tpu.dma_semaphore, #tpu.memory_space<semaphore_mem>>) src(%arg11 : memref<128x64xf32, #tpu.memory_space<vmem>>) dst(%dma_wait3A_81 : memref<10240x64xf32, #tpu.memory_space<vmem_shared>>)
    %dma_wait3A_82 = arith.constant 0 : i32
    %dma_wait3A_83 = arith.constant 0 : i32
    %dma_wait3A_84 = tpu.memref_slice %arg10[%dma_wait3A_82, %dma_wait3A_83] : memref<80x128xi32, #tpu.memory_space<vmem>> -> memref<1x128xi32, #tpu.memory_space<vmem>>
    %dma_wait3A_85 = tpu.memref_squeeze %dma_wait3A_84 : memref<1x128xi32, #tpu.memory_space<vmem>> -> memref<128xi32, #tpu.memory_space<vmem>>
    %dma_wait3A_86 = arith.constant 0 : i32
    %dma_wait3A_87 = arith.constant 0 : i32
    %dma_wait3A_88 = tpu.memref_slice %arg7[%dma_wait3A_86, %dma_wait3A_87] : memref<10240x64xf32, #tpu.memory_space<vmem_shared>> -> memref<10240x64xf32, #tpu.memory_space<vmem_shared>>
    tpu.wait_indirect_dma semaphore(%arg16 : memref<!tpu.dma_semaphore, #tpu.memory_space<semaphore_mem>>) src(%arg12 : memref<128x64xf32, #tpu.memory_space<vmem>>) dst(%dma_wait3A_88 : memref<10240x64xf32, #tpu.memory_space<vmem_shared>>)
    %mul3A_89 = arith.constant 160 : i32
    %mul3A_90 = arith.muli %arg1, %mul3A_89 : i32
    %add3A_91 = arith.constant 80 : i32
    %add3A_92 = arith.addi %mul3A_90, %add3A_91 : i32
    "tpu.region"() ({
      %run_scoped3A = tpu.sem_alloc : memref<!tpu.dma_semaphore, #tpu.memory_space<semaphore_mem>>
      %dma_start3A_164 = arith.constant 0 : i32
      %dma_start3A_165 = tpu.memref_slice %arg4[%add3A_92, %dma_start3A_164] : memref<2560x128xi32, #tpu.memory_space<hbm>> -> memref<80x128xi32, #tpu.memory_space<hbm>>
      %dma_start3A_166 = arith.constant 0 : i32
      %dma_start3A_167 = tpu.memref_slice %arg4[%add3A_92, %dma_start3A_166] : memref<2560x128xi32, #tpu.memory_space<hbm>> -> memref<80x128xi32, #tpu.memory_space<hbm>>
      tpu.enqueue_dma source(%dma_start3A_167 : memref<80x128xi32, #tpu.memory_space<hbm>>) target(%arg9 : memref<80x128xi32, #tpu.memory_space<vmem>>) target_semaphore(%run_scoped3A : memref<!tpu.dma_semaphore, #tpu.memory_space<semaphore_mem>>)
      %dma_wait3A_168 = arith.constant 0 : i32
      %dma_wait3A_169 = tpu.memref_slice %arg4[%add3A_92, %dma_wait3A_168] : memref<2560x128xi32, #tpu.memory_space<hbm>> -> memref<80x128xi32, #tpu.memory_space<hbm>>
      %dma_wait3A_170 = arith.constant 0 : i32
      %dma_wait3A_171 = tpu.memref_slice %arg4[%add3A_92, %dma_wait3A_170] : memref<2560x128xi32, #tpu.memory_space<hbm>> -> memref<80x128xi32, #tpu.memory_space<hbm>>
      tpu.wait_dma2 semaphore(%run_scoped3A : memref<!tpu.dma_semaphore, #tpu.memory_space<semaphore_mem>>) src(%dma_wait3A_171 : memref<80x128xi32, #tpu.memory_space<hbm>>) dst(%arg9 : memref<80x128xi32, #tpu.memory_space<vmem>>)
      tpu.yield
    }) : () -> ()
    "tpu.region"() ({
      %run_scoped3A = tpu.sem_alloc : memref<!tpu.dma_semaphore, #tpu.memory_space<semaphore_mem>>
      %dma_start3A_164 = arith.constant 0 : i32
      %dma_start3A_165 = tpu.memref_slice %arg5[%add3A_92, %dma_start3A_164] : memref<2560x128xi32, #tpu.memory_space<hbm>> -> memref<80x128xi32, #tpu.memory_space<hbm>>
      %dma_start3A_166 = arith.constant 0 : i32
      %dma_start3A_167 = tpu.memref_slice %arg5[%add3A_92, %dma_start3A_166] : memref<2560x128xi32, #tpu.memory_space<hbm>> -> memref<80x128xi32, #tpu.memory_space<hbm>>
      tpu.enqueue_dma source(%dma_start3A_167 : memref<80x128xi32, #tpu.memory_space<hbm>>) target(%arg10 : memref<80x128xi32, #tpu.memory_space<vmem>>) target_semaphore(%run_scoped3A : memref<!tpu.dma_semaphore, #tpu.memory_space<semaphore_mem>>)
      %dma_wait3A_168 = arith.constant 0 : i32
      %dma_wait3A_169 = tpu.memref_slice %arg5[%add3A_92, %dma_wait3A_168] : memref<2560x128xi32, #tpu.memory_space<hbm>> -> memref<80x128xi32, #tpu.memory_space<hbm>>
      %dma_wait3A_170 = arith.constant 0 : i32
      %dma_wait3A_171 = tpu.memref_slice %arg5[%add3A_92, %dma_wait3A_170] : memref<2560x128xi32, #tpu.memory_space<hbm>> -> memref<80x128xi32, #tpu.memory_space<hbm>>
      tpu.wait_dma2 semaphore(%run_scoped3A : memref<!tpu.dma_semaphore, #tpu.memory_space<semaphore_mem>>) src(%dma_wait3A_171 : memref<80x128xi32, #tpu.memory_space<hbm>>) dst(%arg10 : memref<80x128xi32, #tpu.memory_space<vmem>>)
      tpu.yield
    }) : () -> ()
    %dma_start3A_93 = arith.constant 0 : i32
    %dma_start3A_94 = arith.constant 0 : i32
    %dma_start3A_95 = tpu.memref_slice %arg9[%dma_start3A_93, %dma_start3A_94] : memref<80x128xi32, #tpu.memory_space<vmem>> -> memref<1x128xi32, #tpu.memory_space<vmem>>
    %dma_start3A_96 = tpu.memref_squeeze %dma_start3A_95 : memref<1x128xi32, #tpu.memory_space<vmem>> -> memref<128xi32, #tpu.memory_space<vmem>>
    %dma_start3A_97 = arith.constant 0 : i32
    %dma_start3A_98 = arith.constant 0 : i32
    %dma_start3A_99 = tpu.memref_slice %arg8[%dma_start3A_97, %dma_start3A_98] : memref<10240x64xf32, #tpu.memory_space<vmem_shared>> -> memref<10240x64xf32, #tpu.memory_space<vmem_shared>>
    tpu.enqueue_indirect_dma source(%dma_start3A_99 : memref<10240x64xf32, #tpu.memory_space<vmem_shared>>) target(%arg11 : memref<128x64xf32, #tpu.memory_space<vmem>>) offsets(%dma_start3A_96 : memref<128xi32, #tpu.memory_space<vmem>>) semaphore(%arg13 : memref<!tpu.dma_semaphore, #tpu.memory_space<semaphore_mem>>)
    %dma_start3A_100 = arith.constant 1 : i32
    %dma_start3A_101 = arith.constant 0 : i32
    %dma_start3A_102 = tpu.memref_slice %arg9[%dma_start3A_100, %dma_start3A_101] : memref<80x128xi32, #tpu.memory_space<vmem>> -> memref<1x128xi32, #tpu.memory_space<vmem>>
    %dma_start3A_103 = tpu.memref_squeeze %dma_start3A_102 : memref<1x128xi32, #tpu.memory_space<vmem>> -> memref<128xi32, #tpu.memory_space<vmem>>
    %dma_start3A_104 = arith.constant 0 : i32
    %dma_start3A_105 = arith.constant 0 : i32
    %dma_start3A_106 = tpu.memref_slice %arg8[%dma_start3A_104, %dma_start3A_105] : memref<10240x64xf32, #tpu.memory_space<vmem_shared>> -> memref<10240x64xf32, #tpu.memory_space<vmem_shared>>
    tpu.enqueue_indirect_dma source(%dma_start3A_106 : memref<10240x64xf32, #tpu.memory_space<vmem_shared>>) target(%arg12 : memref<128x64xf32, #tpu.memory_space<vmem>>) offsets(%dma_start3A_103 : memref<128xi32, #tpu.memory_space<vmem>>) semaphore(%arg14 : memref<!tpu.dma_semaphore, #tpu.memory_space<semaphore_mem>>)
    %scan3A_107 = arith.constant 0 : i32
    %scan3A_108 = arith.constant 0 : i32
    %scan3A_109 = arith.constant 39 : i32
    %scan3A_110 = arith.addi %scan3A_108, %scan3A_109 : i32
    %scan3A_111 = arith.constant 1 : i32
    %scan3A_112 = scf.for %scan3A_164 = %scan3A_108 to %scan3A_110 step %scan3A_111 iter_args(%scan3A_165 = %scan3A_107) -> (i32)  : i32 {
      %dma_wait3A_166 = arith.constant 0 : i32
      %dma_wait3A_167 = arith.constant 0 : i32
      %dma_wait3A_168 = tpu.memref_slice %arg9[%dma_wait3A_166, %dma_wait3A_167] : memref<80x128xi32, #tpu.memory_space<vmem>> -> memref<1x128xi32, #tpu.memory_space<vmem>>
      %dma_wait3A_169 = tpu.memref_squeeze %dma_wait3A_168 : memref<1x128xi32, #tpu.memory_space<vmem>> -> memref<128xi32, #tpu.memory_space<vmem>>
      %dma_wait3A_170 = arith.constant 0 : i32
      %dma_wait3A_171 = arith.constant 0 : i32
      %dma_wait3A_172 = tpu.memref_slice %arg8[%dma_wait3A_170, %dma_wait3A_171] : memref<10240x64xf32, #tpu.memory_space<vmem_shared>> -> memref<10240x64xf32, #tpu.memory_space<vmem_shared>>
      tpu.wait_indirect_dma semaphore(%arg13 : memref<!tpu.dma_semaphore, #tpu.memory_space<semaphore_mem>>) src(%dma_wait3A_172 : memref<10240x64xf32, #tpu.memory_space<vmem_shared>>) dst(%arg11 : memref<128x64xf32, #tpu.memory_space<vmem>>)
      %mul3A_173 = arith.constant 2 : i32
      %mul3A_174 = arith.muli %scan3A_164, %mul3A_173 : i32
      %add3A_175 = arith.constant 0 : i32
      %add3A_176 = arith.addi %mul3A_174, %add3A_175 : i32
      %dma_start3A_177 = arith.constant 0 : i32
      %dma_start3A_178 = tpu.memref_slice %arg10[%add3A_176, %dma_start3A_177] : memref<80x128xi32, #tpu.memory_space<vmem>> -> memref<1x128xi32, #tpu.memory_space<vmem>>
      %dma_start3A_179 = tpu.memref_squeeze %dma_start3A_178 : memref<1x128xi32, #tpu.memory_space<vmem>> -> memref<128xi32, #tpu.memory_space<vmem>>
      %dma_start3A_180 = arith.constant 0 : i32
      %dma_start3A_181 = arith.constant 0 : i32
      %dma_start3A_182 = tpu.memref_slice %arg7[%dma_start3A_180, %dma_start3A_181] : memref<10240x64xf32, #tpu.memory_space<vmem_shared>> -> memref<10240x64xf32, #tpu.memory_space<vmem_shared>>
      tpu.enqueue_indirect_dma source(%arg11 : memref<128x64xf32, #tpu.memory_space<vmem>>) target(%dma_start3A_182 : memref<10240x64xf32, #tpu.memory_space<vmem_shared>>) offsets(%dma_start3A_179 : memref<128xi32, #tpu.memory_space<vmem>>) semaphore(%arg15 : memref<!tpu.dma_semaphore, #tpu.memory_space<semaphore_mem>>) {add = true}
      %dma_wait3A_183 = arith.constant 0 : i32
      %dma_wait3A_184 = arith.constant 0 : i32
      %dma_wait3A_185 = tpu.memref_slice %arg9[%dma_wait3A_183, %dma_wait3A_184] : memref<80x128xi32, #tpu.memory_space<vmem>> -> memref<1x128xi32, #tpu.memory_space<vmem>>
      %dma_wait3A_186 = tpu.memref_squeeze %dma_wait3A_185 : memref<1x128xi32, #tpu.memory_space<vmem>> -> memref<128xi32, #tpu.memory_space<vmem>>
      %dma_wait3A_187 = arith.constant 0 : i32
      %dma_wait3A_188 = arith.constant 0 : i32
      %dma_wait3A_189 = tpu.memref_slice %arg8[%dma_wait3A_187, %dma_wait3A_188] : memref<10240x64xf32, #tpu.memory_space<vmem_shared>> -> memref<10240x64xf32, #tpu.memory_space<vmem_shared>>
      tpu.wait_indirect_dma semaphore(%arg14 : memref<!tpu.dma_semaphore, #tpu.memory_space<semaphore_mem>>) src(%dma_wait3A_189 : memref<10240x64xf32, #tpu.memory_space<vmem_shared>>) dst(%arg12 : memref<128x64xf32, #tpu.memory_space<vmem>>)
      %mul3A_190 = arith.constant 2 : i32
      %mul3A_191 = arith.muli %scan3A_164, %mul3A_190 : i32
      %add3A_192 = arith.constant 1 : i32
      %add3A_193 = arith.addi %mul3A_191, %add3A_192 : i32
      %dma_start3A_194 = arith.constant 0 : i32
      %dma_start3A_195 = tpu.memref_slice %arg10[%add3A_193, %dma_start3A_194] : memref<80x128xi32, #tpu.memory_space<vmem>> -> memref<1x128xi32, #tpu.memory_space<vmem>>
      %dma_start3A_196 = tpu.memref_squeeze %dma_start3A_195 : memref<1x128xi32, #tpu.memory_space<vmem>> -> memref<128xi32, #tpu.memory_space<vmem>>
      %dma_start3A_197 = arith.constant 0 : i32
      %dma_start3A_198 = arith.constant 0 : i32
      %dma_start3A_199 = tpu.memref_slice %arg7[%dma_start3A_197, %dma_start3A_198] : memref<10240x64xf32, #tpu.memory_space<vmem_shared>> -> memref<10240x64xf32, #tpu.memory_space<vmem_shared>>
      tpu.enqueue_indirect_dma source(%arg12 : memref<128x64xf32, #tpu.memory_space<vmem>>) target(%dma_start3A_199 : memref<10240x64xf32, #tpu.memory_space<vmem_shared>>) offsets(%dma_start3A_196 : memref<128xi32, #tpu.memory_space<vmem>>) semaphore(%arg16 : memref<!tpu.dma_semaphore, #tpu.memory_space<semaphore_mem>>) {add = true}
      %dma_wait3A_200 = arith.constant 0 : i32
      %dma_wait3A_201 = arith.constant 0 : i32
      %dma_wait3A_202 = tpu.memref_slice %arg10[%dma_wait3A_200, %dma_wait3A_201] : memref<80x128xi32, #tpu.memory_space<vmem>> -> memref<1x128xi32, #tpu.memory_space<vmem>>
      %dma_wait3A_203 = tpu.memref_squeeze %dma_wait3A_202 : memref<1x128xi32, #tpu.memory_space<vmem>> -> memref<128xi32, #tpu.memory_space<vmem>>
      %dma_wait3A_204 = arith.constant 0 : i32
      %dma_wait3A_205 = arith.constant 0 : i32
      %dma_wait3A_206 = tpu.memref_slice %arg7[%dma_wait3A_204, %dma_wait3A_205] : memref<10240x64xf32, #tpu.memory_space<vmem_shared>> -> memref<10240x64xf32, #tpu.memory_space<vmem_shared>>
      tpu.wait_indirect_dma semaphore(%arg15 : memref<!tpu.dma_semaphore, #tpu.memory_space<semaphore_mem>>) src(%arg11 : memref<128x64xf32, #tpu.memory_space<vmem>>) dst(%dma_wait3A_206 : memref<10240x64xf32, #tpu.memory_space<vmem_shared>>)
      %add3A_207 = arith.constant 1 : i32
      %add3A_208 = arith.addi %scan3A_164, %add3A_207 : i32
      %mul3A_209 = arith.constant 2 : i32
      %mul3A_210 = arith.muli %add3A_208, %mul3A_209 : i32
      %add3A_211 = arith.constant 0 : i32
      %add3A_212 = arith.addi %mul3A_210, %add3A_211 : i32
      %dma_start3A_213 = arith.constant 0 : i32
      %dma_start3A_214 = tpu.memref_slice %arg9[%add3A_212, %dma_start3A_213] : memref<80x128xi32, #tpu.memory_space<vmem>> -> memref<1x128xi32, #tpu.memory_space<vmem>>
      %dma_start3A_215 = tpu.memref_squeeze %dma_start3A_214 : memref<1x128xi32, #tpu.memory_space<vmem>> -> memref<128xi32, #tpu.memory_space<vmem>>
      %dma_start3A_216 = arith.constant 0 : i32
      %dma_start3A_217 = arith.constant 0 : i32
      %dma_start3A_218 = tpu.memref_slice %arg8[%dma_start3A_216, %dma_start3A_217] : memref<10240x64xf32, #tpu.memory_space<vmem_shared>> -> memref<10240x64xf32, #tpu.memory_space<vmem_shared>>
      tpu.enqueue_indirect_dma source(%dma_start3A_218 : memref<10240x64xf32, #tpu.memory_space<vmem_shared>>) target(%arg11 : memref<128x64xf32, #tpu.memory_space<vmem>>) offsets(%dma_start3A_215 : memref<128xi32, #tpu.memory_space<vmem>>) semaphore(%arg13 : memref<!tpu.dma_semaphore, #tpu.memory_space<semaphore_mem>>)
      %dma_wait3A_219 = arith.constant 0 : i32
      %dma_wait3A_220 = arith.constant 0 : i32
      %dma_wait3A_221 = tpu.memref_slice %arg10[%dma_wait3A_219, %dma_wait3A_220] : memref<80x128xi32, #tpu.memory_space<vmem>> -> memref<1x128xi32, #tpu.memory_space<vmem>>
      %dma_wait3A_222 = tpu.memref_squeeze %dma_wait3A_221 : memref<1x128xi32, #tpu.memory_space<vmem>> -> memref<128xi32, #tpu.memory_space<vmem>>
      %dma_wait3A_223 = arith.constant 0 : i32
      %dma_wait3A_224 = arith.constant 0 : i32
      %dma_wait3A_225 = tpu.memref_slice %arg7[%dma_wait3A_223, %dma_wait3A_224] : memref<10240x64xf32, #tpu.memory_space<vmem_shared>> -> memref<10240x64xf32, #tpu.memory_space<vmem_shared>>
      tpu.wait_indirect_dma semaphore(%arg16 : memref<!tpu.dma_semaphore, #tpu.memory_space<semaphore_mem>>) src(%arg12 : memref<128x64xf32, #tpu.memory_space<vmem>>) dst(%dma_wait3A_225 : memref<10240x64xf32, #tpu.memory_space<vmem_shared>>)
      %add3A_226 = arith.constant 1 : i32
      %add3A_227 = arith.addi %scan3A_164, %add3A_226 : i32
      %mul3A_228 = arith.constant 2 : i32
      %mul3A_229 = arith.muli %add3A_227, %mul3A_228 : i32
      %add3A_230 = arith.constant 1 : i32
      %add3A_231 = arith.addi %mul3A_229, %add3A_230 : i32
      %dma_start3A_232 = arith.constant 0 : i32
      %dma_start3A_233 = tpu.memref_slice %arg9[%add3A_231, %dma_start3A_232] : memref<80x128xi32, #tpu.memory_space<vmem>> -> memref<1x128xi32, #tpu.memory_space<vmem>>
      %dma_start3A_234 = tpu.memref_squeeze %dma_start3A_233 : memref<1x128xi32, #tpu.memory_space<vmem>> -> memref<128xi32, #tpu.memory_space<vmem>>
      %dma_start3A_235 = arith.constant 0 : i32
      %dma_start3A_236 = arith.constant 0 : i32
      %dma_start3A_237 = tpu.memref_slice %arg8[%dma_start3A_235, %dma_start3A_236] : memref<10240x64xf32, #tpu.memory_space<vmem_shared>> -> memref<10240x64xf32, #tpu.memory_space<vmem_shared>>
      tpu.enqueue_indirect_dma source(%dma_start3A_237 : memref<10240x64xf32, #tpu.memory_space<vmem_shared>>) target(%arg12 : memref<128x64xf32, #tpu.memory_space<vmem>>) offsets(%dma_start3A_234 : memref<128xi32, #tpu.memory_space<vmem>>) semaphore(%arg14 : memref<!tpu.dma_semaphore, #tpu.memory_space<semaphore_mem>>)
      %scan3A_238 = arith.constant 0 : i32
      scf.yield %scan3A_238 : i32
    }
    %scan3A_113 = arith.constant 39 : i32
    %dma_wait3A_114 = arith.constant 0 : i32
    %dma_wait3A_115 = arith.constant 0 : i32
    %dma_wait3A_116 = tpu.memref_slice %arg9[%dma_wait3A_114, %dma_wait3A_115] : memref<80x128xi32, #tpu.memory_space<vmem>> -> memref<1x128xi32, #tpu.memory_space<vmem>>
    %dma_wait3A_117 = tpu.memref_squeeze %dma_wait3A_116 : memref<1x128xi32, #tpu.memory_space<vmem>> -> memref<128xi32, #tpu.memory_space<vmem>>
    %dma_wait3A_118 = arith.constant 0 : i32
    %dma_wait3A_119 = arith.constant 0 : i32
    %dma_wait3A_120 = tpu.memref_slice %arg8[%dma_wait3A_118, %dma_wait3A_119] : memref<10240x64xf32, #tpu.memory_space<vmem_shared>> -> memref<10240x64xf32, #tpu.memory_space<vmem_shared>>
    tpu.wait_indirect_dma semaphore(%arg13 : memref<!tpu.dma_semaphore, #tpu.memory_space<semaphore_mem>>) src(%dma_wait3A_120 : memref<10240x64xf32, #tpu.memory_space<vmem_shared>>) dst(%arg11 : memref<128x64xf32, #tpu.memory_space<vmem>>)
    %dma_start3A_121 = arith.constant 78 : i32
    %dma_start3A_122 = arith.constant 0 : i32
    %dma_start3A_123 = tpu.memref_slice %arg10[%dma_start3A_121, %dma_start3A_122] : memref<80x128xi32, #tpu.memory_space<vmem>> -> memref<1x128xi32, #tpu.memory_space<vmem>>
    %dma_start3A_124 = tpu.memref_squeeze %dma_start3A_123 : memref<1x128xi32, #tpu.memory_space<vmem>> -> memref<128xi32, #tpu.memory_space<vmem>>
    %dma_start3A_125 = arith.constant 0 : i32
    %dma_start3A_126 = arith.constant 0 : i32
    %dma_start3A_127 = tpu.memref_slice %arg7[%dma_start3A_125, %dma_start3A_126] : memref<10240x64xf32, #tpu.memory_space<vmem_shared>> -> memref<10240x64xf32, #tpu.memory_space<vmem_shared>>
    tpu.enqueue_indirect_dma source(%arg11 : memref<128x64xf32, #tpu.memory_space<vmem>>) target(%dma_start3A_127 : memref<10240x64xf32, #tpu.memory_space<vmem_shared>>) offsets(%dma_start3A_124 : memref<128xi32, #tpu.memory_space<vmem>>) semaphore(%arg15 : memref<!tpu.dma_semaphore, #tpu.memory_space<semaphore_mem>>) {add = true}
    %dma_wait3A_128 = arith.constant 0 : i32
    %dma_wait3A_129 = arith.constant 0 : i32
    %dma_wait3A_130 = tpu.memref_slice %arg9[%dma_wait3A_128, %dma_wait3A_129] : memref<80x128xi32, #tpu.memory_space<vmem>> -> memref<1x128xi32, #tpu.memory_space<vmem>>
    %dma_wait3A_131 = tpu.memref_squeeze %dma_wait3A_130 : memref<1x128xi32, #tpu.memory_space<vmem>> -> memref<128xi32, #tpu.memory_space<vmem>>
    %dma_wait3A_132 = arith.constant 0 : i32
    %dma_wait3A_133 = arith.constant 0 : i32
    %dma_wait3A_134 = tpu.memref_slice %arg8[%dma_wait3A_132, %dma_wait3A_133] : memref<10240x64xf32, #tpu.memory_space<vmem_shared>> -> memref<10240x64xf32, #tpu.memory_space<vmem_shared>>
    tpu.wait_indirect_dma semaphore(%arg14 : memref<!tpu.dma_semaphore, #tpu.memory_space<semaphore_mem>>) src(%dma_wait3A_134 : memref<10240x64xf32, #tpu.memory_space<vmem_shared>>) dst(%arg12 : memref<128x64xf32, #tpu.memory_space<vmem>>)
    %dma_start3A_135 = arith.constant 79 : i32
    %dma_start3A_136 = arith.constant 0 : i32
    %dma_start3A_137 = tpu.memref_slice %arg10[%dma_start3A_135, %dma_start3A_136] : memref<80x128xi32, #tpu.memory_space<vmem>> -> memref<1x128xi32, #tpu.memory_space<vmem>>
    %dma_start3A_138 = tpu.memref_squeeze %dma_start3A_137 : memref<1x128xi32, #tpu.memory_space<vmem>> -> memref<128xi32, #tpu.memory_space<vmem>>
    %dma_start3A_139 = arith.constant 0 : i32
    %dma_start3A_140 = arith.constant 0 : i32
    %dma_start3A_141 = tpu.memref_slice %arg7[%dma_start3A_139, %dma_start3A_140] : memref<10240x64xf32, #tpu.memory_space<vmem_shared>> -> memref<10240x64xf32, #tpu.memory_space<vmem_shared>>
    tpu.enqueue_indirect_dma source(%arg12 : memref<128x64xf32, #tpu.memory_space<vmem>>) target(%dma_start3A_141 : memref<10240x64xf32, #tpu.memory_space<vmem_shared>>) offsets(%dma_start3A_138 : memref<128xi32, #tpu.memory_space<vmem>>) semaphore(%arg16 : memref<!tpu.dma_semaphore, #tpu.memory_space<semaphore_mem>>) {add = true}
    %dma_wait3A_142 = arith.constant 0 : i32
    %dma_wait3A_143 = arith.constant 0 : i32
    %dma_wait3A_144 = tpu.memref_slice %arg10[%dma_wait3A_142, %dma_wait3A_143] : memref<80x128xi32, #tpu.memory_space<vmem>> -> memref<1x128xi32, #tpu.memory_space<vmem>>
    %dma_wait3A_145 = tpu.memref_squeeze %dma_wait3A_144 : memref<1x128xi32, #tpu.memory_space<vmem>> -> memref<128xi32, #tpu.memory_space<vmem>>
    %dma_wait3A_146 = arith.constant 0 : i32
    %dma_wait3A_147 = arith.constant 0 : i32
    %dma_wait3A_148 = tpu.memref_slice %arg7[%dma_wait3A_146, %dma_wait3A_147] : memref<10240x64xf32, #tpu.memory_space<vmem_shared>> -> memref<10240x64xf32, #tpu.memory_space<vmem_shared>>
    tpu.wait_indirect_dma semaphore(%arg15 : memref<!tpu.dma_semaphore, #tpu.memory_space<semaphore_mem>>) src(%arg11 : memref<128x64xf32, #tpu.memory_space<vmem>>) dst(%dma_wait3A_148 : memref<10240x64xf32, #tpu.memory_space<vmem_shared>>)
    %dma_wait3A_149 = arith.constant 0 : i32
    %dma_wait3A_150 = arith.constant 0 : i32
    %dma_wait3A_151 = tpu.memref_slice %arg10[%dma_wait3A_149, %dma_wait3A_150] : memref<80x128xi32, #tpu.memory_space<vmem>> -> memref<1x128xi32, #tpu.memory_space<vmem>>
    %dma_wait3A_152 = tpu.memref_squeeze %dma_wait3A_151 : memref<1x128xi32, #tpu.memory_space<vmem>> -> memref<128xi32, #tpu.memory_space<vmem>>
    %dma_wait3A_153 = arith.constant 0 : i32
    %dma_wait3A_154 = arith.constant 0 : i32
    %dma_wait3A_155 = tpu.memref_slice %arg7[%dma_wait3A_153, %dma_wait3A_154] : memref<10240x64xf32, #tpu.memory_space<vmem_shared>> -> memref<10240x64xf32, #tpu.memory_space<vmem_shared>>
    tpu.wait_indirect_dma semaphore(%arg16 : memref<!tpu.dma_semaphore, #tpu.memory_space<semaphore_mem>>) src(%arg12 : memref<128x64xf32, #tpu.memory_space<vmem>>) dst(%dma_wait3A_155 : memref<10240x64xf32, #tpu.memory_space<vmem_shared>>)
    %barrier3A_156 = arith.constant 0 : index
    tpu.barrier barrier_id(%barrier3A_156)
    %scan3A_157 = arith.constant 0 : i32
    %scan3A_158 = arith.constant 0 : i32
    %scan3A_159 = arith.constant 5 : i32
    %scan3A_160 = arith.addi %scan3A_158, %scan3A_159 : i32
    %scan3A_161 = arith.constant 1 : i32
    %scan3A_162 = scf.for %scan3A_164 = %scan3A_158 to %scan3A_160 step %scan3A_161 iter_args(%scan3A_165 = %scan3A_157) -> (i32)  : i32 {
      %mul3A_166 = arith.constant 640 : i32
      %mul3A_167 = arith.muli %arg1, %mul3A_166 : i32
      %mul3A_168 = arith.constant 128 : i32
      %mul3A_169 = arith.muli %scan3A_164, %mul3A_168 : i32
      %add3A_170 = arith.addi %mul3A_167, %mul3A_169 : i32
      "tpu.region"() ({
        %run_scoped3A = tpu.sem_alloc : memref<!tpu.dma_semaphore, #tpu.memory_space<semaphore_mem>>
        %dma_start3A_175 = arith.constant 0 : i32
        %dma_start3A_176 = tpu.memref_slice %arg7[%add3A_170, %dma_start3A_175] : memref<10240x64xf32, #tpu.memory_space<vmem_shared>> -> memref<128x64xf32, #tpu.memory_space<vmem_shared>>
        %dma_start3A_177 = arith.constant 0 : i32
        %dma_start3A_178 = tpu.memref_slice %arg7[%add3A_170, %dma_start3A_177] : memref<10240x64xf32, #tpu.memory_space<vmem_shared>> -> memref<128x64xf32, #tpu.memory_space<vmem_shared>>
        tpu.enqueue_dma source(%dma_start3A_178 : memref<128x64xf32, #tpu.memory_space<vmem_shared>>) target(%arg11 : memref<128x64xf32, #tpu.memory_space<vmem>>) target_semaphore(%run_scoped3A : memref<!tpu.dma_semaphore, #tpu.memory_space<semaphore_mem>>)
        %dma_wait3A_179 = arith.constant 0 : i32
        %dma_wait3A_180 = tpu.memref_slice %arg7[%add3A_170, %dma_wait3A_179] : memref<10240x64xf32, #tpu.memory_space<vmem_shared>> -> memref<128x64xf32, #tpu.memory_space<vmem_shared>>
        %dma_wait3A_181 = arith.constant 0 : i32
        %dma_wait3A_182 = tpu.memref_slice %arg7[%add3A_170, %dma_wait3A_181] : memref<10240x64xf32, #tpu.memory_space<vmem_shared>> -> memref<128x64xf32, #tpu.memory_space<vmem_shared>>
        tpu.wait_dma2 semaphore(%run_scoped3A : memref<!tpu.dma_semaphore, #tpu.memory_space<semaphore_mem>>) src(%dma_wait3A_182 : memref<128x64xf32, #tpu.memory_space<vmem_shared>>) dst(%arg11 : memref<128x64xf32, #tpu.memory_space<vmem>>)
        tpu.yield
      }) : () -> ()
      %mul3A_171 = arith.constant 10240 : i32
      %mul3A_172 = arith.muli %arg0, %mul3A_171 : i32
      %add3A_173 = arith.addi %mul3A_172, %add3A_170 : i32
      "tpu.region"() ({
        %run_scoped3A = tpu.sem_alloc : memref<!tpu.dma_semaphore, #tpu.memory_space<semaphore_mem>>
        %dma_start3A_175 = arith.constant 0 : i32
        %dma_start3A_176 = tpu.memref_slice %arg6[%add3A_173, %dma_start3A_175] : memref<20480x64xf32, #tpu.memory_space<hbm>> -> memref<128x64xf32, #tpu.memory_space<hbm>>
        %dma_start3A_177 = arith.constant 0 : i32
        %dma_start3A_178 = tpu.memref_slice %arg6[%add3A_173, %dma_start3A_177] : memref<20480x64xf32, #tpu.memory_space<hbm>> -> memref<128x64xf32, #tpu.memory_space<hbm>>
        tpu.enqueue_dma source(%arg11 : memref<128x64xf32, #tpu.memory_space<vmem>>) target(%dma_start3A_178 : memref<128x64xf32, #tpu.memory_space<hbm>>) target_semaphore(%run_scoped3A : memref<!tpu.dma_semaphore, #tpu.memory_space<semaphore_mem>>)
        %dma_wait3A_179 = arith.constant 0 : i32
        %dma_wait3A_180 = tpu.memref_slice %arg6[%add3A_173, %dma_wait3A_179] : memref<20480x64xf32, #tpu.memory_space<hbm>> -> memref<128x64xf32, #tpu.memory_space<hbm>>
        %dma_wait3A_181 = arith.constant 0 : i32
        %dma_wait3A_182 = tpu.memref_slice %arg6[%add3A_173, %dma_wait3A_181] : memref<20480x64xf32, #tpu.memory_space<hbm>> -> memref<128x64xf32, #tpu.memory_space<hbm>>
        tpu.wait_dma2 semaphore(%run_scoped3A : memref<!tpu.dma_semaphore, #tpu.memory_space<semaphore_mem>>) src(%arg11 : memref<128x64xf32, #tpu.memory_space<vmem>>) dst(%dma_wait3A_182 : memref<128x64xf32, #tpu.memory_space<hbm>>)
        tpu.yield
      }) : () -> ()
      %scan3A_174 = arith.constant 0 : i32
      scf.yield %scan3A_174 : i32
    }
    %scan3A_163 = arith.constant 5 : i32
    return
  }
}

#map = affine_map<(d0, d1) -> (0, 0)>
module attributes {stable_mosaic.version = 14 : i64} {
  func.func @_agg_sc(%arg0: i32, %arg1: i32, %arg2: memref<10240x64xf32, #tpu.memory_space<hbm>>, %arg3: memref<10240x64xf32, #tpu.memory_space<hbm>>, %arg4: memref<2560x128xi32, #tpu.memory_space<hbm>>, %arg5: memref<2560x128xi32, #tpu.memory_space<hbm>>, %arg6: memref<20480x64xf32, #tpu.memory_space<hbm>>, %arg7: memref<10240x64xf32, #tpu.memory_space<vmem_shared>>, %arg8: memref<10240x64xf32, #tpu.memory_space<vmem_shared>>, %arg9: memref<80x128xi32, #tpu.memory_space<vmem>>, %arg10: memref<80x128xi32, #tpu.memory_space<vmem>>, %arg11: memref<128x64xf32, #tpu.memory_space<vmem>>, %arg12: memref<128x64xf32, #tpu.memory_space<vmem>>, %arg13: memref<!tpu.dma_semaphore, #tpu.memory_space<semaphore_mem>>, %arg14: memref<!tpu.dma_semaphore, #tpu.memory_space<semaphore_mem>>, %arg15: memref<!tpu.dma_semaphore, #tpu.memory_space<semaphore_mem>>, %arg16: memref<!tpu.dma_semaphore, #tpu.memory_space<semaphore_mem>>, %arg17: memref<!tpu.dma_semaphore, #tpu.memory_space<semaphore_mem>>) attributes {dimension_semantics = [#tpu.dimension_semantics<core_parallel>, #tpu.dimension_semantics<subcore_parallel>], iteration_bounds = array<i64: 2, 16>, scalar_prefetch = 0 : i64, scratch_operands = 11 : i64, tpu.core_type = #tpu.core_type<sc_vector_subcore>, window_params = [{transform_indices = #map}, {transform_indices = #map}, {transform_indices = #map}, {transform_indices = #map}, {transform_indices = #map}]} {
    %eq3A = arith.constant 0 : i32
    %eq3A_0 = arith.cmpi eq, %arg0, %eq3A : i32
    %convert_element_type3A = arith.extui %eq3A_0 : i1 to i32
    %cond3A = arith.constant 0 : i32
    %cond3A_1 = arith.cmpi ne, %convert_element_type3A, %cond3A : i32
    scf.if %cond3A_1 {
      %mul3A_164 = arith.constant 640 : i32
      %mul3A_165 = arith.muli %arg1, %mul3A_164 : i32
      %mul3A_166 = arith.constant 640 : i32
      %mul3A_167 = arith.muli %arg1, %mul3A_166 : i32
      %dma_start3A_168 = arith.constant 0 : i32
      %dma_start3A_169 = tpu.memref_slice %arg8[%mul3A_167, %dma_start3A_168] : memref<10240x64xf32, #tpu.memory_space<vmem_shared>> -> memref<640x64xf32, #tpu.memory_space<vmem_shared>>
      %dma_start3A_170 = arith.constant 0 : i32
      %dma_start3A_171 = tpu.memref_slice %arg2[%mul3A_165, %dma_start3A_170] : memref<10240x64xf32, #tpu.memory_space<hbm>> -> memref<640x64xf32, #tpu.memory_space<hbm>>
      tpu.enqueue_dma source(%dma_start3A_171 : memref<640x64xf32, #tpu.memory_space<hbm>>) target(%dma_start3A_169 : memref<640x64xf32, #tpu.memory_space<vmem_shared>>) target_semaphore(%arg17 : memref<!tpu.dma_semaphore, #tpu.memory_space<semaphore_mem>>)
    } else {
    }
    %eq3A_2 = arith.constant 1 : i32
    %eq3A_3 = arith.cmpi eq, %arg0, %eq3A_2 : i32
    %convert_element_type3A_4 = arith.extui %eq3A_3 : i1 to i32
    %cond3A_5 = arith.constant 0 : i32
    %cond3A_6 = arith.cmpi ne, %convert_element_type3A_4, %cond3A_5 : i32
    scf.if %cond3A_6 {
      %mul3A_164 = arith.constant 640 : i32
      %mul3A_165 = arith.muli %arg1, %mul3A_164 : i32
      %mul3A_166 = arith.constant 640 : i32
      %mul3A_167 = arith.muli %arg1, %mul3A_166 : i32
      %dma_start3A_168 = arith.constant 0 : i32
      %dma_start3A_169 = tpu.memref_slice %arg8[%mul3A_167, %dma_start3A_168] : memref<10240x64xf32, #tpu.memory_space<vmem_shared>> -> memref<640x64xf32, #tpu.memory_space<vmem_shared>>
      %dma_start3A_170 = arith.constant 0 : i32
      %dma_start3A_171 = tpu.memref_slice %arg3[%mul3A_165, %dma_start3A_170] : memref<10240x64xf32, #tpu.memory_space<hbm>> -> memref<640x64xf32, #tpu.memory_space<hbm>>
      tpu.enqueue_dma source(%dma_start3A_171 : memref<640x64xf32, #tpu.memory_space<hbm>>) target(%dma_start3A_169 : memref<640x64xf32, #tpu.memory_space<vmem_shared>>) target_semaphore(%arg17 : memref<!tpu.dma_semaphore, #tpu.memory_space<semaphore_mem>>)
    } else {
    }
    %scan3A = arith.constant 0 : i32
    %scan3A_7 = arith.constant 0 : i32
    %scan3A_8 = arith.constant 512 : i32
    %scan3A_9 = arith.addi %scan3A_7, %scan3A_8 : i32
    %scan3A_10 = arith.constant 1 : i32
    %scan3A_11 = scf.for %scan3A_164 = %scan3A_7 to %scan3A_9 step %scan3A_10 iter_args(%scan3A_165 = %scan3A) -> (i32)  : i32 {
      %broadcast_in_dim3A = arith.constant 0.000000e+00 : f32
      %broadcast_in_dim3A_166 = vector.broadcast %broadcast_in_dim3A : f32 to vector<16xf32>
      %jit3A = arith.constant 4 : i32
      %div3A = arith.divsi %scan3A_164, %jit3A : i32
      %sign3A = arith.constant 0 : i32
      %sign3A_167 = arith.cmpi sgt, %scan3A_164, %sign3A : i32
      %sign3A_168 = arith.extui %sign3A_167 : i1 to i32
      %sign3A_169 = arith.constant 0 : i32
      %sign3A_170 = arith.cmpi slt, %scan3A_164, %sign3A_169 : i32
      %sign3A_171 = arith.extui %sign3A_170 : i1 to i32
      %sign3A_172 = arith.subi %sign3A_168, %sign3A_171 : i32
      %sign3A_173 = arith.constant 0 : i32
      %sign3A_174 = arith.cmpi sgt, %jit3A, %sign3A_173 : i32
      %sign3A_175 = arith.extui %sign3A_174 : i1 to i32
      %sign3A_176 = arith.constant 0 : i32
      %sign3A_177 = arith.cmpi slt, %jit3A, %sign3A_176 : i32
      %sign3A_178 = arith.extui %sign3A_177 : i1 to i32
      %sign3A_179 = arith.subi %sign3A_175, %sign3A_178 : i32
      %ne3A = arith.cmpi ne, %sign3A_172, %sign3A_179 : i32
      %rem3A = arith.remsi %scan3A_164, %jit3A : i32
      %ne3A_180 = arith.constant 0 : i32
      %ne3A_181 = arith.cmpi ne, %rem3A, %ne3A_180 : i32
      %and3A = arith.andi %ne3A, %ne3A_181 : i1
      %sub3A = arith.constant 1 : i32
      %sub3A_182 = arith.subi %div3A, %sub3A : i32
      %select_n3A = arith.select %and3A, %sub3A_182, %div3A : i32
      %jit3A_183 = arith.constant 4 : i32
      %eq3A_184 = arith.constant 0 : i32
      %eq3A_185 = arith.cmpi eq, %jit3A_183, %eq3A_184 : i32
      %jit3A_186 = arith.constant 1 : i32
      %select_n3A_187 = arith.select %eq3A_185, %jit3A_186, %jit3A_183 : i32
      %rem3A_188 = arith.remsi %scan3A_164, %select_n3A_187 : i32
      %ne3A_189 = arith.constant 0 : i32
      %ne3A_190 = arith.cmpi ne, %rem3A_188, %ne3A_189 : i32
      %lt3A = arith.constant 0 : i32
      %lt3A_191 = arith.cmpi slt, %rem3A_188, %lt3A : i32
      %lt3A_192 = arith.constant 0 : i32
      %lt3A_193 = arith.cmpi slt, %select_n3A_187, %lt3A_192 : i32
      %ne3A_194 = arith.xori %lt3A_191, %lt3A_193 : i1
      %and3A_195 = arith.andi %ne3A_194, %ne3A_190 : i1
      %add3A_196 = arith.addi %rem3A_188, %select_n3A_187 : i32
      %select_n3A_197 = arith.select %and3A_195, %add3A_196, %rem3A_188 : i32
      %mul3A_198 = arith.constant 16 : i32
      %mul3A_199 = arith.muli %select_n3A_197, %mul3A_198 : i32
      %swap3A = arith.index_cast %select_n3A : i32 to index
      %swap3A_200 = arith.index_cast %mul3A_199 : i32 to index
      %swap3A_201 = tpu.vector_load %arg11[%swap3A, %swap3A_200] {strides = array<i32>} : memref<128x64xf32, #tpu.memory_space<vmem>>, vector<1x16xf32>,
      %swap3A_202 = vector.shape_cast %swap3A_201 : vector<1x16xf32> to vector<16xf32>
      %swap3A_203 = vector.shape_cast %broadcast_in_dim3A_166 : vector<16xf32> to vector<1x16xf32>
      tpu.vector_store %arg11[%swap3A, %swap3A_200], %swap3A_203 {strides = array<i32>} : memref<128x64xf32, #tpu.memory_space<vmem>>, vector<1x16xf32>,
      %scan3A_204 = arith.constant 0 : i32
      scf.yield %scan3A_204 : i32
    }
    %scan3A_12 = arith.constant 512 : i32
    %scan3A_13 = arith.constant 0 : i32
    %scan3A_14 = arith.constant 0 : i32
    %scan3A_15 = arith.constant 5 : i32
    %scan3A_16 = arith.addi %scan3A_14, %scan3A_15 : i32
    %scan3A_17 = arith.constant 1 : i32
    %scan3A_18 = scf.for %scan3A_164 = %scan3A_14 to %scan3A_16 step %scan3A_17 iter_args(%scan3A_165 = %scan3A_13) -> (i32)  : i32 {
      %mul3A_166 = arith.constant 640 : i32
      %mul3A_167 = arith.muli %arg1, %mul3A_166 : i32
      %mul3A_168 = arith.constant 128 : i32
      %mul3A_169 = arith.muli %scan3A_164, %mul3A_168 : i32
      %add3A_170 = arith.addi %mul3A_167, %mul3A_169 : i32
      "tpu.region"() ({
        %run_scoped3A = tpu.sem_alloc : memref<!tpu.dma_semaphore, #tpu.memory_space<semaphore_mem>>
        %dma_start3A_172 = arith.constant 0 : i32
        %dma_start3A_173 = tpu.memref_slice %arg7[%add3A_170, %dma_start3A_172] : memref<10240x64xf32, #tpu.memory_space<vmem_shared>> -> memref<128x64xf32, #tpu.memory_space<vmem_shared>>
        %dma_start3A_174 = arith.constant 0 : i32
        %dma_start3A_175 = tpu.memref_slice %arg7[%add3A_170, %dma_start3A_174] : memref<10240x64xf32, #tpu.memory_space<vmem_shared>> -> memref<128x64xf32, #tpu.memory_space<vmem_shared>>
        tpu.enqueue_dma source(%arg11 : memref<128x64xf32, #tpu.memory_space<vmem>>) target(%dma_start3A_175 : memref<128x64xf32, #tpu.memory_space<vmem_shared>>) target_semaphore(%run_scoped3A : memref<!tpu.dma_semaphore, #tpu.memory_space<semaphore_mem>>)
        %dma_wait3A_176 = arith.constant 0 : i32
        %dma_wait3A_177 = tpu.memref_slice %arg7[%add3A_170, %dma_wait3A_176] : memref<10240x64xf32, #tpu.memory_space<vmem_shared>> -> memref<128x64xf32, #tpu.memory_space<vmem_shared>>
        %dma_wait3A_178 = arith.constant 0 : i32
        %dma_wait3A_179 = tpu.memref_slice %arg7[%add3A_170, %dma_wait3A_178] : memref<10240x64xf32, #tpu.memory_space<vmem_shared>> -> memref<128x64xf32, #tpu.memory_space<vmem_shared>>
        tpu.wait_dma2 semaphore(%run_scoped3A : memref<!tpu.dma_semaphore, #tpu.memory_space<semaphore_mem>>) src(%arg11 : memref<128x64xf32, #tpu.memory_space<vmem>>) dst(%dma_wait3A_179 : memref<128x64xf32, #tpu.memory_space<vmem_shared>>)
        tpu.yield
      }) : () -> ()
      %scan3A_171 = arith.constant 0 : i32
      scf.yield %scan3A_171 : i32
    }
    %scan3A_19 = arith.constant 5 : i32
    %dma_wait3A = arith.constant 0 : i32
    %dma_wait3A_20 = arith.constant 0 : i32
    %dma_wait3A_21 = tpu.memref_slice %arg8[%dma_wait3A, %dma_wait3A_20] : memref<10240x64xf32, #tpu.memory_space<vmem_shared>> -> memref<640x64xf32, #tpu.memory_space<vmem_shared>>
    %dma_wait3A_22 = arith.constant 0 : i32
    %dma_wait3A_23 = arith.constant 0 : i32
    %dma_wait3A_24 = tpu.memref_slice %arg2[%dma_wait3A_22, %dma_wait3A_23] : memref<10240x64xf32, #tpu.memory_space<hbm>> -> memref<640x64xf32, #tpu.memory_space<hbm>>
    tpu.wait_dma2 semaphore(%arg17 : memref<!tpu.dma_semaphore, #tpu.memory_space<semaphore_mem>>) src(%dma_wait3A_24 : memref<640x64xf32, #tpu.memory_space<hbm>>) dst(%dma_wait3A_21 : memref<640x64xf32, #tpu.memory_space<vmem_shared>>)
    %barrier3A = arith.constant 0 : index
    tpu.barrier barrier_id(%barrier3A)
    %mul3A = arith.constant 160 : i32
    %mul3A_25 = arith.muli %arg1, %mul3A : i32
    %add3A = arith.constant 0 : i32
    %add3A_26 = arith.addi %mul3A_25, %add3A : i32
    "tpu.region"() ({
      %run_scoped3A = tpu.sem_alloc : memref<!tpu.dma_semaphore, #tpu.memory_space<semaphore_mem>>
      %dma_start3A_164 = arith.constant 0 : i32
      %dma_start3A_165 = tpu.memref_slice %arg4[%add3A_26, %dma_start3A_164] : memref<2560x128xi32, #tpu.memory_space<hbm>> -> memref<80x128xi32, #tpu.memory_space<hbm>>
      %dma_start3A_166 = arith.constant 0 : i32
      %dma_start3A_167 = tpu.memref_slice %arg4[%add3A_26, %dma_start3A_166] : memref<2560x128xi32, #tpu.memory_space<hbm>> -> memref<80x128xi32, #tpu.memory_space<hbm>>
      tpu.enqueue_dma source(%dma_start3A_167 : memref<80x128xi32, #tpu.memory_space<hbm>>) target(%arg9 : memref<80x128xi32, #tpu.memory_space<vmem>>) target_semaphore(%run_scoped3A : memref<!tpu.dma_semaphore, #tpu.memory_space<semaphore_mem>>)
      %dma_wait3A_168 = arith.constant 0 : i32
      %dma_wait3A_169 = tpu.memref_slice %arg4[%add3A_26, %dma_wait3A_168] : memref<2560x128xi32, #tpu.memory_space<hbm>> -> memref<80x128xi32, #tpu.memory_space<hbm>>
      %dma_wait3A_170 = arith.constant 0 : i32
      %dma_wait3A_171 = tpu.memref_slice %arg4[%add3A_26, %dma_wait3A_170] : memref<2560x128xi32, #tpu.memory_space<hbm>> -> memref<80x128xi32, #tpu.memory_space<hbm>>
      tpu.wait_dma2 semaphore(%run_scoped3A : memref<!tpu.dma_semaphore, #tpu.memory_space<semaphore_mem>>) src(%dma_wait3A_171 : memref<80x128xi32, #tpu.memory_space<hbm>>) dst(%arg9 : memref<80x128xi32, #tpu.memory_space<vmem>>)
      tpu.yield
    }) : () -> ()
    "tpu.region"() ({
      %run_scoped3A = tpu.sem_alloc : memref<!tpu.dma_semaphore, #tpu.memory_space<semaphore_mem>>
      %dma_start3A_164 = arith.constant 0 : i32
      %dma_start3A_165 = tpu.memref_slice %arg5[%add3A_26, %dma_start3A_164] : memref<2560x128xi32, #tpu.memory_space<hbm>> -> memref<80x128xi32, #tpu.memory_space<hbm>>
      %dma_start3A_166 = arith.constant 0 : i32
      %dma_start3A_167 = tpu.memref_slice %arg5[%add3A_26, %dma_start3A_166] : memref<2560x128xi32, #tpu.memory_space<hbm>> -> memref<80x128xi32, #tpu.memory_space<hbm>>
      tpu.enqueue_dma source(%dma_start3A_167 : memref<80x128xi32, #tpu.memory_space<hbm>>) target(%arg10 : memref<80x128xi32, #tpu.memory_space<vmem>>) target_semaphore(%run_scoped3A : memref<!tpu.dma_semaphore, #tpu.memory_space<semaphore_mem>>)
      %dma_wait3A_168 = arith.constant 0 : i32
      %dma_wait3A_169 = tpu.memref_slice %arg5[%add3A_26, %dma_wait3A_168] : memref<2560x128xi32, #tpu.memory_space<hbm>> -> memref<80x128xi32, #tpu.memory_space<hbm>>
      %dma_wait3A_170 = arith.constant 0 : i32
      %dma_wait3A_171 = tpu.memref_slice %arg5[%add3A_26, %dma_wait3A_170] : memref<2560x128xi32, #tpu.memory_space<hbm>> -> memref<80x128xi32, #tpu.memory_space<hbm>>
      tpu.wait_dma2 semaphore(%run_scoped3A : memref<!tpu.dma_semaphore, #tpu.memory_space<semaphore_mem>>) src(%dma_wait3A_171 : memref<80x128xi32, #tpu.memory_space<hbm>>) dst(%arg10 : memref<80x128xi32, #tpu.memory_space<vmem>>)
      tpu.yield
    }) : () -> ()
    %dma_start3A = arith.constant 0 : i32
    %dma_start3A_27 = arith.constant 0 : i32
    %dma_start3A_28 = tpu.memref_slice %arg9[%dma_start3A, %dma_start3A_27] : memref<80x128xi32, #tpu.memory_space<vmem>> -> memref<1x128xi32, #tpu.memory_space<vmem>>
    %dma_start3A_29 = tpu.memref_squeeze %dma_start3A_28 : memref<1x128xi32, #tpu.memory_space<vmem>> -> memref<128xi32, #tpu.memory_space<vmem>>
    %dma_start3A_30 = arith.constant 0 : i32
    %dma_start3A_31 = arith.constant 0 : i32
    %dma_start3A_32 = tpu.memref_slice %arg8[%dma_start3A_30, %dma_start3A_31] : memref<10240x64xf32, #tpu.memory_space<vmem_shared>> -> memref<10240x64xf32, #tpu.memory_space<vmem_shared>>
    tpu.enqueue_indirect_dma source(%dma_start3A_32 : memref<10240x64xf32, #tpu.memory_space<vmem_shared>>) target(%arg11 : memref<128x64xf32, #tpu.memory_space<vmem>>) offsets(%dma_start3A_29 : memref<128xi32, #tpu.memory_space<vmem>>) semaphore(%arg13 : memref<!tpu.dma_semaphore, #tpu.memory_space<semaphore_mem>>)
    %dma_start3A_33 = arith.constant 1 : i32
    %dma_start3A_34 = arith.constant 0 : i32
    %dma_start3A_35 = tpu.memref_slice %arg9[%dma_start3A_33, %dma_start3A_34] : memref<80x128xi32, #tpu.memory_space<vmem>> -> memref<1x128xi32, #tpu.memory_space<vmem>>
    %dma_start3A_36 = tpu.memref_squeeze %dma_start3A_35 : memref<1x128xi32, #tpu.memory_space<vmem>> -> memref<128xi32, #tpu.memory_space<vmem>>
    %dma_start3A_37 = arith.constant 0 : i32
    %dma_start3A_38 = arith.constant 0 : i32
    %dma_start3A_39 = tpu.memref_slice %arg8[%dma_start3A_37, %dma_start3A_38] : memref<10240x64xf32, #tpu.memory_space<vmem_shared>> -> memref<10240x64xf32, #tpu.memory_space<vmem_shared>>
    tpu.enqueue_indirect_dma source(%dma_start3A_39 : memref<10240x64xf32, #tpu.memory_space<vmem_shared>>) target(%arg12 : memref<128x64xf32, #tpu.memory_space<vmem>>) offsets(%dma_start3A_36 : memref<128xi32, #tpu.memory_space<vmem>>) semaphore(%arg14 : memref<!tpu.dma_semaphore, #tpu.memory_space<semaphore_mem>>)
    %scan3A_40 = arith.constant 0 : i32
    %scan3A_41 = arith.constant 0 : i32
    %scan3A_42 = arith.constant 39 : i32
    %scan3A_43 = arith.addi %scan3A_41, %scan3A_42 : i32
    %scan3A_44 = arith.constant 1 : i32
    %scan3A_45 = scf.for %scan3A_164 = %scan3A_41 to %scan3A_43 step %scan3A_44 iter_args(%scan3A_165 = %scan3A_40) -> (i32)  : i32 {
      %dma_wait3A_166 = arith.constant 0 : i32
      %dma_wait3A_167 = arith.constant 0 : i32
      %dma_wait3A_168 = tpu.memref_slice %arg9[%dma_wait3A_166, %dma_wait3A_167] : memref<80x128xi32, #tpu.memory_space<vmem>> -> memref<1x128xi32, #tpu.memory_space<vmem>>
      %dma_wait3A_169 = tpu.memref_squeeze %dma_wait3A_168 : memref<1x128xi32, #tpu.memory_space<vmem>> -> memref<128xi32, #tpu.memory_space<vmem>>
      %dma_wait3A_170 = arith.constant 0 : i32
      %dma_wait3A_171 = arith.constant 0 : i32
      %dma_wait3A_172 = tpu.memref_slice %arg8[%dma_wait3A_170, %dma_wait3A_171] : memref<10240x64xf32, #tpu.memory_space<vmem_shared>> -> memref<10240x64xf32, #tpu.memory_space<vmem_shared>>
      tpu.wait_indirect_dma semaphore(%arg13 : memref<!tpu.dma_semaphore, #tpu.memory_space<semaphore_mem>>) src(%dma_wait3A_172 : memref<10240x64xf32, #tpu.memory_space<vmem_shared>>) dst(%arg11 : memref<128x64xf32, #tpu.memory_space<vmem>>)
      %mul3A_173 = arith.constant 2 : i32
      %mul3A_174 = arith.muli %scan3A_164, %mul3A_173 : i32
      %add3A_175 = arith.constant 0 : i32
      %add3A_176 = arith.addi %mul3A_174, %add3A_175 : i32
      %dma_start3A_177 = arith.constant 0 : i32
      %dma_start3A_178 = tpu.memref_slice %arg10[%add3A_176, %dma_start3A_177] : memref<80x128xi32, #tpu.memory_space<vmem>> -> memref<1x128xi32, #tpu.memory_space<vmem>>
      %dma_start3A_179 = tpu.memref_squeeze %dma_start3A_178 : memref<1x128xi32, #tpu.memory_space<vmem>> -> memref<128xi32, #tpu.memory_space<vmem>>
      %dma_start3A_180 = arith.constant 0 : i32
      %dma_start3A_181 = arith.constant 0 : i32
      %dma_start3A_182 = tpu.memref_slice %arg7[%dma_start3A_180, %dma_start3A_181] : memref<10240x64xf32, #tpu.memory_space<vmem_shared>> -> memref<10240x64xf32, #tpu.memory_space<vmem_shared>>
      tpu.enqueue_indirect_dma source(%arg11 : memref<128x64xf32, #tpu.memory_space<vmem>>) target(%dma_start3A_182 : memref<10240x64xf32, #tpu.memory_space<vmem_shared>>) offsets(%dma_start3A_179 : memref<128xi32, #tpu.memory_space<vmem>>) semaphore(%arg15 : memref<!tpu.dma_semaphore, #tpu.memory_space<semaphore_mem>>) {add = true}
      %dma_wait3A_183 = arith.constant 0 : i32
      %dma_wait3A_184 = arith.constant 0 : i32
      %dma_wait3A_185 = tpu.memref_slice %arg9[%dma_wait3A_183, %dma_wait3A_184] : memref<80x128xi32, #tpu.memory_space<vmem>> -> memref<1x128xi32, #tpu.memory_space<vmem>>
      %dma_wait3A_186 = tpu.memref_squeeze %dma_wait3A_185 : memref<1x128xi32, #tpu.memory_space<vmem>> -> memref<128xi32, #tpu.memory_space<vmem>>
      %dma_wait3A_187 = arith.constant 0 : i32
      %dma_wait3A_188 = arith.constant 0 : i32
      %dma_wait3A_189 = tpu.memref_slice %arg8[%dma_wait3A_187, %dma_wait3A_188] : memref<10240x64xf32, #tpu.memory_space<vmem_shared>> -> memref<10240x64xf32, #tpu.memory_space<vmem_shared>>
      tpu.wait_indirect_dma semaphore(%arg14 : memref<!tpu.dma_semaphore, #tpu.memory_space<semaphore_mem>>) src(%dma_wait3A_189 : memref<10240x64xf32, #tpu.memory_space<vmem_shared>>) dst(%arg12 : memref<128x64xf32, #tpu.memory_space<vmem>>)
      %mul3A_190 = arith.constant 2 : i32
      %mul3A_191 = arith.muli %scan3A_164, %mul3A_190 : i32
      %add3A_192 = arith.constant 1 : i32
      %add3A_193 = arith.addi %mul3A_191, %add3A_192 : i32
      %dma_start3A_194 = arith.constant 0 : i32
      %dma_start3A_195 = tpu.memref_slice %arg10[%add3A_193, %dma_start3A_194] : memref<80x128xi32, #tpu.memory_space<vmem>> -> memref<1x128xi32, #tpu.memory_space<vmem>>
      %dma_start3A_196 = tpu.memref_squeeze %dma_start3A_195 : memref<1x128xi32, #tpu.memory_space<vmem>> -> memref<128xi32, #tpu.memory_space<vmem>>
      %dma_start3A_197 = arith.constant 0 : i32
      %dma_start3A_198 = arith.constant 0 : i32
      %dma_start3A_199 = tpu.memref_slice %arg7[%dma_start3A_197, %dma_start3A_198] : memref<10240x64xf32, #tpu.memory_space<vmem_shared>> -> memref<10240x64xf32, #tpu.memory_space<vmem_shared>>
      tpu.enqueue_indirect_dma source(%arg12 : memref<128x64xf32, #tpu.memory_space<vmem>>) target(%dma_start3A_199 : memref<10240x64xf32, #tpu.memory_space<vmem_shared>>) offsets(%dma_start3A_196 : memref<128xi32, #tpu.memory_space<vmem>>) semaphore(%arg16 : memref<!tpu.dma_semaphore, #tpu.memory_space<semaphore_mem>>) {add = true}
      %dma_wait3A_200 = arith.constant 0 : i32
      %dma_wait3A_201 = arith.constant 0 : i32
      %dma_wait3A_202 = tpu.memref_slice %arg10[%dma_wait3A_200, %dma_wait3A_201] : memref<80x128xi32, #tpu.memory_space<vmem>> -> memref<1x128xi32, #tpu.memory_space<vmem>>
      %dma_wait3A_203 = tpu.memref_squeeze %dma_wait3A_202 : memref<1x128xi32, #tpu.memory_space<vmem>> -> memref<128xi32, #tpu.memory_space<vmem>>
      %dma_wait3A_204 = arith.constant 0 : i32
      %dma_wait3A_205 = arith.constant 0 : i32
      %dma_wait3A_206 = tpu.memref_slice %arg7[%dma_wait3A_204, %dma_wait3A_205] : memref<10240x64xf32, #tpu.memory_space<vmem_shared>> -> memref<10240x64xf32, #tpu.memory_space<vmem_shared>>
      tpu.wait_indirect_dma semaphore(%arg15 : memref<!tpu.dma_semaphore, #tpu.memory_space<semaphore_mem>>) src(%arg11 : memref<128x64xf32, #tpu.memory_space<vmem>>) dst(%dma_wait3A_206 : memref<10240x64xf32, #tpu.memory_space<vmem_shared>>)
      %add3A_207 = arith.constant 1 : i32
      %add3A_208 = arith.addi %scan3A_164, %add3A_207 : i32
      %mul3A_209 = arith.constant 2 : i32
      %mul3A_210 = arith.muli %add3A_208, %mul3A_209 : i32
      %add3A_211 = arith.constant 0 : i32
      %add3A_212 = arith.addi %mul3A_210, %add3A_211 : i32
      %dma_start3A_213 = arith.constant 0 : i32
      %dma_start3A_214 = tpu.memref_slice %arg9[%add3A_212, %dma_start3A_213] : memref<80x128xi32, #tpu.memory_space<vmem>> -> memref<1x128xi32, #tpu.memory_space<vmem>>
      %dma_start3A_215 = tpu.memref_squeeze %dma_start3A_214 : memref<1x128xi32, #tpu.memory_space<vmem>> -> memref<128xi32, #tpu.memory_space<vmem>>
      %dma_start3A_216 = arith.constant 0 : i32
      %dma_start3A_217 = arith.constant 0 : i32
      %dma_start3A_218 = tpu.memref_slice %arg8[%dma_start3A_216, %dma_start3A_217] : memref<10240x64xf32, #tpu.memory_space<vmem_shared>> -> memref<10240x64xf32, #tpu.memory_space<vmem_shared>>
      tpu.enqueue_indirect_dma source(%dma_start3A_218 : memref<10240x64xf32, #tpu.memory_space<vmem_shared>>) target(%arg11 : memref<128x64xf32, #tpu.memory_space<vmem>>) offsets(%dma_start3A_215 : memref<128xi32, #tpu.memory_space<vmem>>) semaphore(%arg13 : memref<!tpu.dma_semaphore, #tpu.memory_space<semaphore_mem>>)
      %dma_wait3A_219 = arith.constant 0 : i32
      %dma_wait3A_220 = arith.constant 0 : i32
      %dma_wait3A_221 = tpu.memref_slice %arg10[%dma_wait3A_219, %dma_wait3A_220] : memref<80x128xi32, #tpu.memory_space<vmem>> -> memref<1x128xi32, #tpu.memory_space<vmem>>
      %dma_wait3A_222 = tpu.memref_squeeze %dma_wait3A_221 : memref<1x128xi32, #tpu.memory_space<vmem>> -> memref<128xi32, #tpu.memory_space<vmem>>
      %dma_wait3A_223 = arith.constant 0 : i32
      %dma_wait3A_224 = arith.constant 0 : i32
      %dma_wait3A_225 = tpu.memref_slice %arg7[%dma_wait3A_223, %dma_wait3A_224] : memref<10240x64xf32, #tpu.memory_space<vmem_shared>> -> memref<10240x64xf32, #tpu.memory_space<vmem_shared>>
      tpu.wait_indirect_dma semaphore(%arg16 : memref<!tpu.dma_semaphore, #tpu.memory_space<semaphore_mem>>) src(%arg12 : memref<128x64xf32, #tpu.memory_space<vmem>>) dst(%dma_wait3A_225 : memref<10240x64xf32, #tpu.memory_space<vmem_shared>>)
      %add3A_226 = arith.constant 1 : i32
      %add3A_227 = arith.addi %scan3A_164, %add3A_226 : i32
      %mul3A_228 = arith.constant 2 : i32
      %mul3A_229 = arith.muli %add3A_227, %mul3A_228 : i32
      %add3A_230 = arith.constant 1 : i32
      %add3A_231 = arith.addi %mul3A_229, %add3A_230 : i32
      %dma_start3A_232 = arith.constant 0 : i32
      %dma_start3A_233 = tpu.memref_slice %arg9[%add3A_231, %dma_start3A_232] : memref<80x128xi32, #tpu.memory_space<vmem>> -> memref<1x128xi32, #tpu.memory_space<vmem>>
      %dma_start3A_234 = tpu.memref_squeeze %dma_start3A_233 : memref<1x128xi32, #tpu.memory_space<vmem>> -> memref<128xi32, #tpu.memory_space<vmem>>
      %dma_start3A_235 = arith.constant 0 : i32
      %dma_start3A_236 = arith.constant 0 : i32
      %dma_start3A_237 = tpu.memref_slice %arg8[%dma_start3A_235, %dma_start3A_236] : memref<10240x64xf32, #tpu.memory_space<vmem_shared>> -> memref<10240x64xf32, #tpu.memory_space<vmem_shared>>
      tpu.enqueue_indirect_dma source(%dma_start3A_237 : memref<10240x64xf32, #tpu.memory_space<vmem_shared>>) target(%arg12 : memref<128x64xf32, #tpu.memory_space<vmem>>) offsets(%dma_start3A_234 : memref<128xi32, #tpu.memory_space<vmem>>) semaphore(%arg14 : memref<!tpu.dma_semaphore, #tpu.memory_space<semaphore_mem>>)
      %scan3A_238 = arith.constant 0 : i32
      scf.yield %scan3A_238 : i32
    }
    %scan3A_46 = arith.constant 39 : i32
    %dma_wait3A_47 = arith.constant 0 : i32
    %dma_wait3A_48 = arith.constant 0 : i32
    %dma_wait3A_49 = tpu.memref_slice %arg9[%dma_wait3A_47, %dma_wait3A_48] : memref<80x128xi32, #tpu.memory_space<vmem>> -> memref<1x128xi32, #tpu.memory_space<vmem>>
    %dma_wait3A_50 = tpu.memref_squeeze %dma_wait3A_49 : memref<1x128xi32, #tpu.memory_space<vmem>> -> memref<128xi32, #tpu.memory_space<vmem>>
    %dma_wait3A_51 = arith.constant 0 : i32
    %dma_wait3A_52 = arith.constant 0 : i32
    %dma_wait3A_53 = tpu.memref_slice %arg8[%dma_wait3A_51, %dma_wait3A_52] : memref<10240x64xf32, #tpu.memory_space<vmem_shared>> -> memref<10240x64xf32, #tpu.memory_space<vmem_shared>>
    tpu.wait_indirect_dma semaphore(%arg13 : memref<!tpu.dma_semaphore, #tpu.memory_space<semaphore_mem>>) src(%dma_wait3A_53 : memref<10240x64xf32, #tpu.memory_space<vmem_shared>>) dst(%arg11 : memref<128x64xf32, #tpu.memory_space<vmem>>)
    %dma_start3A_54 = arith.constant 78 : i32
    %dma_start3A_55 = arith.constant 0 : i32
    %dma_start3A_56 = tpu.memref_slice %arg10[%dma_start3A_54, %dma_start3A_55] : memref<80x128xi32, #tpu.memory_space<vmem>> -> memref<1x128xi32, #tpu.memory_space<vmem>>
    %dma_start3A_57 = tpu.memref_squeeze %dma_start3A_56 : memref<1x128xi32, #tpu.memory_space<vmem>> -> memref<128xi32, #tpu.memory_space<vmem>>
    %dma_start3A_58 = arith.constant 0 : i32
    %dma_start3A_59 = arith.constant 0 : i32
    %dma_start3A_60 = tpu.memref_slice %arg7[%dma_start3A_58, %dma_start3A_59] : memref<10240x64xf32, #tpu.memory_space<vmem_shared>> -> memref<10240x64xf32, #tpu.memory_space<vmem_shared>>
    tpu.enqueue_indirect_dma source(%arg11 : memref<128x64xf32, #tpu.memory_space<vmem>>) target(%dma_start3A_60 : memref<10240x64xf32, #tpu.memory_space<vmem_shared>>) offsets(%dma_start3A_57 : memref<128xi32, #tpu.memory_space<vmem>>) semaphore(%arg15 : memref<!tpu.dma_semaphore, #tpu.memory_space<semaphore_mem>>) {add = true}
    %dma_wait3A_61 = arith.constant 0 : i32
    %dma_wait3A_62 = arith.constant 0 : i32
    %dma_wait3A_63 = tpu.memref_slice %arg9[%dma_wait3A_61, %dma_wait3A_62] : memref<80x128xi32, #tpu.memory_space<vmem>> -> memref<1x128xi32, #tpu.memory_space<vmem>>
    %dma_wait3A_64 = tpu.memref_squeeze %dma_wait3A_63 : memref<1x128xi32, #tpu.memory_space<vmem>> -> memref<128xi32, #tpu.memory_space<vmem>>
    %dma_wait3A_65 = arith.constant 0 : i32
    %dma_wait3A_66 = arith.constant 0 : i32
    %dma_wait3A_67 = tpu.memref_slice %arg8[%dma_wait3A_65, %dma_wait3A_66] : memref<10240x64xf32, #tpu.memory_space<vmem_shared>> -> memref<10240x64xf32, #tpu.memory_space<vmem_shared>>
    tpu.wait_indirect_dma semaphore(%arg14 : memref<!tpu.dma_semaphore, #tpu.memory_space<semaphore_mem>>) src(%dma_wait3A_67 : memref<10240x64xf32, #tpu.memory_space<vmem_shared>>) dst(%arg12 : memref<128x64xf32, #tpu.memory_space<vmem>>)
    %dma_start3A_68 = arith.constant 79 : i32
    %dma_start3A_69 = arith.constant 0 : i32
    %dma_start3A_70 = tpu.memref_slice %arg10[%dma_start3A_68, %dma_start3A_69] : memref<80x128xi32, #tpu.memory_space<vmem>> -> memref<1x128xi32, #tpu.memory_space<vmem>>
    %dma_start3A_71 = tpu.memref_squeeze %dma_start3A_70 : memref<1x128xi32, #tpu.memory_space<vmem>> -> memref<128xi32, #tpu.memory_space<vmem>>
    %dma_start3A_72 = arith.constant 0 : i32
    %dma_start3A_73 = arith.constant 0 : i32
    %dma_start3A_74 = tpu.memref_slice %arg7[%dma_start3A_72, %dma_start3A_73] : memref<10240x64xf32, #tpu.memory_space<vmem_shared>> -> memref<10240x64xf32, #tpu.memory_space<vmem_shared>>
    tpu.enqueue_indirect_dma source(%arg12 : memref<128x64xf32, #tpu.memory_space<vmem>>) target(%dma_start3A_74 : memref<10240x64xf32, #tpu.memory_space<vmem_shared>>) offsets(%dma_start3A_71 : memref<128xi32, #tpu.memory_space<vmem>>) semaphore(%arg16 : memref<!tpu.dma_semaphore, #tpu.memory_space<semaphore_mem>>) {add = true}
    %dma_wait3A_75 = arith.constant 0 : i32
    %dma_wait3A_76 = arith.constant 0 : i32
    %dma_wait3A_77 = tpu.memref_slice %arg10[%dma_wait3A_75, %dma_wait3A_76] : memref<80x128xi32, #tpu.memory_space<vmem>> -> memref<1x128xi32, #tpu.memory_space<vmem>>
    %dma_wait3A_78 = tpu.memref_squeeze %dma_wait3A_77 : memref<1x128xi32, #tpu.memory_space<vmem>> -> memref<128xi32, #tpu.memory_space<vmem>>
    %dma_wait3A_79 = arith.constant 0 : i32
    %dma_wait3A_80 = arith.constant 0 : i32
    %dma_wait3A_81 = tpu.memref_slice %arg7[%dma_wait3A_79, %dma_wait3A_80] : memref<10240x64xf32, #tpu.memory_space<vmem_shared>> -> memref<10240x64xf32, #tpu.memory_space<vmem_shared>>
    tpu.wait_indirect_dma semaphore(%arg15 : memref<!tpu.dma_semaphore, #tpu.memory_space<semaphore_mem>>) src(%arg11 : memref<128x64xf32, #tpu.memory_space<vmem>>) dst(%dma_wait3A_81 : memref<10240x64xf32, #tpu.memory_space<vmem_shared>>)
    %dma_wait3A_82 = arith.constant 0 : i32
    %dma_wait3A_83 = arith.constant 0 : i32
    %dma_wait3A_84 = tpu.memref_slice %arg10[%dma_wait3A_82, %dma_wait3A_83] : memref<80x128xi32, #tpu.memory_space<vmem>> -> memref<1x128xi32, #tpu.memory_space<vmem>>
    %dma_wait3A_85 = tpu.memref_squeeze %dma_wait3A_84 : memref<1x128xi32, #tpu.memory_space<vmem>> -> memref<128xi32, #tpu.memory_space<vmem>>
    %dma_wait3A_86 = arith.constant 0 : i32
    %dma_wait3A_87 = arith.constant 0 : i32
    %dma_wait3A_88 = tpu.memref_slice %arg7[%dma_wait3A_86, %dma_wait3A_87] : memref<10240x64xf32, #tpu.memory_space<vmem_shared>> -> memref<10240x64xf32, #tpu.memory_space<vmem_shared>>
    tpu.wait_indirect_dma semaphore(%arg16 : memref<!tpu.dma_semaphore, #tpu.memory_space<semaphore_mem>>) src(%arg12 : memref<128x64xf32, #tpu.memory_space<vmem>>) dst(%dma_wait3A_88 : memref<10240x64xf32, #tpu.memory_space<vmem_shared>>)
    %mul3A_89 = arith.constant 160 : i32
    %mul3A_90 = arith.muli %arg1, %mul3A_89 : i32
    %add3A_91 = arith.constant 80 : i32
    %add3A_92 = arith.addi %mul3A_90, %add3A_91 : i32
    "tpu.region"() ({
      %run_scoped3A = tpu.sem_alloc : memref<!tpu.dma_semaphore, #tpu.memory_space<semaphore_mem>>
      %dma_start3A_164 = arith.constant 0 : i32
      %dma_start3A_165 = tpu.memref_slice %arg4[%add3A_92, %dma_start3A_164] : memref<2560x128xi32, #tpu.memory_space<hbm>> -> memref<80x128xi32, #tpu.memory_space<hbm>>
      %dma_start3A_166 = arith.constant 0 : i32
      %dma_start3A_167 = tpu.memref_slice %arg4[%add3A_92, %dma_start3A_166] : memref<2560x128xi32, #tpu.memory_space<hbm>> -> memref<80x128xi32, #tpu.memory_space<hbm>>
      tpu.enqueue_dma source(%dma_start3A_167 : memref<80x128xi32, #tpu.memory_space<hbm>>) target(%arg9 : memref<80x128xi32, #tpu.memory_space<vmem>>) target_semaphore(%run_scoped3A : memref<!tpu.dma_semaphore, #tpu.memory_space<semaphore_mem>>)
      %dma_wait3A_168 = arith.constant 0 : i32
      %dma_wait3A_169 = tpu.memref_slice %arg4[%add3A_92, %dma_wait3A_168] : memref<2560x128xi32, #tpu.memory_space<hbm>> -> memref<80x128xi32, #tpu.memory_space<hbm>>
      %dma_wait3A_170 = arith.constant 0 : i32
      %dma_wait3A_171 = tpu.memref_slice %arg4[%add3A_92, %dma_wait3A_170] : memref<2560x128xi32, #tpu.memory_space<hbm>> -> memref<80x128xi32, #tpu.memory_space<hbm>>
      tpu.wait_dma2 semaphore(%run_scoped3A : memref<!tpu.dma_semaphore, #tpu.memory_space<semaphore_mem>>) src(%dma_wait3A_171 : memref<80x128xi32, #tpu.memory_space<hbm>>) dst(%arg9 : memref<80x128xi32, #tpu.memory_space<vmem>>)
      tpu.yield
    }) : () -> ()
    "tpu.region"() ({
      %run_scoped3A = tpu.sem_alloc : memref<!tpu.dma_semaphore, #tpu.memory_space<semaphore_mem>>
      %dma_start3A_164 = arith.constant 0 : i32
      %dma_start3A_165 = tpu.memref_slice %arg5[%add3A_92, %dma_start3A_164] : memref<2560x128xi32, #tpu.memory_space<hbm>> -> memref<80x128xi32, #tpu.memory_space<hbm>>
      %dma_start3A_166 = arith.constant 0 : i32
      %dma_start3A_167 = tpu.memref_slice %arg5[%add3A_92, %dma_start3A_166] : memref<2560x128xi32, #tpu.memory_space<hbm>> -> memref<80x128xi32, #tpu.memory_space<hbm>>
      tpu.enqueue_dma source(%dma_start3A_167 : memref<80x128xi32, #tpu.memory_space<hbm>>) target(%arg10 : memref<80x128xi32, #tpu.memory_space<vmem>>) target_semaphore(%run_scoped3A : memref<!tpu.dma_semaphore, #tpu.memory_space<semaphore_mem>>)
      %dma_wait3A_168 = arith.constant 0 : i32
      %dma_wait3A_169 = tpu.memref_slice %arg5[%add3A_92, %dma_wait3A_168] : memref<2560x128xi32, #tpu.memory_space<hbm>> -> memref<80x128xi32, #tpu.memory_space<hbm>>
      %dma_wait3A_170 = arith.constant 0 : i32
      %dma_wait3A_171 = tpu.memref_slice %arg5[%add3A_92, %dma_wait3A_170] : memref<2560x128xi32, #tpu.memory_space<hbm>> -> memref<80x128xi32, #tpu.memory_space<hbm>>
      tpu.wait_dma2 semaphore(%run_scoped3A : memref<!tpu.dma_semaphore, #tpu.memory_space<semaphore_mem>>) src(%dma_wait3A_171 : memref<80x128xi32, #tpu.memory_space<hbm>>) dst(%arg10 : memref<80x128xi32, #tpu.memory_space<vmem>>)
      tpu.yield
    }) : () -> ()
    %dma_start3A_93 = arith.constant 0 : i32
    %dma_start3A_94 = arith.constant 0 : i32
    %dma_start3A_95 = tpu.memref_slice %arg9[%dma_start3A_93, %dma_start3A_94] : memref<80x128xi32, #tpu.memory_space<vmem>> -> memref<1x128xi32, #tpu.memory_space<vmem>>
    %dma_start3A_96 = tpu.memref_squeeze %dma_start3A_95 : memref<1x128xi32, #tpu.memory_space<vmem>> -> memref<128xi32, #tpu.memory_space<vmem>>
    %dma_start3A_97 = arith.constant 0 : i32
    %dma_start3A_98 = arith.constant 0 : i32
    %dma_start3A_99 = tpu.memref_slice %arg8[%dma_start3A_97, %dma_start3A_98] : memref<10240x64xf32, #tpu.memory_space<vmem_shared>> -> memref<10240x64xf32, #tpu.memory_space<vmem_shared>>
    tpu.enqueue_indirect_dma source(%dma_start3A_99 : memref<10240x64xf32, #tpu.memory_space<vmem_shared>>) target(%arg11 : memref<128x64xf32, #tpu.memory_space<vmem>>) offsets(%dma_start3A_96 : memref<128xi32, #tpu.memory_space<vmem>>) semaphore(%arg13 : memref<!tpu.dma_semaphore, #tpu.memory_space<semaphore_mem>>)
    %dma_start3A_100 = arith.constant 1 : i32
    %dma_start3A_101 = arith.constant 0 : i32
    %dma_start3A_102 = tpu.memref_slice %arg9[%dma_start3A_100, %dma_start3A_101] : memref<80x128xi32, #tpu.memory_space<vmem>> -> memref<1x128xi32, #tpu.memory_space<vmem>>
    %dma_start3A_103 = tpu.memref_squeeze %dma_start3A_102 : memref<1x128xi32, #tpu.memory_space<vmem>> -> memref<128xi32, #tpu.memory_space<vmem>>
    %dma_start3A_104 = arith.constant 0 : i32
    %dma_start3A_105 = arith.constant 0 : i32
    %dma_start3A_106 = tpu.memref_slice %arg8[%dma_start3A_104, %dma_start3A_105] : memref<10240x64xf32, #tpu.memory_space<vmem_shared>> -> memref<10240x64xf32, #tpu.memory_space<vmem_shared>>
    tpu.enqueue_indirect_dma source(%dma_start3A_106 : memref<10240x64xf32, #tpu.memory_space<vmem_shared>>) target(%arg12 : memref<128x64xf32, #tpu.memory_space<vmem>>) offsets(%dma_start3A_103 : memref<128xi32, #tpu.memory_space<vmem>>) semaphore(%arg14 : memref<!tpu.dma_semaphore, #tpu.memory_space<semaphore_mem>>)
    %scan3A_107 = arith.constant 0 : i32
    %scan3A_108 = arith.constant 0 : i32
    %scan3A_109 = arith.constant 39 : i32
    %scan3A_110 = arith.addi %scan3A_108, %scan3A_109 : i32
    %scan3A_111 = arith.constant 1 : i32
    %scan3A_112 = scf.for %scan3A_164 = %scan3A_108 to %scan3A_110 step %scan3A_111 iter_args(%scan3A_165 = %scan3A_107) -> (i32)  : i32 {
      %dma_wait3A_166 = arith.constant 0 : i32
      %dma_wait3A_167 = arith.constant 0 : i32
      %dma_wait3A_168 = tpu.memref_slice %arg9[%dma_wait3A_166, %dma_wait3A_167] : memref<80x128xi32, #tpu.memory_space<vmem>> -> memref<1x128xi32, #tpu.memory_space<vmem>>
      %dma_wait3A_169 = tpu.memref_squeeze %dma_wait3A_168 : memref<1x128xi32, #tpu.memory_space<vmem>> -> memref<128xi32, #tpu.memory_space<vmem>>
      %dma_wait3A_170 = arith.constant 0 : i32
      %dma_wait3A_171 = arith.constant 0 : i32
      %dma_wait3A_172 = tpu.memref_slice %arg8[%dma_wait3A_170, %dma_wait3A_171] : memref<10240x64xf32, #tpu.memory_space<vmem_shared>> -> memref<10240x64xf32, #tpu.memory_space<vmem_shared>>
      tpu.wait_indirect_dma semaphore(%arg13 : memref<!tpu.dma_semaphore, #tpu.memory_space<semaphore_mem>>) src(%dma_wait3A_172 : memref<10240x64xf32, #tpu.memory_space<vmem_shared>>) dst(%arg11 : memref<128x64xf32, #tpu.memory_space<vmem>>)
      %mul3A_173 = arith.constant 2 : i32
      %mul3A_174 = arith.muli %scan3A_164, %mul3A_173 : i32
      %add3A_175 = arith.constant 0 : i32
      %add3A_176 = arith.addi %mul3A_174, %add3A_175 : i32
      %dma_start3A_177 = arith.constant 0 : i32
      %dma_start3A_178 = tpu.memref_slice %arg10[%add3A_176, %dma_start3A_177] : memref<80x128xi32, #tpu.memory_space<vmem>> -> memref<1x128xi32, #tpu.memory_space<vmem>>
      %dma_start3A_179 = tpu.memref_squeeze %dma_start3A_178 : memref<1x128xi32, #tpu.memory_space<vmem>> -> memref<128xi32, #tpu.memory_space<vmem>>
      %dma_start3A_180 = arith.constant 0 : i32
      %dma_start3A_181 = arith.constant 0 : i32
      %dma_start3A_182 = tpu.memref_slice %arg7[%dma_start3A_180, %dma_start3A_181] : memref<10240x64xf32, #tpu.memory_space<vmem_shared>> -> memref<10240x64xf32, #tpu.memory_space<vmem_shared>>
      tpu.enqueue_indirect_dma source(%arg11 : memref<128x64xf32, #tpu.memory_space<vmem>>) target(%dma_start3A_182 : memref<10240x64xf32, #tpu.memory_space<vmem_shared>>) offsets(%dma_start3A_179 : memref<128xi32, #tpu.memory_space<vmem>>) semaphore(%arg15 : memref<!tpu.dma_semaphore, #tpu.memory_space<semaphore_mem>>) {add = true}
      %dma_wait3A_183 = arith.constant 0 : i32
      %dma_wait3A_184 = arith.constant 0 : i32
      %dma_wait3A_185 = tpu.memref_slice %arg9[%dma_wait3A_183, %dma_wait3A_184] : memref<80x128xi32, #tpu.memory_space<vmem>> -> memref<1x128xi32, #tpu.memory_space<vmem>>
      %dma_wait3A_186 = tpu.memref_squeeze %dma_wait3A_185 : memref<1x128xi32, #tpu.memory_space<vmem>> -> memref<128xi32, #tpu.memory_space<vmem>>
      %dma_wait3A_187 = arith.constant 0 : i32
      %dma_wait3A_188 = arith.constant 0 : i32
      %dma_wait3A_189 = tpu.memref_slice %arg8[%dma_wait3A_187, %dma_wait3A_188] : memref<10240x64xf32, #tpu.memory_space<vmem_shared>> -> memref<10240x64xf32, #tpu.memory_space<vmem_shared>>
      tpu.wait_indirect_dma semaphore(%arg14 : memref<!tpu.dma_semaphore, #tpu.memory_space<semaphore_mem>>) src(%dma_wait3A_189 : memref<10240x64xf32, #tpu.memory_space<vmem_shared>>) dst(%arg12 : memref<128x64xf32, #tpu.memory_space<vmem>>)
      %mul3A_190 = arith.constant 2 : i32
      %mul3A_191 = arith.muli %scan3A_164, %mul3A_190 : i32
      %add3A_192 = arith.constant 1 : i32
      %add3A_193 = arith.addi %mul3A_191, %add3A_192 : i32
      %dma_start3A_194 = arith.constant 0 : i32
      %dma_start3A_195 = tpu.memref_slice %arg10[%add3A_193, %dma_start3A_194] : memref<80x128xi32, #tpu.memory_space<vmem>> -> memref<1x128xi32, #tpu.memory_space<vmem>>
      %dma_start3A_196 = tpu.memref_squeeze %dma_start3A_195 : memref<1x128xi32, #tpu.memory_space<vmem>> -> memref<128xi32, #tpu.memory_space<vmem>>
      %dma_start3A_197 = arith.constant 0 : i32
      %dma_start3A_198 = arith.constant 0 : i32
      %dma_start3A_199 = tpu.memref_slice %arg7[%dma_start3A_197, %dma_start3A_198] : memref<10240x64xf32, #tpu.memory_space<vmem_shared>> -> memref<10240x64xf32, #tpu.memory_space<vmem_shared>>
      tpu.enqueue_indirect_dma source(%arg12 : memref<128x64xf32, #tpu.memory_space<vmem>>) target(%dma_start3A_199 : memref<10240x64xf32, #tpu.memory_space<vmem_shared>>) offsets(%dma_start3A_196 : memref<128xi32, #tpu.memory_space<vmem>>) semaphore(%arg16 : memref<!tpu.dma_semaphore, #tpu.memory_space<semaphore_mem>>) {add = true}
      %dma_wait3A_200 = arith.constant 0 : i32
      %dma_wait3A_201 = arith.constant 0 : i32
      %dma_wait3A_202 = tpu.memref_slice %arg10[%dma_wait3A_200, %dma_wait3A_201] : memref<80x128xi32, #tpu.memory_space<vmem>> -> memref<1x128xi32, #tpu.memory_space<vmem>>
      %dma_wait3A_203 = tpu.memref_squeeze %dma_wait3A_202 : memref<1x128xi32, #tpu.memory_space<vmem>> -> memref<128xi32, #tpu.memory_space<vmem>>
      %dma_wait3A_204 = arith.constant 0 : i32
      %dma_wait3A_205 = arith.constant 0 : i32
      %dma_wait3A_206 = tpu.memref_slice %arg7[%dma_wait3A_204, %dma_wait3A_205] : memref<10240x64xf32, #tpu.memory_space<vmem_shared>> -> memref<10240x64xf32, #tpu.memory_space<vmem_shared>>
      tpu.wait_indirect_dma semaphore(%arg15 : memref<!tpu.dma_semaphore, #tpu.memory_space<semaphore_mem>>) src(%arg11 : memref<128x64xf32, #tpu.memory_space<vmem>>) dst(%dma_wait3A_206 : memref<10240x64xf32, #tpu.memory_space<vmem_shared>>)
      %add3A_207 = arith.constant 1 : i32
      %add3A_208 = arith.addi %scan3A_164, %add3A_207 : i32
      %mul3A_209 = arith.constant 2 : i32
      %mul3A_210 = arith.muli %add3A_208, %mul3A_209 : i32
      %add3A_211 = arith.constant 0 : i32
      %add3A_212 = arith.addi %mul3A_210, %add3A_211 : i32
      %dma_start3A_213 = arith.constant 0 : i32
      %dma_start3A_214 = tpu.memref_slice %arg9[%add3A_212, %dma_start3A_213] : memref<80x128xi32, #tpu.memory_space<vmem>> -> memref<1x128xi32, #tpu.memory_space<vmem>>
      %dma_start3A_215 = tpu.memref_squeeze %dma_start3A_214 : memref<1x128xi32, #tpu.memory_space<vmem>> -> memref<128xi32, #tpu.memory_space<vmem>>
      %dma_start3A_216 = arith.constant 0 : i32
      %dma_start3A_217 = arith.constant 0 : i32
      %dma_start3A_218 = tpu.memref_slice %arg8[%dma_start3A_216, %dma_start3A_217] : memref<10240x64xf32, #tpu.memory_space<vmem_shared>> -> memref<10240x64xf32, #tpu.memory_space<vmem_shared>>
      tpu.enqueue_indirect_dma source(%dma_start3A_218 : memref<10240x64xf32, #tpu.memory_space<vmem_shared>>) target(%arg11 : memref<128x64xf32, #tpu.memory_space<vmem>>) offsets(%dma_start3A_215 : memref<128xi32, #tpu.memory_space<vmem>>) semaphore(%arg13 : memref<!tpu.dma_semaphore, #tpu.memory_space<semaphore_mem>>)
      %dma_wait3A_219 = arith.constant 0 : i32
      %dma_wait3A_220 = arith.constant 0 : i32
      %dma_wait3A_221 = tpu.memref_slice %arg10[%dma_wait3A_219, %dma_wait3A_220] : memref<80x128xi32, #tpu.memory_space<vmem>> -> memref<1x128xi32, #tpu.memory_space<vmem>>
      %dma_wait3A_222 = tpu.memref_squeeze %dma_wait3A_221 : memref<1x128xi32, #tpu.memory_space<vmem>> -> memref<128xi32, #tpu.memory_space<vmem>>
      %dma_wait3A_223 = arith.constant 0 : i32
      %dma_wait3A_224 = arith.constant 0 : i32
      %dma_wait3A_225 = tpu.memref_slice %arg7[%dma_wait3A_223, %dma_wait3A_224] : memref<10240x64xf32, #tpu.memory_space<vmem_shared>> -> memref<10240x64xf32, #tpu.memory_space<vmem_shared>>
      tpu.wait_indirect_dma semaphore(%arg16 : memref<!tpu.dma_semaphore, #tpu.memory_space<semaphore_mem>>) src(%arg12 : memref<128x64xf32, #tpu.memory_space<vmem>>) dst(%dma_wait3A_225 : memref<10240x64xf32, #tpu.memory_space<vmem_shared>>)
      %add3A_226 = arith.constant 1 : i32
      %add3A_227 = arith.addi %scan3A_164, %add3A_226 : i32
      %mul3A_228 = arith.constant 2 : i32
      %mul3A_229 = arith.muli %add3A_227, %mul3A_228 : i32
      %add3A_230 = arith.constant 1 : i32
      %add3A_231 = arith.addi %mul3A_229, %add3A_230 : i32
      %dma_start3A_232 = arith.constant 0 : i32
      %dma_start3A_233 = tpu.memref_slice %arg9[%add3A_231, %dma_start3A_232] : memref<80x128xi32, #tpu.memory_space<vmem>> -> memref<1x128xi32, #tpu.memory_space<vmem>>
      %dma_start3A_234 = tpu.memref_squeeze %dma_start3A_233 : memref<1x128xi32, #tpu.memory_space<vmem>> -> memref<128xi32, #tpu.memory_space<vmem>>
      %dma_start3A_235 = arith.constant 0 : i32
      %dma_start3A_236 = arith.constant 0 : i32
      %dma_start3A_237 = tpu.memref_slice %arg8[%dma_start3A_235, %dma_start3A_236] : memref<10240x64xf32, #tpu.memory_space<vmem_shared>> -> memref<10240x64xf32, #tpu.memory_space<vmem_shared>>
      tpu.enqueue_indirect_dma source(%dma_start3A_237 : memref<10240x64xf32, #tpu.memory_space<vmem_shared>>) target(%arg12 : memref<128x64xf32, #tpu.memory_space<vmem>>) offsets(%dma_start3A_234 : memref<128xi32, #tpu.memory_space<vmem>>) semaphore(%arg14 : memref<!tpu.dma_semaphore, #tpu.memory_space<semaphore_mem>>)
      %scan3A_238 = arith.constant 0 : i32
      scf.yield %scan3A_238 : i32
    }
    %scan3A_113 = arith.constant 39 : i32
    %dma_wait3A_114 = arith.constant 0 : i32
    %dma_wait3A_115 = arith.constant 0 : i32
    %dma_wait3A_116 = tpu.memref_slice %arg9[%dma_wait3A_114, %dma_wait3A_115] : memref<80x128xi32, #tpu.memory_space<vmem>> -> memref<1x128xi32, #tpu.memory_space<vmem>>
    %dma_wait3A_117 = tpu.memref_squeeze %dma_wait3A_116 : memref<1x128xi32, #tpu.memory_space<vmem>> -> memref<128xi32, #tpu.memory_space<vmem>>
    %dma_wait3A_118 = arith.constant 0 : i32
    %dma_wait3A_119 = arith.constant 0 : i32
    %dma_wait3A_120 = tpu.memref_slice %arg8[%dma_wait3A_118, %dma_wait3A_119] : memref<10240x64xf32, #tpu.memory_space<vmem_shared>> -> memref<10240x64xf32, #tpu.memory_space<vmem_shared>>
    tpu.wait_indirect_dma semaphore(%arg13 : memref<!tpu.dma_semaphore, #tpu.memory_space<semaphore_mem>>) src(%dma_wait3A_120 : memref<10240x64xf32, #tpu.memory_space<vmem_shared>>) dst(%arg11 : memref<128x64xf32, #tpu.memory_space<vmem>>)
    %dma_start3A_121 = arith.constant 78 : i32
    %dma_start3A_122 = arith.constant 0 : i32
    %dma_start3A_123 = tpu.memref_slice %arg10[%dma_start3A_121, %dma_start3A_122] : memref<80x128xi32, #tpu.memory_space<vmem>> -> memref<1x128xi32, #tpu.memory_space<vmem>>
    %dma_start3A_124 = tpu.memref_squeeze %dma_start3A_123 : memref<1x128xi32, #tpu.memory_space<vmem>> -> memref<128xi32, #tpu.memory_space<vmem>>
    %dma_start3A_125 = arith.constant 0 : i32
    %dma_start3A_126 = arith.constant 0 : i32
    %dma_start3A_127 = tpu.memref_slice %arg7[%dma_start3A_125, %dma_start3A_126] : memref<10240x64xf32, #tpu.memory_space<vmem_shared>> -> memref<10240x64xf32, #tpu.memory_space<vmem_shared>>
    tpu.enqueue_indirect_dma source(%arg11 : memref<128x64xf32, #tpu.memory_space<vmem>>) target(%dma_start3A_127 : memref<10240x64xf32, #tpu.memory_space<vmem_shared>>) offsets(%dma_start3A_124 : memref<128xi32, #tpu.memory_space<vmem>>) semaphore(%arg15 : memref<!tpu.dma_semaphore, #tpu.memory_space<semaphore_mem>>) {add = true}
    %dma_wait3A_128 = arith.constant 0 : i32
    %dma_wait3A_129 = arith.constant 0 : i32
    %dma_wait3A_130 = tpu.memref_slice %arg9[%dma_wait3A_128, %dma_wait3A_129] : memref<80x128xi32, #tpu.memory_space<vmem>> -> memref<1x128xi32, #tpu.memory_space<vmem>>
    %dma_wait3A_131 = tpu.memref_squeeze %dma_wait3A_130 : memref<1x128xi32, #tpu.memory_space<vmem>> -> memref<128xi32, #tpu.memory_space<vmem>>
    %dma_wait3A_132 = arith.constant 0 : i32
    %dma_wait3A_133 = arith.constant 0 : i32
    %dma_wait3A_134 = tpu.memref_slice %arg8[%dma_wait3A_132, %dma_wait3A_133] : memref<10240x64xf32, #tpu.memory_space<vmem_shared>> -> memref<10240x64xf32, #tpu.memory_space<vmem_shared>>
    tpu.wait_indirect_dma semaphore(%arg14 : memref<!tpu.dma_semaphore, #tpu.memory_space<semaphore_mem>>) src(%dma_wait3A_134 : memref<10240x64xf32, #tpu.memory_space<vmem_shared>>) dst(%arg12 : memref<128x64xf32, #tpu.memory_space<vmem>>)
    %dma_start3A_135 = arith.constant 79 : i32
    %dma_start3A_136 = arith.constant 0 : i32
    %dma_start3A_137 = tpu.memref_slice %arg10[%dma_start3A_135, %dma_start3A_136] : memref<80x128xi32, #tpu.memory_space<vmem>> -> memref<1x128xi32, #tpu.memory_space<vmem>>
    %dma_start3A_138 = tpu.memref_squeeze %dma_start3A_137 : memref<1x128xi32, #tpu.memory_space<vmem>> -> memref<128xi32, #tpu.memory_space<vmem>>
    %dma_start3A_139 = arith.constant 0 : i32
    %dma_start3A_140 = arith.constant 0 : i32
    %dma_start3A_141 = tpu.memref_slice %arg7[%dma_start3A_139, %dma_start3A_140] : memref<10240x64xf32, #tpu.memory_space<vmem_shared>> -> memref<10240x64xf32, #tpu.memory_space<vmem_shared>>
    tpu.enqueue_indirect_dma source(%arg12 : memref<128x64xf32, #tpu.memory_space<vmem>>) target(%dma_start3A_141 : memref<10240x64xf32, #tpu.memory_space<vmem_shared>>) offsets(%dma_start3A_138 : memref<128xi32, #tpu.memory_space<vmem>>) semaphore(%arg16 : memref<!tpu.dma_semaphore, #tpu.memory_space<semaphore_mem>>) {add = true}
    %dma_wait3A_142 = arith.constant 0 : i32
    %dma_wait3A_143 = arith.constant 0 : i32
    %dma_wait3A_144 = tpu.memref_slice %arg10[%dma_wait3A_142, %dma_wait3A_143] : memref<80x128xi32, #tpu.memory_space<vmem>> -> memref<1x128xi32, #tpu.memory_space<vmem>>
    %dma_wait3A_145 = tpu.memref_squeeze %dma_wait3A_144 : memref<1x128xi32, #tpu.memory_space<vmem>> -> memref<128xi32, #tpu.memory_space<vmem>>
    %dma_wait3A_146 = arith.constant 0 : i32
    %dma_wait3A_147 = arith.constant 0 : i32
    %dma_wait3A_148 = tpu.memref_slice %arg7[%dma_wait3A_146, %dma_wait3A_147] : memref<10240x64xf32, #tpu.memory_space<vmem_shared>> -> memref<10240x64xf32, #tpu.memory_space<vmem_shared>>
    tpu.wait_indirect_dma semaphore(%arg15 : memref<!tpu.dma_semaphore, #tpu.memory_space<semaphore_mem>>) src(%arg11 : memref<128x64xf32, #tpu.memory_space<vmem>>) dst(%dma_wait3A_148 : memref<10240x64xf32, #tpu.memory_space<vmem_shared>>)
    %dma_wait3A_149 = arith.constant 0 : i32
    %dma_wait3A_150 = arith.constant 0 : i32
    %dma_wait3A_151 = tpu.memref_slice %arg10[%dma_wait3A_149, %dma_wait3A_150] : memref<80x128xi32, #tpu.memory_space<vmem>> -> memref<1x128xi32, #tpu.memory_space<vmem>>
    %dma_wait3A_152 = tpu.memref_squeeze %dma_wait3A_151 : memref<1x128xi32, #tpu.memory_space<vmem>> -> memref<128xi32, #tpu.memory_space<vmem>>
    %dma_wait3A_153 = arith.constant 0 : i32
    %dma_wait3A_154 = arith.constant 0 : i32
    %dma_wait3A_155 = tpu.memref_slice %arg7[%dma_wait3A_153, %dma_wait3A_154] : memref<10240x64xf32, #tpu.memory_space<vmem_shared>> -> memref<10240x64xf32, #tpu.memory_space<vmem_shared>>
    tpu.wait_indirect_dma semaphore(%arg16 : memref<!tpu.dma_semaphore, #tpu.memory_space<semaphore_mem>>) src(%arg12 : memref<128x64xf32, #tpu.memory_space<vmem>>) dst(%dma_wait3A_155 : memref<10240x64xf32, #tpu.memory_space<vmem_shared>>)
    %barrier3A_156 = arith.constant 0 : index
    tpu.barrier barrier_id(%barrier3A_156)
    %scan3A_157 = arith.constant 0 : i32
    %scan3A_158 = arith.constant 0 : i32
    %scan3A_159 = arith.constant 5 : i32
    %scan3A_160 = arith.addi %scan3A_158, %scan3A_159 : i32
    %scan3A_161 = arith.constant 1 : i32
    %scan3A_162 = scf.for %scan3A_164 = %scan3A_158 to %scan3A_160 step %scan3A_161 iter_args(%scan3A_165 = %scan3A_157) -> (i32)  : i32 {
      %mul3A_166 = arith.constant 640 : i32
      %mul3A_167 = arith.muli %arg1, %mul3A_166 : i32
      %mul3A_168 = arith.constant 128 : i32
      %mul3A_169 = arith.muli %scan3A_164, %mul3A_168 : i32
      %add3A_170 = arith.addi %mul3A_167, %mul3A_169 : i32
      "tpu.region"() ({
        %run_scoped3A = tpu.sem_alloc : memref<!tpu.dma_semaphore, #tpu.memory_space<semaphore_mem>>
        %dma_start3A_175 = arith.constant 0 : i32
        %dma_start3A_176 = tpu.memref_slice %arg7[%add3A_170, %dma_start3A_175] : memref<10240x64xf32, #tpu.memory_space<vmem_shared>> -> memref<128x64xf32, #tpu.memory_space<vmem_shared>>
        %dma_start3A_177 = arith.constant 0 : i32
        %dma_start3A_178 = tpu.memref_slice %arg7[%add3A_170, %dma_start3A_177] : memref<10240x64xf32, #tpu.memory_space<vmem_shared>> -> memref<128x64xf32, #tpu.memory_space<vmem_shared>>
        tpu.enqueue_dma source(%dma_start3A_178 : memref<128x64xf32, #tpu.memory_space<vmem_shared>>) target(%arg11 : memref<128x64xf32, #tpu.memory_space<vmem>>) target_semaphore(%run_scoped3A : memref<!tpu.dma_semaphore, #tpu.memory_space<semaphore_mem>>)
        %dma_wait3A_179 = arith.constant 0 : i32
        %dma_wait3A_180 = tpu.memref_slice %arg7[%add3A_170, %dma_wait3A_179] : memref<10240x64xf32, #tpu.memory_space<vmem_shared>> -> memref<128x64xf32, #tpu.memory_space<vmem_shared>>
        %dma_wait3A_181 = arith.constant 0 : i32
        %dma_wait3A_182 = tpu.memref_slice %arg7[%add3A_170, %dma_wait3A_181] : memref<10240x64xf32, #tpu.memory_space<vmem_shared>> -> memref<128x64xf32, #tpu.memory_space<vmem_shared>>
        tpu.wait_dma2 semaphore(%run_scoped3A : memref<!tpu.dma_semaphore, #tpu.memory_space<semaphore_mem>>) src(%dma_wait3A_182 : memref<128x64xf32, #tpu.memory_space<vmem_shared>>) dst(%arg11 : memref<128x64xf32, #tpu.memory_space<vmem>>)
        tpu.yield
      }) : () -> ()
      %mul3A_171 = arith.constant 10240 : i32
      %mul3A_172 = arith.muli %arg0, %mul3A_171 : i32
      %add3A_173 = arith.addi %mul3A_172, %add3A_170 : i32
      "tpu.region"() ({
        %run_scoped3A = tpu.sem_alloc : memref<!tpu.dma_semaphore, #tpu.memory_space<semaphore_mem>>
        %dma_start3A_175 = arith.constant 0 : i32
        %dma_start3A_176 = tpu.memref_slice %arg6[%add3A_173, %dma_start3A_175] : memref<20480x64xf32, #tpu.memory_space<hbm>> -> memref<128x64xf32, #tpu.memory_space<hbm>>
        %dma_start3A_177 = arith.constant 0 : i32
        %dma_start3A_178 = tpu.memref_slice %arg6[%add3A_173, %dma_start3A_177] : memref<20480x64xf32, #tpu.memory_space<hbm>> -> memref<128x64xf32, #tpu.memory_space<hbm>>
        tpu.enqueue_dma source(%arg11 : memref<128x64xf32, #tpu.memory_space<vmem>>) target(%dma_start3A_178 : memref<128x64xf32, #tpu.memory_space<hbm>>) target_semaphore(%run_scoped3A : memref<!tpu.dma_semaphore, #tpu.memory_space<semaphore_mem>>)
        %dma_wait3A_179 = arith.constant 0 : i32
        %dma_wait3A_180 = tpu.memref_slice %arg6[%add3A_173, %dma_wait3A_179] : memref<20480x64xf32, #tpu.memory_space<hbm>> -> memref<128x64xf32, #tpu.memory_space<hbm>>
        %dma_wait3A_181 = arith.constant 0 : i32
        %dma_wait3A_182 = tpu.memref_slice %arg6[%add3A_173, %dma_wait3A_181] : memref<20480x64xf32, #tpu.memory_space<hbm>> -> memref<128x64xf32, #tpu.memory_space<hbm>>
        tpu.wait_dma2 semaphore(%run_scoped3A : memref<!tpu.dma_semaphore, #tpu.memory_space<semaphore_mem>>) src(%arg11 : memref<128x64xf32, #tpu.memory_space<vmem>>) dst(%dma_wait3A_182 : memref<128x64xf32, #tpu.memory_space<hbm>>)
        tpu.yield
      }) : () -> ()
      %scan3A_174 = arith.constant 0 : i32
      scf.yield %scan3A_174 : i32
    }
    %scan3A_163 = arith.constant 5 : i32
    return
  }
}

#map = affine_map<(d0, d1) -> (0, 0)>
#map1 = affine_map<(d0, d1) -> (0)>
module attributes {stable_mosaic.version = 14 : i64} {
  func.func @_deg_sc(%arg0: i32, %arg1: i32, %arg2: memref<2560x128xi32, #tpu.memory_space<hbm>>, %arg3: memref<20480xf32, #tpu.memory_space<hbm>>, %arg4: memref<10240xf32, #tpu.memory_space<vmem_shared>>, %arg5: memref<80x128xi32, #tpu.memory_space<vmem>>, %arg6: memref<128xf32, #tpu.memory_space<vmem>>, %arg7: memref<640xf32, #tpu.memory_space<vmem>>, %arg8: memref<!tpu.dma_semaphore, #tpu.memory_space<semaphore_mem>>, %arg9: memref<!tpu.dma_semaphore, #tpu.memory_space<semaphore_mem>>, %arg10: memref<!tpu.dma_semaphore, #tpu.memory_space<semaphore_mem>>, %arg11: memref<!tpu.dma_semaphore, #tpu.memory_space<semaphore_mem>>, %arg12: memref<!tpu.dma_semaphore, #tpu.memory_space<semaphore_mem>>) attributes {dimension_semantics = [#tpu.dimension_semantics<core_parallel>, #tpu.dimension_semantics<subcore_parallel>], iteration_bounds = array<i64: 2, 16>, scalar_prefetch = 0 : i64, scratch_operands = 9 : i64, tpu.core_type = #tpu.core_type<sc_vector_subcore>, window_params = [{transform_indices = #map}, {transform_indices = #map1}]} {
    %mul3A = arith.constant 2 : i32
    %mul3A_0 = arith.muli %arg1, %mul3A : i32
    %add3A = arith.addi %mul3A_0, %arg0 : i32
    %scan3A = arith.constant 0 : i32
    %scan3A_1 = arith.constant 0 : i32
    %scan3A_2 = arith.constant 40 : i32
    %scan3A_3 = arith.addi %scan3A_1, %scan3A_2 : i32
    %scan3A_4 = arith.constant 1 : i32
    %scan3A_5 = scf.for %scan3A_91 = %scan3A_1 to %scan3A_3 step %scan3A_4 iter_args(%scan3A_92 = %scan3A) -> (i32)  : i32 {
      %broadcast_in_dim3A = arith.constant 0.000000e+00 : f32
      %broadcast_in_dim3A_93 = vector.broadcast %broadcast_in_dim3A : f32 to vector<16xf32>
      %mul3A_94 = arith.constant 16 : i32
      %mul3A_95 = arith.muli %scan3A_91, %mul3A_94 : i32
      %swap3A = arith.index_cast %mul3A_95 : i32 to index
      %swap3A_96 = tpu.vector_load %arg7[%swap3A] {strides = array<i32>} : memref<640xf32, #tpu.memory_space<vmem>>, vector<16xf32>,
      %swap3A_97 = vector.shape_cast %swap3A_96 : vector<16xf32> to vector<16xf32>
      %swap3A_98 = vector.shape_cast %broadcast_in_dim3A_93 : vector<16xf32> to vector<16xf32>
      tpu.vector_store %arg7[%swap3A], %swap3A_98 {strides = array<i32>} : memref<640xf32, #tpu.memory_space<vmem>>, vector<16xf32>,
      %scan3A_99 = arith.constant 0 : i32
      scf.yield %scan3A_99 : i32
    }
    %scan3A_6 = arith.constant 40 : i32
    %scan3A_7 = arith.constant 0 : i32
    %scan3A_8 = arith.constant 0 : i32
    %scan3A_9 = arith.constant 8 : i32
    %scan3A_10 = arith.addi %scan3A_8, %scan3A_9 : i32
    %scan3A_11 = arith.constant 1 : i32
    %scan3A_12 = scf.for %scan3A_91 = %scan3A_8 to %scan3A_10 step %scan3A_11 iter_args(%scan3A_92 = %scan3A_7) -> (i32)  : i32 {
      %broadcast_in_dim3A = arith.constant 1.000000e+00 : f32
      %broadcast_in_dim3A_93 = vector.broadcast %broadcast_in_dim3A : f32 to vector<16xf32>
      %mul3A_94 = arith.constant 16 : i32
      %mul3A_95 = arith.muli %scan3A_91, %mul3A_94 : i32
      %swap3A = arith.index_cast %mul3A_95 : i32 to index
      %swap3A_96 = tpu.vector_load %arg6[%swap3A] {strides = array<i32>} : memref<128xf32, #tpu.memory_space<vmem>>, vector<16xf32>,
      %swap3A_97 = vector.shape_cast %swap3A_96 : vector<16xf32> to vector<16xf32>
      %swap3A_98 = vector.shape_cast %broadcast_in_dim3A_93 : vector<16xf32> to vector<16xf32>
      tpu.vector_store %arg6[%swap3A], %swap3A_98 {strides = array<i32>} : memref<128xf32, #tpu.memory_space<vmem>>, vector<16xf32>,
      %scan3A_99 = arith.constant 0 : i32
      scf.yield %scan3A_99 : i32
    }
    %scan3A_13 = arith.constant 8 : i32
    %mul3A_14 = arith.constant 640 : i32
    %mul3A_15 = arith.muli %arg1, %mul3A_14 : i32
    "tpu.region"() ({
      %run_scoped3A = tpu.sem_alloc : memref<!tpu.dma_semaphore, #tpu.memory_space<semaphore_mem>>
      %dma_start3A_91 = tpu.memref_slice %arg4[%mul3A_15] : memref<10240xf32, #tpu.memory_space<vmem_shared>> -> memref<640xf32, #tpu.memory_space<vmem_shared>>
      %dma_start3A_92 = tpu.memref_slice %arg4[%mul3A_15] : memref<10240xf32, #tpu.memory_space<vmem_shared>> -> memref<640xf32, #tpu.memory_space<vmem_shared>>
      tpu.enqueue_dma source(%arg7 : memref<640xf32, #tpu.memory_space<vmem>>) target(%dma_start3A_92 : memref<640xf32, #tpu.memory_space<vmem_shared>>) target_semaphore(%run_scoped3A : memref<!tpu.dma_semaphore, #tpu.memory_space<semaphore_mem>>)
      %dma_wait3A_93 = tpu.memref_slice %arg4[%mul3A_15] : memref<10240xf32, #tpu.memory_space<vmem_shared>> -> memref<640xf32, #tpu.memory_space<vmem_shared>>
      %dma_wait3A_94 = tpu.memref_slice %arg4[%mul3A_15] : memref<10240xf32, #tpu.memory_space<vmem_shared>> -> memref<640xf32, #tpu.memory_space<vmem_shared>>
      tpu.wait_dma2 semaphore(%run_scoped3A : memref<!tpu.dma_semaphore, #tpu.memory_space<semaphore_mem>>) src(%arg7 : memref<640xf32, #tpu.memory_space<vmem>>) dst(%dma_wait3A_94 : memref<640xf32, #tpu.memory_space<vmem_shared>>)
      tpu.yield
    }) : () -> ()
    %mul3A_16 = arith.constant 80 : i32
    %mul3A_17 = arith.muli %add3A, %mul3A_16 : i32
    "tpu.region"() ({
      %run_scoped3A = tpu.sem_alloc : memref<!tpu.dma_semaphore, #tpu.memory_space<semaphore_mem>>
      %dma_start3A_91 = arith.constant 0 : i32
      %dma_start3A_92 = tpu.memref_slice %arg2[%mul3A_17, %dma_start3A_91] : memref<2560x128xi32, #tpu.memory_space<hbm>> -> memref<80x128xi32, #tpu.memory_space<hbm>>
      %dma_start3A_93 = arith.constant 0 : i32
      %dma_start3A_94 = tpu.memref_slice %arg2[%mul3A_17, %dma_start3A_93] : memref<2560x128xi32, #tpu.memory_space<hbm>> -> memref<80x128xi32, #tpu.memory_space<hbm>>
      tpu.enqueue_dma source(%dma_start3A_94 : memref<80x128xi32, #tpu.memory_space<hbm>>) target(%arg5 : memref<80x128xi32, #tpu.memory_space<vmem>>) target_semaphore(%run_scoped3A : memref<!tpu.dma_semaphore, #tpu.memory_space<semaphore_mem>>)
      %dma_wait3A_95 = arith.constant 0 : i32
      %dma_wait3A_96 = tpu.memref_slice %arg2[%mul3A_17, %dma_wait3A_95] : memref<2560x128xi32, #tpu.memory_space<hbm>> -> memref<80x128xi32, #tpu.memory_space<hbm>>
      %dma_wait3A_97 = arith.constant 0 : i32
      %dma_wait3A_98 = tpu.memref_slice %arg2[%mul3A_17, %dma_wait3A_97] : memref<2560x128xi32, #tpu.memory_space<hbm>> -> memref<80x128xi32, #tpu.memory_space<hbm>>
      tpu.wait_dma2 semaphore(%run_scoped3A : memref<!tpu.dma_semaphore, #tpu.memory_space<semaphore_mem>>) src(%dma_wait3A_98 : memref<80x128xi32, #tpu.memory_space<hbm>>) dst(%arg5 : memref<80x128xi32, #tpu.memory_space<vmem>>)
      tpu.yield
    }) : () -> ()
    %barrier3A = arith.constant 0 : index
    tpu.barrier barrier_id(%barrier3A)
    %dma_start3A = arith.constant 0 : i32
    %dma_start3A_18 = arith.constant 0 : i32
    %dma_start3A_19 = tpu.memref_slice %arg5[%dma_start3A, %dma_start3A_18] : memref<80x128xi32, #tpu.memory_space<vmem>> -> memref<1x128xi32, #tpu.memory_space<vmem>>
    %dma_start3A_20 = tpu.memref_squeeze %dma_start3A_19 : memref<1x128xi32, #tpu.memory_space<vmem>> -> memref<128xi32, #tpu.memory_space<vmem>>
    %dma_start3A_21 = arith.constant 0 : i32
    %dma_start3A_22 = tpu.memref_slice %arg4[%dma_start3A_21] : memref<10240xf32, #tpu.memory_space<vmem_shared>> -> memref<10240xf32, #tpu.memory_space<vmem_shared>>
    tpu.enqueue_indirect_dma source(%arg6 : memref<128xf32, #tpu.memory_space<vmem>>) target(%dma_start3A_22 : memref<10240xf32, #tpu.memory_space<vmem_shared>>) offsets(%dma_start3A_20 : memref<128xi32, #tpu.memory_space<vmem>>) semaphore(%arg8 : memref<!tpu.dma_semaphore, #tpu.memory_space<semaphore_mem>>) {add = true}
    %dma_start3A_23 = arith.constant 1 : i32
    %dma_start3A_24 = arith.constant 0 : i32
    %dma_start3A_25 = tpu.memref_slice %arg5[%dma_start3A_23, %dma_start3A_24] : memref<80x128xi32, #tpu.memory_space<vmem>> -> memref<1x128xi32, #tpu.memory_space<vmem>>
    %dma_start3A_26 = tpu.memref_squeeze %dma_start3A_25 : memref<1x128xi32, #tpu.memory_space<vmem>> -> memref<128xi32, #tpu.memory_space<vmem>>
    %dma_start3A_27 = arith.constant 0 : i32
    %dma_start3A_28 = tpu.memref_slice %arg4[%dma_start3A_27] : memref<10240xf32, #tpu.memory_space<vmem_shared>> -> memref<10240xf32, #tpu.memory_space<vmem_shared>>
    tpu.enqueue_indirect_dma source(%arg6 : memref<128xf32, #tpu.memory_space<vmem>>) target(%dma_start3A_28 : memref<10240xf32, #tpu.memory_space<vmem_shared>>) offsets(%dma_start3A_26 : memref<128xi32, #tpu.memory_space<vmem>>) semaphore(%arg9 : memref<!tpu.dma_semaphore, #tpu.memory_space<semaphore_mem>>) {add = true}
    %dma_start3A_29 = arith.constant 2 : i32
    %dma_start3A_30 = arith.constant 0 : i32
    %dma_start3A_31 = tpu.memref_slice %arg5[%dma_start3A_29, %dma_start3A_30] : memref<80x128xi32, #tpu.memory_space<vmem>> -> memref<1x128xi32, #tpu.memory_space<vmem>>
    %dma_start3A_32 = tpu.memref_squeeze %dma_start3A_31 : memref<1x128xi32, #tpu.memory_space<vmem>> -> memref<128xi32, #tpu.memory_space<vmem>>
    %dma_start3A_33 = arith.constant 0 : i32
    %dma_start3A_34 = tpu.memref_slice %arg4[%dma_start3A_33] : memref<10240xf32, #tpu.memory_space<vmem_shared>> -> memref<10240xf32, #tpu.memory_space<vmem_shared>>
    tpu.enqueue_indirect_dma source(%arg6 : memref<128xf32, #tpu.memory_space<vmem>>) target(%dma_start3A_34 : memref<10240xf32, #tpu.memory_space<vmem_shared>>) offsets(%dma_start3A_32 : memref<128xi32, #tpu.memory_space<vmem>>) semaphore(%arg10 : memref<!tpu.dma_semaphore, #tpu.memory_space<semaphore_mem>>) {add = true}
    %dma_start3A_35 = arith.constant 3 : i32
    %dma_start3A_36 = arith.constant 0 : i32
    %dma_start3A_37 = tpu.memref_slice %arg5[%dma_start3A_35, %dma_start3A_36] : memref<80x128xi32, #tpu.memory_space<vmem>> -> memref<1x128xi32, #tpu.memory_space<vmem>>
    %dma_start3A_38 = tpu.memref_squeeze %dma_start3A_37 : memref<1x128xi32, #tpu.memory_space<vmem>> -> memref<128xi32, #tpu.memory_space<vmem>>
    %dma_start3A_39 = arith.constant 0 : i32
    %dma_start3A_40 = tpu.memref_slice %arg4[%dma_start3A_39] : memref<10240xf32, #tpu.memory_space<vmem_shared>> -> memref<10240xf32, #tpu.memory_space<vmem_shared>>
    tpu.enqueue_indirect_dma source(%arg6 : memref<128xf32, #tpu.memory_space<vmem>>) target(%dma_start3A_40 : memref<10240xf32, #tpu.memory_space<vmem_shared>>) offsets(%dma_start3A_38 : memref<128xi32, #tpu.memory_space<vmem>>) semaphore(%arg11 : memref<!tpu.dma_semaphore, #tpu.memory_space<semaphore_mem>>) {add = true}
    %dma_start3A_41 = arith.constant 4 : i32
    %dma_start3A_42 = arith.constant 0 : i32
    %dma_start3A_43 = tpu.memref_slice %arg5[%dma_start3A_41, %dma_start3A_42] : memref<80x128xi32, #tpu.memory_space<vmem>> -> memref<1x128xi32, #tpu.memory_space<vmem>>
    %dma_start3A_44 = tpu.memref_squeeze %dma_start3A_43 : memref<1x128xi32, #tpu.memory_space<vmem>> -> memref<128xi32, #tpu.memory_space<vmem>>
    %dma_start3A_45 = arith.constant 0 : i32
    %dma_start3A_46 = tpu.memref_slice %arg4[%dma_start3A_45] : memref<10240xf32, #tpu.memory_space<vmem_shared>> -> memref<10240xf32, #tpu.memory_space<vmem_shared>>
    tpu.enqueue_indirect_dma source(%arg6 : memref<128xf32, #tpu.memory_space<vmem>>) target(%dma_start3A_46 : memref<10240xf32, #tpu.memory_space<vmem_shared>>) offsets(%dma_start3A_44 : memref<128xi32, #tpu.memory_space<vmem>>) semaphore(%arg12 : memref<!tpu.dma_semaphore, #tpu.memory_space<semaphore_mem>>) {add = true}
    %scan3A_47 = arith.constant 0 : i32
    %scan3A_48 = arith.constant 0 : i32
    %scan3A_49 = arith.constant 15 : i32
    %scan3A_50 = arith.addi %scan3A_48, %scan3A_49 : i32
    %scan3A_51 = arith.constant 1 : i32
    %scan3A_52 = scf.for %scan3A_91 = %scan3A_48 to %scan3A_50 step %scan3A_51 iter_args(%scan3A_92 = %scan3A_47) -> (i32)  : i32 {
      %dma_wait3A_93 = arith.constant 0 : i32
      %dma_wait3A_94 = arith.constant 0 : i32
      %dma_wait3A_95 = tpu.memref_slice %arg5[%dma_wait3A_93, %dma_wait3A_94] : memref<80x128xi32, #tpu.memory_space<vmem>> -> memref<1x128xi32, #tpu.memory_space<vmem>>
      %dma_wait3A_96 = tpu.memref_squeeze %dma_wait3A_95 : memref<1x128xi32, #tpu.memory_space<vmem>> -> memref<128xi32, #tpu.memory_space<vmem>>
      %dma_wait3A_97 = arith.constant 0 : i32
      %dma_wait3A_98 = tpu.memref_slice %arg4[%dma_wait3A_97] : memref<10240xf32, #tpu.memory_space<vmem_shared>> -> memref<10240xf32, #tpu.memory_space<vmem_shared>>
      tpu.wait_indirect_dma semaphore(%arg8 : memref<!tpu.dma_semaphore, #tpu.memory_space<semaphore_mem>>) src(%arg6 : memref<128xf32, #tpu.memory_space<vmem>>) dst(%dma_wait3A_98 : memref<10240xf32, #tpu.memory_space<vmem_shared>>)
      %add3A_99 = arith.constant 1 : i32
      %add3A_100 = arith.addi %scan3A_91, %add3A_99 : i32
      %mul3A_101 = arith.constant 5 : i32
      %mul3A_102 = arith.muli %add3A_100, %mul3A_101 : i32
      %add3A_103 = arith.constant 0 : i32
      %add3A_104 = arith.addi %mul3A_102, %add3A_103 : i32
      %dma_start3A_105 = arith.constant 0 : i32
      %dma_start3A_106 = tpu.memref_slice %arg5[%add3A_104, %dma_start3A_105] : memref<80x128xi32, #tpu.memory_space<vmem>> -> memref<1x128xi32, #tpu.memory_space<vmem>>
      %dma_start3A_107 = tpu.memref_squeeze %dma_start3A_106 : memref<1x128xi32, #tpu.memory_space<vmem>> -> memref<128xi32, #tpu.memory_space<vmem>>
      %dma_start3A_108 = arith.constant 0 : i32
      %dma_start3A_109 = tpu.memref_slice %arg4[%dma_start3A_108] : memref<10240xf32, #tpu.memory_space<vmem_shared>> -> memref<10240xf32, #tpu.memory_space<vmem_shared>>
      tpu.enqueue_indirect_dma source(%arg6 : memref<128xf32, #tpu.memory_space<vmem>>) target(%dma_start3A_109 : memref<10240xf32, #tpu.memory_space<vmem_shared>>) offsets(%dma_start3A_107 : memref<128xi32, #tpu.memory_space<vmem>>) semaphore(%arg8 : memref<!tpu.dma_semaphore, #tpu.memory_space<semaphore_mem>>) {add = true}
      %dma_wait3A_110 = arith.constant 0 : i32
      %dma_wait3A_111 = arith.constant 0 : i32
      %dma_wait3A_112 = tpu.memref_slice %arg5[%dma_wait3A_110, %dma_wait3A_111] : memref<80x128xi32, #tpu.memory_space<vmem>> -> memref<1x128xi32, #tpu.memory_space<vmem>>
      %dma_wait3A_113 = tpu.memref_squeeze %dma_wait3A_112 : memref<1x128xi32, #tpu.memory_space<vmem>> -> memref<128xi32, #tpu.memory_space<vmem>>
      %dma_wait3A_114 = arith.constant 0 : i32
      %dma_wait3A_115 = tpu.memref_slice %arg4[%dma_wait3A_114] : memref<10240xf32, #tpu.memory_space<vmem_shared>> -> memref<10240xf32, #tpu.memory_space<vmem_shared>>
      tpu.wait_indirect_dma semaphore(%arg9 : memref<!tpu.dma_semaphore, #tpu.memory_space<semaphore_mem>>) src(%arg6 : memref<128xf32, #tpu.memory_space<vmem>>) dst(%dma_wait3A_115 : memref<10240xf32, #tpu.memory_space<vmem_shared>>)
      %add3A_116 = arith.constant 1 : i32
      %add3A_117 = arith.addi %scan3A_91, %add3A_116 : i32
      %mul3A_118 = arith.constant 5 : i32
      %mul3A_119 = arith.muli %add3A_117, %mul3A_118 : i32
      %add3A_120 = arith.constant 1 : i32
      %add3A_121 = arith.addi %mul3A_119, %add3A_120 : i32
      %dma_start3A_122 = arith.constant 0 : i32
      %dma_start3A_123 = tpu.memref_slice %arg5[%add3A_121, %dma_start3A_122] : memref<80x128xi32, #tpu.memory_space<vmem>> -> memref<1x128xi32, #tpu.memory_space<vmem>>
      %dma_start3A_124 = tpu.memref_squeeze %dma_start3A_123 : memref<1x128xi32, #tpu.memory_space<vmem>> -> memref<128xi32, #tpu.memory_space<vmem>>
      %dma_start3A_125 = arith.constant 0 : i32
      %dma_start3A_126 = tpu.memref_slice %arg4[%dma_start3A_125] : memref<10240xf32, #tpu.memory_space<vmem_shared>> -> memref<10240xf32, #tpu.memory_space<vmem_shared>>
      tpu.enqueue_indirect_dma source(%arg6 : memref<128xf32, #tpu.memory_space<vmem>>) target(%dma_start3A_126 : memref<10240xf32, #tpu.memory_space<vmem_shared>>) offsets(%dma_start3A_124 : memref<128xi32, #tpu.memory_space<vmem>>) semaphore(%arg9 : memref<!tpu.dma_semaphore, #tpu.memory_space<semaphore_mem>>) {add = true}
      %dma_wait3A_127 = arith.constant 0 : i32
      %dma_wait3A_128 = arith.constant 0 : i32
      %dma_wait3A_129 = tpu.memref_slice %arg5[%dma_wait3A_127, %dma_wait3A_128] : memref<80x128xi32, #tpu.memory_space<vmem>> -> memref<1x128xi32, #tpu.memory_space<vmem>>
      %dma_wait3A_130 = tpu.memref_squeeze %dma_wait3A_129 : memref<1x128xi32, #tpu.memory_space<vmem>> -> memref<128xi32, #tpu.memory_space<vmem>>
      %dma_wait3A_131 = arith.constant 0 : i32
      %dma_wait3A_132 = tpu.memref_slice %arg4[%dma_wait3A_131] : memref<10240xf32, #tpu.memory_space<vmem_shared>> -> memref<10240xf32, #tpu.memory_space<vmem_shared>>
      tpu.wait_indirect_dma semaphore(%arg10 : memref<!tpu.dma_semaphore, #tpu.memory_space<semaphore_mem>>) src(%arg6 : memref<128xf32, #tpu.memory_space<vmem>>) dst(%dma_wait3A_132 : memref<10240xf32, #tpu.memory_space<vmem_shared>>)
      %add3A_133 = arith.constant 1 : i32
      %add3A_134 = arith.addi %scan3A_91, %add3A_133 : i32
      %mul3A_135 = arith.constant 5 : i32
      %mul3A_136 = arith.muli %add3A_134, %mul3A_135 : i32
      %add3A_137 = arith.constant 2 : i32
      %add3A_138 = arith.addi %mul3A_136, %add3A_137 : i32
      %dma_start3A_139 = arith.constant 0 : i32
      %dma_start3A_140 = tpu.memref_slice %arg5[%add3A_138, %dma_start3A_139] : memref<80x128xi32, #tpu.memory_space<vmem>> -> memref<1x128xi32, #tpu.memory_space<vmem>>
      %dma_start3A_141 = tpu.memref_squeeze %dma_start3A_140 : memref<1x128xi32, #tpu.memory_space<vmem>> -> memref<128xi32, #tpu.memory_space<vmem>>
      %dma_start3A_142 = arith.constant 0 : i32
      %dma_start3A_143 = tpu.memref_slice %arg4[%dma_start3A_142] : memref<10240xf32, #tpu.memory_space<vmem_shared>> -> memref<10240xf32, #tpu.memory_space<vmem_shared>>
      tpu.enqueue_indirect_dma source(%arg6 : memref<128xf32, #tpu.memory_space<vmem>>) target(%dma_start3A_143 : memref<10240xf32, #tpu.memory_space<vmem_shared>>) offsets(%dma_start3A_141 : memref<128xi32, #tpu.memory_space<vmem>>) semaphore(%arg10 : memref<!tpu.dma_semaphore, #tpu.memory_space<semaphore_mem>>) {add = true}
      %dma_wait3A_144 = arith.constant 0 : i32
      %dma_wait3A_145 = arith.constant 0 : i32
      %dma_wait3A_146 = tpu.memref_slice %arg5[%dma_wait3A_144, %dma_wait3A_145] : memref<80x128xi32, #tpu.memory_space<vmem>> -> memref<1x128xi32, #tpu.memory_space<vmem>>
      %dma_wait3A_147 = tpu.memref_squeeze %dma_wait3A_146 : memref<1x128xi32, #tpu.memory_space<vmem>> -> memref<128xi32, #tpu.memory_space<vmem>>
      %dma_wait3A_148 = arith.constant 0 : i32
      %dma_wait3A_149 = tpu.memref_slice %arg4[%dma_wait3A_148] : memref<10240xf32, #tpu.memory_space<vmem_shared>> -> memref<10240xf32, #tpu.memory_space<vmem_shared>>
      tpu.wait_indirect_dma semaphore(%arg11 : memref<!tpu.dma_semaphore, #tpu.memory_space<semaphore_mem>>) src(%arg6 : memref<128xf32, #tpu.memory_space<vmem>>) dst(%dma_wait3A_149 : memref<10240xf32, #tpu.memory_space<vmem_shared>>)
      %add3A_150 = arith.constant 1 : i32
      %add3A_151 = arith.addi %scan3A_91, %add3A_150 : i32
      %mul3A_152 = arith.constant 5 : i32
      %mul3A_153 = arith.muli %add3A_151, %mul3A_152 : i32
      %add3A_154 = arith.constant 3 : i32
      %add3A_155 = arith.addi %mul3A_153, %add3A_154 : i32
      %dma_start3A_156 = arith.constant 0 : i32
      %dma_start3A_157 = tpu.memref_slice %arg5[%add3A_155, %dma_start3A_156] : memref<80x128xi32, #tpu.memory_space<vmem>> -> memref<1x128xi32, #tpu.memory_space<vmem>>
      %dma_start3A_158 = tpu.memref_squeeze %dma_start3A_157 : memref<1x128xi32, #tpu.memory_space<vmem>> -> memref<128xi32, #tpu.memory_space<vmem>>
      %dma_start3A_159 = arith.constant 0 : i32
      %dma_start3A_160 = tpu.memref_slice %arg4[%dma_start3A_159] : memref<10240xf32, #tpu.memory_space<vmem_shared>> -> memref<10240xf32, #tpu.memory_space<vmem_shared>>
      tpu.enqueue_indirect_dma source(%arg6 : memref<128xf32, #tpu.memory_space<vmem>>) target(%dma_start3A_160 : memref<10240xf32, #tpu.memory_space<vmem_shared>>) offsets(%dma_start3A_158 : memref<128xi32, #tpu.memory_space<vmem>>) semaphore(%arg11 : memref<!tpu.dma_semaphore, #tpu.memory_space<semaphore_mem>>) {add = true}
      %dma_wait3A_161 = arith.constant 0 : i32
      %dma_wait3A_162 = arith.constant 0 : i32
      %dma_wait3A_163 = tpu.memref_slice %arg5[%dma_wait3A_161, %dma_wait3A_162] : memref<80x128xi32, #tpu.memory_space<vmem>> -> memref<1x128xi32, #tpu.memory_space<vmem>>
      %dma_wait3A_164 = tpu.memref_squeeze %dma_wait3A_163 : memref<1x128xi32, #tpu.memory_space<vmem>> -> memref<128xi32, #tpu.memory_space<vmem>>
      %dma_wait3A_165 = arith.constant 0 : i32
      %dma_wait3A_166 = tpu.memref_slice %arg4[%dma_wait3A_165] : memref<10240xf32, #tpu.memory_space<vmem_shared>> -> memref<10240xf32, #tpu.memory_space<vmem_shared>>
      tpu.wait_indirect_dma semaphore(%arg12 : memref<!tpu.dma_semaphore, #tpu.memory_space<semaphore_mem>>) src(%arg6 : memref<128xf32, #tpu.memory_space<vmem>>) dst(%dma_wait3A_166 : memref<10240xf32, #tpu.memory_space<vmem_shared>>)
      %add3A_167 = arith.constant 1 : i32
      %add3A_168 = arith.addi %scan3A_91, %add3A_167 : i32
      %mul3A_169 = arith.constant 5 : i32
      %mul3A_170 = arith.muli %add3A_168, %mul3A_169 : i32
      %add3A_171 = arith.constant 4 : i32
      %add3A_172 = arith.addi %mul3A_170, %add3A_171 : i32
      %dma_start3A_173 = arith.constant 0 : i32
      %dma_start3A_174 = tpu.memref_slice %arg5[%add3A_172, %dma_start3A_173] : memref<80x128xi32, #tpu.memory_space<vmem>> -> memref<1x128xi32, #tpu.memory_space<vmem>>
      %dma_start3A_175 = tpu.memref_squeeze %dma_start3A_174 : memref<1x128xi32, #tpu.memory_space<vmem>> -> memref<128xi32, #tpu.memory_space<vmem>>
      %dma_start3A_176 = arith.constant 0 : i32
      %dma_start3A_177 = tpu.memref_slice %arg4[%dma_start3A_176] : memref<10240xf32, #tpu.memory_space<vmem_shared>> -> memref<10240xf32, #tpu.memory_space<vmem_shared>>
      tpu.enqueue_indirect_dma source(%arg6 : memref<128xf32, #tpu.memory_space<vmem>>) target(%dma_start3A_177 : memref<10240xf32, #tpu.memory_space<vmem_shared>>) offsets(%dma_start3A_175 : memref<128xi32, #tpu.memory_space<vmem>>) semaphore(%arg12 : memref<!tpu.dma_semaphore, #tpu.memory_space<semaphore_mem>>) {add = true}
      %scan3A_178 = arith.constant 0 : i32
      scf.yield %scan3A_178 : i32
    }
    %scan3A_53 = arith.constant 15 : i32
    %dma_wait3A = arith.constant 0 : i32
    %dma_wait3A_54 = arith.constant 0 : i32
    %dma_wait3A_55 = tpu.memref_slice %arg5[%dma_wait3A, %dma_wait3A_54] : memref<80x128xi32, #tpu.memory_space<vmem>> -> memref<1x128xi32, #tpu.memory_space<vmem>>
    %dma_wait3A_56 = tpu.memref_squeeze %dma_wait3A_55 : memref<1x128xi32, #tpu.memory_space<vmem>> -> memref<128xi32, #tpu.memory_space<vmem>>
    %dma_wait3A_57 = arith.constant 0 : i32
    %dma_wait3A_58 = tpu.memref_slice %arg4[%dma_wait3A_57] : memref<10240xf32, #tpu.memory_space<vmem_shared>> -> memref<10240xf32, #tpu.memory_space<vmem_shared>>
    tpu.wait_indirect_dma semaphore(%arg8 : memref<!tpu.dma_semaphore, #tpu.memory_space<semaphore_mem>>) src(%arg6 : memref<128xf32, #tpu.memory_space<vmem>>) dst(%dma_wait3A_58 : memref<10240xf32, #tpu.memory_space<vmem_shared>>)
    %dma_wait3A_59 = arith.constant 0 : i32
    %dma_wait3A_60 = arith.constant 0 : i32
    %dma_wait3A_61 = tpu.memref_slice %arg5[%dma_wait3A_59, %dma_wait3A_60] : memref<80x128xi32, #tpu.memory_space<vmem>> -> memref<1x128xi32, #tpu.memory_space<vmem>>
    %dma_wait3A_62 = tpu.memref_squeeze %dma_wait3A_61 : memref<1x128xi32, #tpu.memory_space<vmem>> -> memref<128xi32, #tpu.memory_space<vmem>>
    %dma_wait3A_63 = arith.constant 0 : i32
    %dma_wait3A_64 = tpu.memref_slice %arg4[%dma_wait3A_63] : memref<10240xf32, #tpu.memory_space<vmem_shared>> -> memref<10240xf32, #tpu.memory_space<vmem_shared>>
    tpu.wait_indirect_dma semaphore(%arg9 : memref<!tpu.dma_semaphore, #tpu.memory_space<semaphore_mem>>) src(%arg6 : memref<128xf32, #tpu.memory_space<vmem>>) dst(%dma_wait3A_64 : memref<10240xf32, #tpu.memory_space<vmem_shared>>)
    %dma_wait3A_65 = arith.constant 0 : i32
    %dma_wait3A_66 = arith.constant 0 : i32
    %dma_wait3A_67 = tpu.memref_slice %arg5[%dma_wait3A_65, %dma_wait3A_66] : memref<80x128xi32, #tpu.memory_space<vmem>> -> memref<1x128xi32, #tpu.memory_space<vmem>>
    %dma_wait3A_68 = tpu.memref_squeeze %dma_wait3A_67 : memref<1x128xi32, #tpu.memory_space<vmem>> -> memref<128xi32, #tpu.memory_space<vmem>>
    %dma_wait3A_69 = arith.constant 0 : i32
    %dma_wait3A_70 = tpu.memref_slice %arg4[%dma_wait3A_69] : memref<10240xf32, #tpu.memory_space<vmem_shared>> -> memref<10240xf32, #tpu.memory_space<vmem_shared>>
    tpu.wait_indirect_dma semaphore(%arg10 : memref<!tpu.dma_semaphore, #tpu.memory_space<semaphore_mem>>) src(%arg6 : memref<128xf32, #tpu.memory_space<vmem>>) dst(%dma_wait3A_70 : memref<10240xf32, #tpu.memory_space<vmem_shared>>)
    %dma_wait3A_71 = arith.constant 0 : i32
    %dma_wait3A_72 = arith.constant 0 : i32
    %dma_wait3A_73 = tpu.memref_slice %arg5[%dma_wait3A_71, %dma_wait3A_72] : memref<80x128xi32, #tpu.memory_space<vmem>> -> memref<1x128xi32, #tpu.memory_space<vmem>>
    %dma_wait3A_74 = tpu.memref_squeeze %dma_wait3A_73 : memref<1x128xi32, #tpu.memory_space<vmem>> -> memref<128xi32, #tpu.memory_space<vmem>>
    %dma_wait3A_75 = arith.constant 0 : i32
    %dma_wait3A_76 = tpu.memref_slice %arg4[%dma_wait3A_75] : memref<10240xf32, #tpu.memory_space<vmem_shared>> -> memref<10240xf32, #tpu.memory_space<vmem_shared>>
    tpu.wait_indirect_dma semaphore(%arg11 : memref<!tpu.dma_semaphore, #tpu.memory_space<semaphore_mem>>) src(%arg6 : memref<128xf32, #tpu.memory_space<vmem>>) dst(%dma_wait3A_76 : memref<10240xf32, #tpu.memory_space<vmem_shared>>)
    %dma_wait3A_77 = arith.constant 0 : i32
    %dma_wait3A_78 = arith.constant 0 : i32
    %dma_wait3A_79 = tpu.memref_slice %arg5[%dma_wait3A_77, %dma_wait3A_78] : memref<80x128xi32, #tpu.memory_space<vmem>> -> memref<1x128xi32, #tpu.memory_space<vmem>>
    %dma_wait3A_80 = tpu.memref_squeeze %dma_wait3A_79 : memref<1x128xi32, #tpu.memory_space<vmem>> -> memref<128xi32, #tpu.memory_space<vmem>>
    %dma_wait3A_81 = arith.constant 0 : i32
    %dma_wait3A_82 = tpu.memref_slice %arg4[%dma_wait3A_81] : memref<10240xf32, #tpu.memory_space<vmem_shared>> -> memref<10240xf32, #tpu.memory_space<vmem_shared>>
    tpu.wait_indirect_dma semaphore(%arg12 : memref<!tpu.dma_semaphore, #tpu.memory_space<semaphore_mem>>) src(%arg6 : memref<128xf32, #tpu.memory_space<vmem>>) dst(%dma_wait3A_82 : memref<10240xf32, #tpu.memory_space<vmem_shared>>)
    %barrier3A_83 = arith.constant 0 : index
    tpu.barrier barrier_id(%barrier3A_83)
    %mul3A_84 = arith.constant 640 : i32
    %mul3A_85 = arith.muli %arg1, %mul3A_84 : i32
    "tpu.region"() ({
      %run_scoped3A = tpu.sem_alloc : memref<!tpu.dma_semaphore, #tpu.memory_space<semaphore_mem>>
      %dma_start3A_91 = tpu.memref_slice %arg4[%mul3A_85] : memref<10240xf32, #tpu.memory_space<vmem_shared>> -> memref<640xf32, #tpu.memory_space<vmem_shared>>
      %dma_start3A_92 = tpu.memref_slice %arg4[%mul3A_85] : memref<10240xf32, #tpu.memory_space<vmem_shared>> -> memref<640xf32, #tpu.memory_space<vmem_shared>>
      tpu.enqueue_dma source(%dma_start3A_92 : memref<640xf32, #tpu.memory_space<vmem_shared>>) target(%arg7 : memref<640xf32, #tpu.memory_space<vmem>>) target_semaphore(%run_scoped3A : memref<!tpu.dma_semaphore, #tpu.memory_space<semaphore_mem>>)
      %dma_wait3A_93 = tpu.memref_slice %arg4[%mul3A_85] : memref<10240xf32, #tpu.memory_space<vmem_shared>> -> memref<640xf32, #tpu.memory_space<vmem_shared>>
      %dma_wait3A_94 = tpu.memref_slice %arg4[%mul3A_85] : memref<10240xf32, #tpu.memory_space<vmem_shared>> -> memref<640xf32, #tpu.memory_space<vmem_shared>>
      tpu.wait_dma2 semaphore(%run_scoped3A : memref<!tpu.dma_semaphore, #tpu.memory_space<semaphore_mem>>) src(%dma_wait3A_94 : memref<640xf32, #tpu.memory_space<vmem_shared>>) dst(%arg7 : memref<640xf32, #tpu.memory_space<vmem>>)
      tpu.yield
    }) : () -> ()
    %mul3A_86 = arith.constant 10240 : i32
    %mul3A_87 = arith.muli %arg0, %mul3A_86 : i32
    %mul3A_88 = arith.constant 640 : i32
    %mul3A_89 = arith.muli %arg1, %mul3A_88 : i32
    %add3A_90 = arith.addi %mul3A_87, %mul3A_89 : i32
    "tpu.region"() ({
      %run_scoped3A = tpu.sem_alloc : memref<!tpu.dma_semaphore, #tpu.memory_space<semaphore_mem>>
      %dma_start3A_91 = tpu.memref_slice %arg3[%add3A_90] : memref<20480xf32, #tpu.memory_space<hbm>> -> memref<640xf32, #tpu.memory_space<hbm>>
      %dma_start3A_92 = tpu.memref_slice %arg3[%add3A_90] : memref<20480xf32, #tpu.memory_space<hbm>> -> memref<640xf32, #tpu.memory_space<hbm>>
      tpu.enqueue_dma source(%arg7 : memref<640xf32, #tpu.memory_space<vmem>>) target(%dma_start3A_92 : memref<640xf32, #tpu.memory_space<hbm>>) target_semaphore(%run_scoped3A : memref<!tpu.dma_semaphore, #tpu.memory_space<semaphore_mem>>)
      %dma_wait3A_93 = tpu.memref_slice %arg3[%add3A_90] : memref<20480xf32, #tpu.memory_space<hbm>> -> memref<640xf32, #tpu.memory_space<hbm>>
      %dma_wait3A_94 = tpu.memref_slice %arg3[%add3A_90] : memref<20480xf32, #tpu.memory_space<hbm>> -> memref<640xf32, #tpu.memory_space<hbm>>
      tpu.wait_dma2 semaphore(%run_scoped3A : memref<!tpu.dma_semaphore, #tpu.memory_space<semaphore_mem>>) src(%arg7 : memref<640xf32, #tpu.memory_space<vmem>>) dst(%dma_wait3A_94 : memref<640xf32, #tpu.memory_space<hbm>>)
      tpu.yield
    }) : () -> ()
    return
  }
}

module attributes {stable_mosaic.version = 14 : i64} {
  func.func @_k_scale_matmul(%arg0: i32, %arg1: memref<5120x128xf32, #tpu.memory_space<vmem>>, %arg2: memref<128x128xf32, #tpu.memory_space<vmem>>, %arg3: memref<5120x1xf32, #tpu.memory_space<vmem>>, %arg4: memref<5120x64xf32, #tpu.memory_space<vmem>>, %arg5: memref<5120x64xf32, #tpu.memory_space<vmem>>) attributes {dimension_semantics = [#tpu.dimension_semantics<arbitrary>], iteration_bounds = array<i64: 2>, scalar_prefetch = 0 : i64, scratch_operands = 0 : i64, tpu.core_type = #tpu.core_type<tc>, window_params = [{transform_indices = @transform_0, window_bounds = array<i64: 5120, 128>}, {pipeline_mode = #tpu.pipeline_mode<synchronous>, transform_indices = @transform_1, window_bounds = array<i64: 128, 128>}, {transform_indices = @transform_2, window_bounds = array<i64: 5120, 1>}, {transform_indices = @transform_3, window_bounds = array<i64: 5120, 64>}, {transform_indices = @transform_4, window_bounds = array<i64: 5120, 64>}]} {
    %get3A = arith.constant 0 : index
    %get3A_0 = arith.constant 0 : index
    %get3A_1 = vector.load %arg3[%get3A, %get3A_0] : memref<5120x1xf32, #tpu.memory_space<vmem>>, vector<5120x1xf32>
    %get3A_2 = arith.constant 0 : index
    %get3A_3 = arith.constant 0 : index
    %get3A_4 = vector.load %arg1[%get3A_2, %get3A_3] : memref<5120x128xf32, #tpu.memory_space<vmem>>, vector<5120x128xf32>
    %get3A_5 = arith.constant 0 : index
    %get3A_6 = arith.constant 0 : index
    %get3A_7 = vector.load %arg2[%get3A_5, %get3A_6] : memref<128x128xf32, #tpu.memory_space<vmem>>, vector<128x128xf32>
    %dot_general3A = arith.constant dense<0.000000e+00> : vector<5120x128xf32>
    %dot_general3A_8 = tpu.matmul %get3A_4, %get3A_7, %dot_general3A {dimension_numbers = #tpu.dot_dimension_numbers<[1], [0], [0], [1], [0, 0, 1, 1], [], []>, transpose_lhs_hint = false} : vector<5120x128xf32>, vector<128x128xf32>, vector<5120x128xf32> -> vector<5120x128xf32>
    %mul3A = vector.broadcast %get3A_1 : vector<5120x1xf32> to vector<5120x128xf32>
    %mul3A_9 = arith.mulf %mul3A, %dot_general3A_8 : vector<5120x128xf32>
    %slice3A = vector.extract_strided_slice %mul3A_9 {offsets = [0, 0], sizes = [5120, 64], strides = [1, 1]} : vector<5120x128xf32> to vector<5120x64xf32>
    %swap3A = arith.constant 0 : index
    %swap3A_10 = arith.constant 0 : index
    %swap3A_11 = vector.load %arg4[%swap3A, %swap3A_10] : memref<5120x64xf32, #tpu.memory_space<vmem>>, vector<5120x64xf32>
    tpu.vector_store %arg4[%swap3A, %swap3A_10], %slice3A {strides = array<i32>} : memref<5120x64xf32, #tpu.memory_space<vmem>>, vector<5120x64xf32>,
    %slice3A_12 = vector.extract_strided_slice %mul3A_9 {offsets = [0, 64], sizes = [5120, 64], strides = [1, 1]} : vector<5120x128xf32> to vector<5120x64xf32>
    %swap3A_13 = arith.constant 0 : index
    %swap3A_14 = arith.constant 0 : index
    %swap3A_15 = vector.load %arg5[%swap3A_13, %swap3A_14] : memref<5120x64xf32, #tpu.memory_space<vmem>>, vector<5120x64xf32>
    tpu.vector_store %arg5[%swap3A_13, %swap3A_14], %slice3A_12 {strides = array<i32>} : memref<5120x64xf32, #tpu.memory_space<vmem>>, vector<5120x64xf32>,
    return
  }
  func.func @transform_0(%arg0: i32) -> (i32, i32) {
    %c0_i32 = arith.constant 0 : i32
    %c0_i32_0 = arith.constant 0 : i32
    return %arg0, %c0_i32 : i32, i32
  }
  func.func @transform_1(%arg0: i32) -> (i32, i32) {
    %c0_i32 = arith.constant 0 : i32
    %c0_i32_0 = arith.constant 0 : i32
    %c0_i32_1 = arith.constant 0 : i32
    return %c0_i32, %c0_i32_0 : i32, i32
  }
  func.func @transform_2(%arg0: i32) -> (i32, i32) {
    %c0_i32 = arith.constant 0 : i32
    %c0_i32_0 = arith.constant 0 : i32
    return %arg0, %c0_i32 : i32, i32
  }
  func.func @transform_3(%arg0: i32) -> (i32, i32) {
    %c0_i32 = arith.constant 0 : i32
    %c0_i32_0 = arith.constant 0 : i32
    return %arg0, %c0_i32 : i32, i32
  }
  func.func @transform_4(%arg0: i32) -> (i32, i32) {
    %c0_i32 = arith.constant 0 : i32
    %c0_i32_0 = arith.constant 0 : i32
    return %arg0, %c0_i32 : i32, i32
  }
}

module attributes {stable_mosaic.version = 14 : i64} {
  func.func @_k_mid(%arg0: i32, %arg1: memref<5120x64xf32, #tpu.memory_space<vmem>>, %arg2: memref<5120x64xf32, #tpu.memory_space<vmem>>, %arg3: memref<5120x64xf32, #tpu.memory_space<vmem>>, %arg4: memref<5120x64xf32, #tpu.memory_space<vmem>>, %arg5: memref<5120x1xf32, #tpu.memory_space<vmem>>, %arg6: memref<1x128xf32, #tpu.memory_space<vmem>>, %arg7: memref<1x128xf32, #tpu.memory_space<vmem>>, %arg8: memref<128x128xf32, #tpu.memory_space<vmem>>, %arg9: memref<5120x64xf32, #tpu.memory_space<vmem>>, %arg10: memref<5120x64xf32, #tpu.memory_space<vmem>>) attributes {dimension_semantics = [#tpu.dimension_semantics<arbitrary>], iteration_bounds = array<i64: 2>, scalar_prefetch = 0 : i64, scratch_operands = 0 : i64, tpu.core_type = #tpu.core_type<tc>, window_params = [{transform_indices = @transform_0, window_bounds = array<i64: 5120, 64>}, {transform_indices = @transform_1, window_bounds = array<i64: 5120, 64>}, {transform_indices = @transform_2, window_bounds = array<i64: 5120, 64>}, {transform_indices = @transform_3, window_bounds = array<i64: 5120, 64>}, {transform_indices = @transform_4, window_bounds = array<i64: 5120, 1>}, {pipeline_mode = #tpu.pipeline_mode<synchronous>, transform_indices = @transform_5, window_bounds = array<i64: 1, 128>}, {pipeline_mode = #tpu.pipeline_mode<synchronous>, transform_indices = @transform_6, window_bounds = array<i64: 1, 128>}, {pipeline_mode = #tpu.pipeline_mode<synchronous>, transform_indices = @transform_7, window_bounds = array<i64: 128, 128>}, {transform_indices = @transform_8, window_bounds = array<i64: 5120, 64>}, {transform_indices = @transform_9, window_bounds = array<i64: 5120, 64>}]} {
    %get3A = arith.constant 0 : index
    %get3A_0 = arith.constant 0 : index
    %get3A_1 = vector.load %arg5[%get3A, %get3A_0] : memref<5120x1xf32, #tpu.memory_space<vmem>>, vector<5120x1xf32>
    %get3A_2 = arith.constant 0 : index
    %get3A_3 = arith.constant 0 : index
    %get3A_4 = vector.load %arg1[%get3A_2, %get3A_3] : memref<5120x64xf32, #tpu.memory_space<vmem>>, vector<5120x64xf32>
    %get3A_5 = arith.constant 0 : index
    %get3A_6 = arith.constant 0 : index
    %get3A_7 = vector.load %arg2[%get3A_5, %get3A_6] : memref<5120x64xf32, #tpu.memory_space<vmem>>, vector<5120x64xf32>
    %concatenate3A = tpu.concatenate %get3A_4, %get3A_7 in 1 : vector<5120x64xf32>, vector<5120x64xf32> -> vector<5120x128xf32>
    %get3A_8 = arith.constant 0 : index
    %get3A_9 = arith.constant 0 : index
    %get3A_10 = vector.load %arg3[%get3A_8, %get3A_9] : memref<5120x64xf32, #tpu.memory_space<vmem>>, vector<5120x64xf32>
    %get3A_11 = arith.constant 0 : index
    %get3A_12 = arith.constant 0 : index
    %get3A_13 = vector.load %arg4[%get3A_11, %get3A_12] : memref<5120x64xf32, #tpu.memory_space<vmem>>, vector<5120x64xf32>
    %concatenate3A_14 = tpu.concatenate %get3A_10, %get3A_13 in 1 : vector<5120x64xf32>, vector<5120x64xf32> -> vector<5120x128xf32>
    %add3A = arith.addf %concatenate3A, %concatenate3A_14 : vector<5120x128xf32>
    %mul3A = vector.broadcast %get3A_1 : vector<5120x1xf32> to vector<5120x128xf32>
    %mul3A_15 = arith.mulf %mul3A, %add3A : vector<5120x128xf32>
    %get3A_16 = arith.constant 0 : index
    %get3A_17 = arith.constant 0 : index
    %get3A_18 = vector.load %arg6[%get3A_16, %get3A_17] : memref<1x128xf32, #tpu.memory_space<vmem>>, vector<1x128xf32>
    %mul3A_19 = vector.broadcast %get3A_18 : vector<1x128xf32> to vector<5120x128xf32>
    %mul3A_20 = arith.mulf %mul3A_15, %mul3A_19 : vector<5120x128xf32>
    %get3A_21 = arith.constant 0 : index
    %get3A_22 = arith.constant 0 : index
    %get3A_23 = vector.load %arg7[%get3A_21, %get3A_22] : memref<1x128xf32, #tpu.memory_space<vmem>>, vector<1x128xf32>
    %add3A_24 = vector.broadcast %get3A_23 : vector<1x128xf32> to vector<5120x128xf32>
    %add3A_25 = arith.addf %mul3A_20, %add3A_24 : vector<5120x128xf32>
    %max3A = arith.constant 0.000000e+00 : f32
    %max3A_26 = vector.broadcast %max3A : f32 to vector<5120x128xf32>
    %max3A_27 = arith.maximumf %add3A_25, %max3A_26 : vector<5120x128xf32>
    %get3A_28 = arith.constant 0 : index
    %get3A_29 = arith.constant 0 : index
    %get3A_30 = vector.load %arg8[%get3A_28, %get3A_29] : memref<128x128xf32, #tpu.memory_space<vmem>>, vector<128x128xf32>
    %dot_general3A = arith.constant dense<0.000000e+00> : vector<5120x128xf32>
    %dot_general3A_31 = tpu.matmul %max3A_27, %get3A_30, %dot_general3A {dimension_numbers = #tpu.dot_dimension_numbers<[1], [0], [0], [1], [0, 0, 1, 1], [], []>, transpose_lhs_hint = false} : vector<5120x128xf32>, vector<128x128xf32>, vector<5120x128xf32> -> vector<5120x128xf32>
    %mul3A_32 = vector.broadcast %get3A_1 : vector<5120x1xf32> to vector<5120x128xf32>
    %mul3A_33 = arith.mulf %mul3A_32, %dot_general3A_31 : vector<5120x128xf32>
    %slice3A = vector.extract_strided_slice %mul3A_33 {offsets = [0, 0], sizes = [5120, 64], strides = [1, 1]} : vector<5120x128xf32> to vector<5120x64xf32>
    %swap3A = arith.constant 0 : index
    %swap3A_34 = arith.constant 0 : index
    %swap3A_35 = vector.load %arg9[%swap3A, %swap3A_34] : memref<5120x64xf32, #tpu.memory_space<vmem>>, vector<5120x64xf32>
    tpu.vector_store %arg9[%swap3A, %swap3A_34], %slice3A {strides = array<i32>} : memref<5120x64xf32, #tpu.memory_space<vmem>>, vector<5120x64xf32>,
    %slice3A_36 = vector.extract_strided_slice %mul3A_33 {offsets = [0, 64], sizes = [5120, 64], strides = [1, 1]} : vector<5120x128xf32> to vector<5120x64xf32>
    %swap3A_37 = arith.constant 0 : index
    %swap3A_38 = arith.constant 0 : index
    %swap3A_39 = vector.load %arg10[%swap3A_37, %swap3A_38] : memref<5120x64xf32, #tpu.memory_space<vmem>>, vector<5120x64xf32>
    tpu.vector_store %arg10[%swap3A_37, %swap3A_38], %slice3A_36 {strides = array<i32>} : memref<5120x64xf32, #tpu.memory_space<vmem>>, vector<5120x64xf32>,
    return
  }
  func.func @transform_0(%arg0: i32) -> (i32, i32) {
    %c0_i32 = arith.constant 0 : i32
    %c0_i32_0 = arith.constant 0 : i32
    return %arg0, %c0_i32 : i32, i32
  }
  func.func @transform_1(%arg0: i32) -> (i32, i32) {
    %add3A = arith.constant 2 : i32
    %add3A_0 = arith.addi %add3A, %arg0 : i32
    %c0_i32 = arith.constant 0 : i32
    %c0_i32_1 = arith.constant 0 : i32
    return %add3A_0, %c0_i32 : i32, i32
  }
  func.func @transform_2(%arg0: i32) -> (i32, i32) {
    %c0_i32 = arith.constant 0 : i32
    %c0_i32_0 = arith.constant 0 : i32
    return %arg0, %c0_i32 : i32, i32
  }
  func.func @transform_3(%arg0: i32) -> (i32, i32) {
    %c0_i32 = arith.constant 0 : i32
    %c0_i32_0 = arith.constant 0 : i32
    return %arg0, %c0_i32 : i32, i32
  }
  func.func @transform_4(%arg0: i32) -> (i32, i32) {
    %c0_i32 = arith.constant 0 : i32
    %c0_i32_0 = arith.constant 0 : i32
    return %arg0, %c0_i32 : i32, i32
  }
  func.func @transform_5(%arg0: i32) -> (i32, i32) {
    %c0_i32 = arith.constant 0 : i32
    %c0_i32_0 = arith.constant 0 : i32
    %c0_i32_1 = arith.constant 0 : i32
    return %c0_i32, %c0_i32_0 : i32, i32
  }
  func.func @transform_6(%arg0: i32) -> (i32, i32) {
    %c0_i32 = arith.constant 0 : i32
    %c0_i32_0 = arith.constant 0 : i32
    %c0_i32_1 = arith.constant 0 : i32
    return %c0_i32, %c0_i32_0 : i32, i32
  }
  func.func @transform_7(%arg0: i32) -> (i32, i32) {
    %c0_i32 = arith.constant 0 : i32
    %c0_i32_0 = arith.constant 0 : i32
    %c0_i32_1 = arith.constant 0 : i32
    return %c0_i32, %c0_i32_0 : i32, i32
  }
  func.func @transform_8(%arg0: i32) -> (i32, i32) {
    %c0_i32 = arith.constant 0 : i32
    %c0_i32_0 = arith.constant 0 : i32
    return %arg0, %c0_i32 : i32, i32
  }
  func.func @transform_9(%arg0: i32) -> (i32, i32) {
    %c0_i32 = arith.constant 0 : i32
    %c0_i32_0 = arith.constant 0 : i32
    return %arg0, %c0_i32 : i32, i32
  }
}

module attributes {stable_mosaic.version = 14 : i64} {
  func.func @_k_final(%arg0: i32, %arg1: memref<5120x64xf32, #tpu.memory_space<vmem>>, %arg2: memref<5120x64xf32, #tpu.memory_space<vmem>>, %arg3: memref<5120x64xf32, #tpu.memory_space<vmem>>, %arg4: memref<5120x64xf32, #tpu.memory_space<vmem>>, %arg5: memref<5120x1xf32, #tpu.memory_space<vmem>>, %arg6: memref<1x128xf32, #tpu.memory_space<vmem>>, %arg7: memref<1x128xf32, #tpu.memory_space<vmem>>, %arg8: memref<128x64xf32, #tpu.memory_space<vmem>>, %arg9: memref<1x64xf32, #tpu.memory_space<vmem>>, %arg10: memref<5120x64xf32, #tpu.memory_space<vmem>>) attributes {dimension_semantics = [#tpu.dimension_semantics<arbitrary>], iteration_bounds = array<i64: 2>, scalar_prefetch = 0 : i64, scratch_operands = 0 : i64, tpu.core_type = #tpu.core_type<tc>, window_params = [{transform_indices = @transform_0, window_bounds = array<i64: 5120, 64>}, {transform_indices = @transform_1, window_bounds = array<i64: 5120, 64>}, {transform_indices = @transform_2, window_bounds = array<i64: 5120, 64>}, {transform_indices = @transform_3, window_bounds = array<i64: 5120, 64>}, {transform_indices = @transform_4, window_bounds = array<i64: 5120, 1>}, {pipeline_mode = #tpu.pipeline_mode<synchronous>, transform_indices = @transform_5, window_bounds = array<i64: 1, 128>}, {pipeline_mode = #tpu.pipeline_mode<synchronous>, transform_indices = @transform_6, window_bounds = array<i64: 1, 128>}, {pipeline_mode = #tpu.pipeline_mode<synchronous>, transform_indices = @transform_7, window_bounds = array<i64: 128, 64>}, {pipeline_mode = #tpu.pipeline_mode<synchronous>, transform_indices = @transform_8, window_bounds = array<i64: 1, 64>}, {transform_indices = @transform_9, window_bounds = array<i64: 5120, 64>}]} {
    %get3A = arith.constant 0 : index
    %get3A_0 = arith.constant 0 : index
    %get3A_1 = vector.load %arg5[%get3A, %get3A_0] : memref<5120x1xf32, #tpu.memory_space<vmem>>, vector<5120x1xf32>
    %get3A_2 = arith.constant 0 : index
    %get3A_3 = arith.constant 0 : index
    %get3A_4 = vector.load %arg1[%get3A_2, %get3A_3] : memref<5120x64xf32, #tpu.memory_space<vmem>>, vector<5120x64xf32>
    %get3A_5 = arith.constant 0 : index
    %get3A_6 = arith.constant 0 : index
    %get3A_7 = vector.load %arg2[%get3A_5, %get3A_6] : memref<5120x64xf32, #tpu.memory_space<vmem>>, vector<5120x64xf32>
    %concatenate3A = tpu.concatenate %get3A_4, %get3A_7 in 1 : vector<5120x64xf32>, vector<5120x64xf32> -> vector<5120x128xf32>
    %get3A_8 = arith.constant 0 : index
    %get3A_9 = arith.constant 0 : index
    %get3A_10 = vector.load %arg3[%get3A_8, %get3A_9] : memref<5120x64xf32, #tpu.memory_space<vmem>>, vector<5120x64xf32>
    %get3A_11 = arith.constant 0 : index
    %get3A_12 = arith.constant 0 : index
    %get3A_13 = vector.load %arg4[%get3A_11, %get3A_12] : memref<5120x64xf32, #tpu.memory_space<vmem>>, vector<5120x64xf32>
    %concatenate3A_14 = tpu.concatenate %get3A_10, %get3A_13 in 1 : vector<5120x64xf32>, vector<5120x64xf32> -> vector<5120x128xf32>
    %add3A = arith.addf %concatenate3A, %concatenate3A_14 : vector<5120x128xf32>
    %mul3A = vector.broadcast %get3A_1 : vector<5120x1xf32> to vector<5120x128xf32>
    %mul3A_15 = arith.mulf %mul3A, %add3A : vector<5120x128xf32>
    %get3A_16 = arith.constant 0 : index
    %get3A_17 = arith.constant 0 : index
    %get3A_18 = vector.load %arg6[%get3A_16, %get3A_17] : memref<1x128xf32, #tpu.memory_space<vmem>>, vector<1x128xf32>
    %mul3A_19 = vector.broadcast %get3A_18 : vector<1x128xf32> to vector<5120x128xf32>
    %mul3A_20 = arith.mulf %mul3A_15, %mul3A_19 : vector<5120x128xf32>
    %get3A_21 = arith.constant 0 : index
    %get3A_22 = arith.constant 0 : index
    %get3A_23 = vector.load %arg7[%get3A_21, %get3A_22] : memref<1x128xf32, #tpu.memory_space<vmem>>, vector<1x128xf32>
    %add3A_24 = vector.broadcast %get3A_23 : vector<1x128xf32> to vector<5120x128xf32>
    %add3A_25 = arith.addf %mul3A_20, %add3A_24 : vector<5120x128xf32>
    %max3A = arith.constant 0.000000e+00 : f32
    %max3A_26 = vector.broadcast %max3A : f32 to vector<5120x128xf32>
    %max3A_27 = arith.maximumf %add3A_25, %max3A_26 : vector<5120x128xf32>
    %get3A_28 = arith.constant 0 : index
    %get3A_29 = arith.constant 0 : index
    %get3A_30 = vector.load %arg8[%get3A_28, %get3A_29] : memref<128x64xf32, #tpu.memory_space<vmem>>, vector<128x64xf32>
    %dot_general3A = arith.constant dense<0.000000e+00> : vector<5120x64xf32>
    %dot_general3A_31 = tpu.matmul %max3A_27, %get3A_30, %dot_general3A {dimension_numbers = #tpu.dot_dimension_numbers<[1], [0], [0], [1], [0, 0, 1, 1], [], []>, transpose_lhs_hint = false} : vector<5120x128xf32>, vector<128x64xf32>, vector<5120x64xf32> -> vector<5120x64xf32>
    %get3A_32 = arith.constant 0 : index
    %get3A_33 = arith.constant 0 : index
    %get3A_34 = vector.load %arg9[%get3A_32, %get3A_33] : memref<1x64xf32, #tpu.memory_space<vmem>>, vector<1x64xf32>
    %add3A_35 = vector.broadcast %get3A_34 : vector<1x64xf32> to vector<5120x64xf32>
    %add3A_36 = arith.addf %dot_general3A_31, %add3A_35 : vector<5120x64xf32>
    %swap3A = arith.constant 0 : index
    %swap3A_37 = arith.constant 0 : index
    %swap3A_38 = vector.load %arg10[%swap3A, %swap3A_37] : memref<5120x64xf32, #tpu.memory_space<vmem>>, vector<5120x64xf32>
    tpu.vector_store %arg10[%swap3A, %swap3A_37], %add3A_36 {strides = array<i32>} : memref<5120x64xf32, #tpu.memory_space<vmem>>, vector<5120x64xf32>,
    return
  }
  func.func @transform_0(%arg0: i32) -> (i32, i32) {
    %c0_i32 = arith.constant 0 : i32
    %c0_i32_0 = arith.constant 0 : i32
    return %arg0, %c0_i32 : i32, i32
  }
  func.func @transform_1(%arg0: i32) -> (i32, i32) {
    %add3A = arith.constant 2 : i32
    %add3A_0 = arith.addi %add3A, %arg0 : i32
    %c0_i32 = arith.constant 0 : i32
    %c0_i32_1 = arith.constant 0 : i32
    return %add3A_0, %c0_i32 : i32, i32
  }
  func.func @transform_2(%arg0: i32) -> (i32, i32) {
    %c0_i32 = arith.constant 0 : i32
    %c0_i32_0 = arith.constant 0 : i32
    return %arg0, %c0_i32 : i32, i32
  }
  func.func @transform_3(%arg0: i32) -> (i32, i32) {
    %c0_i32 = arith.constant 0 : i32
    %c0_i32_0 = arith.constant 0 : i32
    return %arg0, %c0_i32 : i32, i32
  }
  func.func @transform_4(%arg0: i32) -> (i32, i32) {
    %c0_i32 = arith.constant 0 : i32
    %c0_i32_0 = arith.constant 0 : i32
    return %arg0, %c0_i32 : i32, i32
  }
  func.func @transform_5(%arg0: i32) -> (i32, i32) {
    %c0_i32 = arith.constant 0 : i32
    %c0_i32_0 = arith.constant 0 : i32
    %c0_i32_1 = arith.constant 0 : i32
    return %c0_i32, %c0_i32_0 : i32, i32
  }
  func.func @transform_6(%arg0: i32) -> (i32, i32) {
    %c0_i32 = arith.constant 0 : i32
    %c0_i32_0 = arith.constant 0 : i32
    %c0_i32_1 = arith.constant 0 : i32
    return %c0_i32, %c0_i32_0 : i32, i32
  }
  func.func @transform_7(%arg0: i32) -> (i32, i32) {
    %c0_i32 = arith.constant 0 : i32
    %c0_i32_0 = arith.constant 0 : i32
    %c0_i32_1 = arith.constant 0 : i32
    return %c0_i32, %c0_i32_0 : i32, i32
  }
  func.func @transform_8(%arg0: i32) -> (i32, i32) {
    %c0_i32 = arith.constant 0 : i32
    %c0_i32_0 = arith.constant 0 : i32
    %c0_i32_1 = arith.constant 0 : i32
    return %c0_i32, %c0_i32_0 : i32, i32
  }
  func.func @transform_9(%arg0: i32) -> (i32, i32) {
    %c0_i32 = arith.constant 0 : i32
    %c0_i32_0 = arith.constant 0 : i32
    return %arg0, %c0_i32 : i32, i32
  }
}

</mosaic_0001>

<sc_bundles>
// kernel: kernel.11.cloned.1.call-start
scs
__scs_entry_jumppad:
0x0: {  	(pc) =	sbr.rel $0x88, $3  }
0x1: {  	(tag) =	ssettag $0x0;
	lr =	simm.s32 $0x1  }
0x2: {  	[smem:$0x3F91] =	sst lr;
	_ =	strace $0xD0000000  }
0x3: {  	_ = 	snop  }
0x4: {  	_ = 	snop  }
0x5: {  	_ = 	snop  }
0x6: {  	_ = 	snop  }
0x7: {  	_ = 	snop  }
__scs_overlays_trampoline_lowered:
0x8: {  	[smem:$0x3FA0] =	sst s0  }
0x9: {  	[smem:$0x3FA1] =	sst s1  }
0xa: {  	[smem:$0x3FA2] =	sst s2  }
0xb: {  	[smem:$0x3FA3] =	sst s3  }
0xc: {  	[smem:$0x3FA4] =	sst s4  }
0xd: {  	[smem:$0x3FA5] =	sst s5  }
0xe: {  	[smem:$0x3FA6] =	sst s6  }
0xf: {  	[smem:$0x3FA7] =	sst s7  }
0x10: {  	[smem:$0x3FA8] =	sst s8  }
0x11: {  	[smem:$0x3FA9] =	sst s9;
	s0 =	simm.s32 @!p0 $0x0  }
0x12: {  	s1 =	sld [smem:$0x3F8F];
	s0 =	simm.s32 @p0 $0x1  }
0x13: {  	[smem:$0x3FAA] =	sst s0;
	s0 =	simm.s32 @!p1 $0x0  }
0x14: {  	s2 =	sld [smem:$0x3F8E];
	s0 =	simm.s32 @p1 $0x1  }
0x15: {  	[smem:$0x3FAB] =	sst s0;
	s0 =	simm.s32 @!p2 $0x0  }
0x16: {  	s3 =	sld [smem:$0x3FDB];
	s0 =	simm.s32 @p2 $0x1  }
0x17: {  	s4 =	simm.s32 $0x1BF5;
	[smem:$0x3FAD] =	sst s0  }
0x18: {  	s0 =	sld [smem:$0x3F90];
	_ =	swait.ge [sflag:s4], $0x0  }
0x19: {  	s7 =	sld [smem:$0x3F91]  }
0x1a: {  	s8 =	sadd.s32 $0xFFFFE003, lr  }
0x1b: {  	s9 =	sadd.s32 $0xFFFFFEF7, lr;
	s5 =	simm.s32 $0xFFFFFFFF;
	p2 =	slt.u32 s8, $0xFFFFF086  }
0x1c: {  	p1 =	slt.u32 s9, $0xF7A;
	s5 =	simm.s32 @!p2 $0x0  }
0x1d: {  	s5 =	simm.s32 @p1 $0x1;
	p0 =	seq.s32 s7, s2  }
0x1e: {  	s7 =	smul.u32 @!p0 $0xF7A, s2;
	p2 =	seq.s32 @!p0 s5, $0x0  }
0x1f: {  	s9 =	smul.u32 $0xF7A, s1;
	s8 =	simm.s32 @!p0 $0x1BF5;
	p2 =	por !p2, p0  }
0x20: {  	[sflag:s8] =	ssyncset.s32 @!p0 $0xFFFFF086;
	s6 =	sadd.s32 @!p0 s3, s7;
	s7 =	simm.s32 @!p0 $0x108  }
0x21: {  	s3 =	sadd.s32 s3, s9;
	s6 =	sadd.s32 @!p0 $0x88, s6;
	s7 =	simm.s32 @p2 $0x1082  }
0x22: {  	[simem:s7], [sflag:s8] =	dma.local @!p0 [hbm:s6], $0xF7A  }
0x23: {  	s9 =	sor.u32 $0xD0000000, s2;
	s6 =	simm.s32 $0x108;
	_ =	swait.ge @!p0 [sflag:s8], $0x0  }
0x24: {  	s3 =	sadd.s32 $0x88, s3;
	s6 =	simm.s32 @!p1 $0x1082;
	[sflag:s4] =	ssyncset.s32 $0xFFFFF086  }
0x25: {  	[simem:s6], [sflag:s4] =	dma.local [hbm:s3], $0xF7A  }
0x26: {  	[smem:$0x3F91] =	sst s1;
	(tag) =	ssettag s2;
	_ =	strace s9  }
0x27: {  	s1 =	sld [smem:$0x3FA1]  }
0x28: {  	s2 =	sld [smem:$0x3FA2]  }
0x29: {  	s4 =	sld [smem:$0x3FA4]  }
0x2a: {  	p0 =	seq.s32 s5, $0x0;
	s5 =	sld [smem:$0x3FA5]  }
0x2b: {  	s6 =	sld [smem:$0x3FA6]  }
0x2c: {  	s7 =	sld [smem:$0x3FA7]  }
0x2d: {  	s3 =	simm.s32 $0x108;
	s8 =	sld [smem:$0x3FA8]  }
0x2e: {  	s3 =	simm.s32 @!p0 $0x1082;
	s9 =	sld [smem:$0x3FA9]  }
0x2f: {  	lr =	sadd.s32 s0, s3;
	s0 =	sld [smem:$0x3FA0]  }
0x30: {  	s3 =	sld [smem:$0x3FA3]  }
0x31: {  	[smem:$0x3FAC] =	sst s10  }
0x32: {  	s10 =	sld [smem:$0x3FAA];
	_ =	sdelay $0x3  }
0x33: {  	p0 =	seq.s32 s10, $0x1;
	s10 =	sld [smem:$0x3FAC];
	_ =	sdelay $0x3  }
0x34: {  	[smem:$0x3FAC] =	sst s10  }
0x35: {  	s10 =	sld [smem:$0x3FAB];
	_ =	sdelay $0x3  }
0x36: {  	p1 =	seq.s32 s10, $0x1;
	s10 =	sld [smem:$0x3FAC];
	_ =	sdelay $0x3  }
0x37: {  	[smem:$0x3FAC] =	sst s10  }
0x38: {  	s10 =	sld [smem:$0x3FAD]  }
0x39: {  	_ = 	snop;
	(pc) =	sbr.ind lr, $3  }
0x3a: {  	_ = 	snop  }
0x3b: {  	_ = 	snop  }
0x3c: {  	p2 =	seq.s32 s10, $0x1;
	s10 =	sld [smem:$0x3FAC]  }
0x3d: {  	_ =	shalt  }
0x3e: {  	_ =	shalt  }
0x3f: {  	_ =	shalt  }
0x40: {  	_ =	shalt  }
0x41: {  	_ =	shalt  }
0x42: {  	_ =	shalt  }
0x43: {  	_ =	shalt  }
0x44: {  	_ =	shalt  }
0x45: {  	_ =	shalt  }
0x46: {  	_ =	shalt  }
0x47: {  	_ =	shalt  }
0x48: {  	_ =	shalt  }
0x49: {  	_ =	shalt  }
0x4a: {  	_ =	shalt  }
0x4b: {  	_ =	shalt  }
0x4c: {  	_ =	shalt  }
0x4d: {  	_ =	shalt  }
0x4e: {  	_ =	shalt  }
0x4f: {  	_ =	shalt  }
0x50: {  	_ =	shalt  }
0x51: {  	_ =	shalt  }
0x52: {  	_ =	shalt  }
0x53: {  	_ =	shalt  }
0x54: {  	_ =	shalt  }
0x55: {  	_ =	shalt  }
0x56: {  	_ =	shalt  }
0x57: {  	_ =	shalt  }
0x58: {  	_ =	shalt  }
0x59: {  	_ =	shalt  }
0x5a: {  	_ =	shalt  }
0x5b: {  	_ =	shalt  }
0x5c: {  	_ =	shalt  }
0x5d: {  	_ =	shalt  }
0x5e: {  	_ =	shalt  }
0x5f: {  	_ =	shalt  }
0x60: {  	_ =	shalt  }
0x61: {  	_ =	shalt  }
0x62: {  	_ =	shalt  }
0x63: {  	_ =	shalt  }
0x64: {  	_ =	shalt  }
0x65: {  	_ =	shalt  }
0x66: {  	_ =	shalt  }
0x67: {  	_ =	shalt  }
0x68: {  	_ =	shalt  }
0x69: {  	_ =	shalt  }
0x6a: {  	_ =	shalt  }
0x6b: {  	_ =	shalt  }
0x6c: {  	_ =	shalt  }
0x6d: {  	_ =	shalt  }
0x6e: {  	_ =	shalt  }
0x6f: {  	_ =	shalt  }
0x70: {  	_ =	shalt  }
0x71: {  	_ =	shalt  }
0x72: {  	_ =	shalt  }
0x73: {  	_ =	shalt  }
0x74: {  	_ =	shalt  }
0x75: {  	_ =	shalt  }
0x76: {  	_ =	shalt  }
0x77: {  	_ =	shalt  }
0x78: {  	_ =	shalt  }
0x79: {  	_ =	shalt  }
0x7a: {  	_ =	shalt  }
0x7b: {  	_ =	shalt  }
0x7c: {  	_ =	shalt  }
0x7d: {  	_ =	shalt  }
0x7e: {  	_ =	shalt  }
0x7f: {  	_ =	shalt  }
0x80: {  	_ =	shalt  }
0x81: {  	_ =	shalt  }
0x82: {  	_ =	shalt  }
0x83: {  	_ =	shalt  }
0x84: {  	_ =	shalt  }
0x85: {  	_ =	shalt  }
0x86: {  	_ =	shalt  }
0x87: {  	_ =	shalt  }
.Lfunc_end0:
.L_simem_size_0:
called_computation.1_lowered:
.L_overlay_start_0:
0x88: {  	s2 =	sld [smem:$0x3FD9]  }
0x89: {  	s3 =	sld [smem:$0x3FFE];
	_ =	sdelay $0x1  }
0x8a: {  	s1 =	srdreg.scid  }
0x8b: {  	s0 =	sand.u32 $0x1, s1  }
0x8c: {  	s17 =	sshll.u32 s0, $0xA;
	s2 =	sadd.s32 s3, s2  }
0x8d: {  	s2 =	sadd.s32 s2, s17  }
0x8e: {  	[smem:$0x3FB8] =	sst s2  }
0x8f: {  	_ = 	snop  }
0x90: {  	s2 =	sld [smem:$0x3FD0];
	(tm) =	ssettm $0x1  }
0x91: {  	s18 =	sld [smem:$0x3FFB];
	_ =	sdelay $0x3  }
0x92: {  	_ =	strace s18  }
0x93: {  	s3 =	sld [smem:$0x3FFC];
	_ =	sdelay $0x3  }
0x94: {  	_ =	strace s3  }
0x95: {  	s3 =	sld [smem:$0x3FFD];
	_ =	sdelay $0x3  }
0x96: {  	_ =	strace s3  }
0x97: {  	_ =	strace $0x8FFFFFFF  }
0x98: {  	s19 =	sld [smem:$0x3FDB];
	_ =	sdelay $0x1  }
0x99: {  	s4 =	simm.s32 $_scs_section_size  }
0x9a: {  	s5 =	simm.s32 $_size__tile_overlayer_lowered;
	s6 =	simm.s32 $_tile_overlayer_lowered  }
0x9b: {  	s22 =	simm.s32 $0x1BFF;
	s21 =	sshll.u32 s6, $0x1;
	s3 =	sadd.s32 s4, s19  }
0x9c: {  	s7 =	simm.s32 $0x0;
	s20 =	sshll.u32 s5, $0x1;
	s5 =	sadd.s32 s21, s3  }
0x9d: {  	[timem:s7], [sflag:s22] =	dma.local [hbm:s5], s20  }
0x9e: {  	_ =	swait.ge [sflag:s22], s20  }
0x9f: {  	s4 =	ssub.s32 $0x0, s20;
	[sflag:s22] =	ssyncset.done $0x0  }
0xa0: {  	[sflag:s22] =	ssyncadd.s32 s4;
	_ =	sdelay $0x1  }
0xa1: {  	s23 =	simm.s32 $0x1B8B  }
0xa2: {  	_ =	swait.ge [sflag:s23], $0x1  }
0xa3: {  	[sflag:s23] =	ssyncset.done $0x0  }
0xa4: {  	s25 =	simm.s32 $0x1B8E;
	s24 =	sld [smem:$0x3FFE];
	[sflag:s23] =	ssyncadd.s32 $0xFFFFFFFF  }
0xa5: {  	s26 =	simm.s32 $execute0_lowered;
	[smem:$0x3FD2] =	sst s25  }
0xa6: {  	s5 =	sshll.u32 s26, $0x1;
	_ =	strace $0x80000049;
	[dreg:$0x1] =	wrdreg $0xFFFFFFFF  }
0xa7: {  	s28 =	simm.s32 $_size_execute0_lowered;
	s3 =	sadd.s32 s3, s5;
	[dreg:$0x0] =	wrdreg $0x0  }
0xa8: {  	s5 =	sshll.u32 s28, $0x1;
	[dreg:$0x2] =	wrdreg s3  }
0xa9: {  	[dreg:$0x3] =	wrdreg s5  }
0xaa: {  	[dreg:$0x4] =	wrdreg $0xC0  }
0xab: {  	_ =	task [dreg:s7], $0x5FFFF  }
0xac: {  	[dreg:$0x1] =	wrdreg $0xFFFFFFFF  }
0xad: {  	[dreg:$0x0] =	wrdreg $0x60  }
0xae: {  	[dreg:$0x2] =	wrdreg s24  }
0xaf: {  	[dreg:$0x3] =	wrdreg s2  }
0xb0: {  	[dreg:$0x4] =	wrdreg $0xA0000  }
0xb1: {  	[dreg:$0x5] =	wrdreg $0x0  }
0xb2: {  	[dreg:$0x6] =	wrdreg $0x9  }
0xb3: {  	_ =	task.clear_ibuf [dreg:s7], $0x7FFFF;
	_ =	strace $0x90000049  }
0xb4: {  	s29 =	simm.s32 $0x9;
	_ =	strace $0x8000004B  }
0xb5: {  	_ =	swait.ge [sflag:s29], $0x1  }
0xb6: {  	[sflag:s29] =	ssyncadd.s32 $0xFFFFFFFF  }
0xb7: {  	_ =	strace $0x9000004B  }
0xb8: {  	_ =	sfence  }
0xb9: {  	s30 =	sld [smem:$0x0];
	_ =	sdelay $0x2  }
0xba: {  	s31 =	sshll.u32 s1, $0xD;
	s1 =	sshrl.u32 s1, $0x2  }
0xbb: {  	s3 =	sand.u32 $0x4000, s31;
	s1 =	sadd.s32 s1, s30  }
0xbc: {  	s0 =	sor.u32 s3, s0;
	s1 =	sshll.u32 s1, $0x11  }
0xbd: {  	s0 =	sor.u32 s1, s0  }
0xbe: {  	s0 =	sadd.s32 $0x8F2B, s0  }
0xbf: {  	[sflag:s0] =	ssyncadd.remote.s32 $0x1  }
0xc0: {  	_ =	sfence.sel $0xFFFF  }
0xc1: {  	[dreg:$0x0] =	wrdreg $0xFFFFFFFF;
	(pc) =	sbr.abs _section_cstart, $3  }
0xc2: {  	[dreg:$0x1] =	wrdreg $0xFFFFFFFF  }
0xc3: {  	_ =	task.clear_ibuf [dreg:s7], $0x2FFFF;
	_ =	strace $0x9FFFFFFF  }
0xc4: {  	(tm) =	ssettm $0x7FFFFFFF  }
0xc5: {  	_ =	shalt  }
tec
execute0_lowered:
.L_overlay_start_1:
0x0: {  	(tag) =	ssettag $0x1  }
0x1: {  	s0 =	rddreg [dreg:$0x0]  }
0x2: {  	s4 =	rddreg [dreg:$0x1]  }
0x3: {  	s1 =	rddreg [dreg:$0x2]  }
0x4: {  	s2 =	rddreg [dreg:$0x3];
	s3 =	simm.s32 $0x0;
	s15 =	stileid.u32  }
0x5: {  	s5 =	srdreg.scid;
	s28 =	simm.s32 $0x19000;
	s9 =	smul.u32 $0xA000, s15  }
0x6: {  	s29 =	simm.s32 $0x6;
	s30 =	simm.s32 $0x5;
	s21 =	smul.u32 $0x28000, s15  }
0x7: {  	s31 =	simm.s32 $0x14000;
	[smem:$0x7FF] =	sst s3;
	s12 =	smul.u32 $0x5000, s15  }
0x8: {  	s6 =	sand.u32 $0x1, s5;
	s7 =	sadd.s32 $0xF000, s0;
	s13 =	smul.u32 $0xA00, s15  }
0x9: {  	s10 =	sadd.s32 $0x91000, s0;
	s14 =	smul.u32 $0x280, s15;
	_ =	strace $0x8000004A  }
0xa: {  	s5 =	ssub.s32 $0x2, s6;
	p0 =	seq.s32 s6, $0x1;
	s6 =	smul.u32 $0x2800, s6  }
0xb: {  	s8 =	sshrl.u32 s5, $0x1;
	s11 =	sadd.s32 s9, s1;
	s9 =	sshrl.u32 s9, $0x3  }
0xc: {  	s12 =	sshrl.u32 s12, $0x3;
	s16 =	sadd.s32 s7, s13;
	s13 =	sadd.s32 s4, s13  }
0xd: {  	s24 =	sadd.s32 $0x80, s14;
	s8 =	ssub.s32 s5, s8;
	[dreg:$0x5] =	wrdreg s16  }
0xe: {  	s5 =	sshrl.u32 s21, $0x2;
	s12 =	sadd.s32 $0x500, s12;
	[dreg:$0x6] =	wrdreg s13  }
0xf: {  	s23 =	sadd.s32 s6, s14;
	s26 =	sadd.s32 s6, s24;
	s16 =	sadd.s32 $0x180, s14  }
0x10: {  	s5 =	sadd.s32 s5, s2;
	s7 =	sadd.s32 s7, s12;
	s4 =	sadd.s32 s4, s12  }
0x11: {  	s22 =	smax.u32 s8, $0x1;
	s8 =	sshll.u32 s26, $0x3;
	[dreg:$0x7] =	wrdreg s7  }
0x12: {  	s12 =	sadd.s32 $0x100, s14;
	s17 =	sadd.s32 s6, s16;
	[dreg:$0x8] =	wrdreg s4  }
0x13: {  	s14 =	sadd.s32 $0x200, s14;
	s26 =	sshll.u32 s15, $0x6;
	[dreg:$0x9] =	wrdreg s22  }
0x14: {  	s25 =	sadd.s32 $0x2000, s5;
	s4 =	sshll.u32 s23, $0x3;
	s13 =	sadd.s32 s6, s12  }
0x15: {  	s18 =	sshll.u32 s17, $0x3;
	s6 =	sadd.s32 s6, s14;
	s20 =	sadd.s32 $0x4000, s5  }
0x16: {  	s21 =	sadd.s32 $0x6000, s5;
	s22 =	sshll.u32 s24, $0x6;
	s23 =	sshll.u32 s12, $0x6  }
0x17: {  	s24 =	sshll.u32 s16, $0x6;
	s7 =	simm.s32 $0x1B000;
	[dreg:$0xa] =	wrdreg s25  }
0x18: {  	s12 =	simm.s32 $0x18F00;
	s4 =	sadd.s32 s10, s4;
	[dreg:$0x10] =	wrdreg s20  }
0x19: {  	s19 =	sshll.u32 s6, $0x3;
	s6 =	simm.s32 $0x69000;
	[dreg:$0x11] =	wrdreg s21  }
0x1a: {  	s20 =	sadd.s32 s23, s2;
	s21 =	sadd.s32 s24, s2;
	s25 =	sshll.u32 s14, $0x6  }
0x1b: {  	s24 =	sor.u32 $0x1C05, s26;
	s26 =	sadd.s32 $0x8000, s5;
	s14 =	simm.s32 $0x0  }
0x1c: {  	[dreg:$0xb] =	wrdreg s4;
	s4 =	sadd.s32 s10, s8;
	s6 =	simm.s32 @!p0 $0x7D000  }
0x1d: {  	s8 =	simm.s32 $0x1;
	[dreg:$0xc] =	wrdreg s4;
	s4 =	sshll.u32 s13, $0x3  }
0x1e: {  	s0 =	sadd.s32 s6, s0;
	s6 =	simm.s32 $0x14080;
	s13 =	simm.s32 $0x18F80  }
0x1f: {  	s4 =	sadd.s32 s10, s4;
	s23 =	sadd.s32 s0, s9;
	s0 =	simm.s32 $0x16800  }
0x20: {  	s9 =	simm.s32 $0x2;
	[dreg:$0xd] =	wrdreg s4;
	s4 =	sadd.s32 s10, s18  }
0x21: {  	[dreg:$0xe] =	wrdreg s4;
	s4 =	sadd.s32 s10, s19;
	s19 =	sadd.s32 s22, s2  }
0x22: {  	s22 =	sadd.s32 s25, s2;
	s25 =	sshrl.u32 s11, $0x3;
	s10 =	simm.s32 $0x3  }
0x23: {  	v0 =	vimm.f32 $0.0e+00;
	s11 =	simm.s32 $0x4;
	[dreg:$0xf] =	wrdreg s4;
	s4 =	simm.s32 $0x80  }
.LBB2_1:
0x24: {  	[spmem:s25], [sflag:s24] =	dma.local [hbm:s23], $0x1400  }
0x25: {  	s15 =	sand.u32 $0x7F00, s3  }
0x26: {  	s16 =	sand.u32 $0x30, s3;
	s17 =	sshrl.u32 s15, $0x2  }
0x27: {  	s15 =	simm.s32 $0x40;
	s17 =	sor.u32 s16, s17;
	s16 =	simm.s32 $0x0  }
.LBB2_2:
0x28: {  	p0 =	seq.s32 s15, $0x7FC0  }
0x29: {  	[tilespmem:s17+$0x19000] =	vst v0;
	s16 =	sadd.s32 $0x10, s16;
	s17 =	smov.u32 s15;
	s15 =	sadd.s32 $0x40, s15  }
.Ltmp0:
0x2a: {  	(pc) =	sbr.rel @!p0 .LBB2_2-.Ltmp0, $4  }
0x2b: {  	_ = 	snop  }
0x2c: {  	s17 =	sand.u32 $0x7F00, s17  }
0x2d: {  	s18 =	sand.u32 $0x30, s16;
	s17 =	sshrl.u32 s17, $0x2  }
0x2e: {  	s17 =	sor.u32 s18, s17  }
0x2f: {  	[tilespmem:s17+$0x19000] =	vst v0  }
0x30: {  	[spmem:s5] =	stream.linear.scatter [tilespmem:s28], [sflag:$0x6], $0x2000, $0x38;
	[tilespmem:$0x1D000] =	vst v63  }
0x31: {  	_ =	swait.ge [sflag:s29], $0x2000  }
0x32: {  	[sflag:s29] =	ssyncset.done $0x0  }
0x33: {  	s15 =	rddreg [dreg:$0xa];
	[sflag:s29] =	ssyncadd.s32 $0xFFFFE000  }
0x34: {  	[spmem:s15] =	stream.linear.scatter [tilespmem:s28], [sflag:$0x6], $0x2000, $0x38;
	[tilespmem:$0x1D000] =	vst v63  }
0x35: {  	_ =	swait.ge [sflag:s29], $0x2000  }
0x36: {  	[sflag:s29] =	ssyncset.done $0x0  }
0x37: {  	s18 =	rddreg [dreg:$0x10];
	[sflag:s29] =	ssyncadd.s32 $0xFFFFE000  }
0x38: {  	[spmem:s18] =	stream.linear.scatter [tilespmem:s28], [sflag:$0x6], $0x2000, $0x38;
	[tilespmem:$0x1D000] =	vst v63  }
0x39: {  	_ =	swait.ge [sflag:s29], $0x2000  }
0x3a: {  	[sflag:s29] =	ssyncset.done $0x0  }
0x3b: {  	s16 =	rddreg [dreg:$0x11];
	[sflag:s29] =	ssyncadd.s32 $0xFFFFE000  }
0x3c: {  	[spmem:s16] =	stream.linear.scatter [tilespmem:s28], [sflag:$0x6], $0x2000, $0x38;
	[tilespmem:$0x1D000] =	vst v63  }
0x3d: {  	_ =	swait.ge [sflag:s29], $0x2000  }
0x3e: {  	[sflag:s29] =	ssyncset.done $0x0  }
0x3f: {  	[sflag:s29] =	ssyncadd.s32 $0xFFFFE000  }
0x40: {  	[spmem:s26] =	stream.linear.scatter [tilespmem:s28], [sflag:$0x6], $0x2000, $0x38;
	[tilespmem:$0x1D000] =	vst v63  }
0x41: {  	_ =	swait.ge [sflag:s29], $0x2000  }
0x42: {  	[sflag:s29] =	ssyncset.done $0x0  }
0x43: {  	[sflag:s29] =	ssyncadd.s32 $0xFFFFE000  }
0x44: {  	_ =	swait.ge [sflag:s30], $0x1400  }
0x45: {  	[sflag:s30] =	ssyncset.done $0x0  }
0x46: {  	[sflag:s30] =	ssyncadd.s32 $0xFFFFEC00  }
0x47: {  	[bflag:$0x0] =	sbarrier.arrive $0xFFFF  }
0x48: {  	s17 =	simm.s32 $0x0;
	s16 =	rddreg [dreg:$0x5]  }
0x49: {  	[tilespmem:s31], [sflag:$0x6] =	stream.linear.gather [hbm4b:s16+s17], $0x2800, $0x38;
	[tilespmem:$0x1D000] =	vst v63  }
0x4a: {  	_ =	swait.ge [sflag:s29], $0x2800  }
0x4b: {  	[sflag:s29] =	ssyncset.done $0x0  }
0x4c: {  	s18 =	rddreg [dreg:$0x6];
	[sflag:s29] =	ssyncadd.s32 $0xFFFFD800  }
0x4d: {  	[tilespmem:s0], [sflag:$0x6] =	stream.linear.gather [hbm4b:s18+s17], $0x2800, $0x38;
	[tilespmem:$0x1D000] =	vst v63  }
0x4e: {  	_ =	swait.ge [sflag:s29], $0x2800  }
0x4f: {  	[sflag:s29] =	ssyncset.done $0x0  }
0x50: {  	[sflag:s29] =	ssyncadd.s32 $0xFFFFD800  }
0x51: {  	[tilespmem:s28], [sflag:$0x1] =	stream.indirect.gather [spmem:s1], $0x40, s31, s4, $0xb8;
	[tilespmem:$0x1D000] =	vst v63  }
0x52: {  	_ = 	snop  }
0x53: {  	[tilespmem:s7], [sflag:$0x2] =	stream.indirect.gather [spmem:s1], $0x40, s6, s4, $0xb8;
	[tilespmem:$0x1D000] =	vst v63  }
0x54: {  	_ =	swait.ge [sflag:s8], $0x2000  }
0x55: {  	[sflag:s8] =	ssyncset.done $0x0  }
0x56: {  	s16 =	simm.s32 $0x16800;
	[sflag:s8] =	ssyncadd.s32 $0xFFFFE000  }
0x57: {  	[spmem:s2] =	stream.indirect.scatter.add.f32 [tilespmem:s28], [sflag:$0x3], $0x40, s16, s4, $0xb8;
	[tilespmem:$0x1D000] =	vst v63  }
0x58: {  	_ =	swait.ge [sflag:s9], $0x2000  }
0x59: {  	[sflag:s9] =	ssyncset.done $0x0  }
0x5a: {  	s17 =	simm.s32 $0x16880;
	[sflag:s9] =	ssyncadd.s32 $0xFFFFE000  }
0x5b: {  	[spmem:s2] =	stream.indirect.scatter.add.f32 [tilespmem:s7], [sflag:$0x4], $0x40, s17, s4, $0xb8;
	[tilespmem:$0x1D000] =	vst v63  }
0x5c: {  	_ =	swait.ge [sflag:s10], $0x2000  }
0x5d: {  	[sflag:s10] =	ssyncset.done $0x0  }
0x5e: {  	s18 =	simm.s32 $0x14100;
	[sflag:s10] =	ssyncadd.s32 $0xFFFFE000  }
0x5f: {  	[tilespmem:s28], [sflag:$0x1] =	stream.indirect.gather [spmem:s1], $0x40, s18, s4, $0xb8;
	[tilespmem:$0x1D000] =	vst v63  }
0x60: {  	_ =	swait.ge [sflag:s11], $0x2000  }
0x61: {  	[sflag:s11] =	ssyncset.done $0x0  }
0x62: {  	s15 =	simm.s32 $0x400;
	s16 =	simm.s32 $0x14180;
	[sflag:s11] =	ssyncadd.s32 $0xFFFFE000  }
.LBB2_4:
0x63: {  	[tilespmem:s7], [sflag:$0x2] =	stream.indirect.gather [spmem:s1], $0x40, s16, s4, $0xb8;
	[tilespmem:$0x1D000] =	vst v63  }
0x64: {  	s16 =	smov.u32 s15  }
0x65: {  	p0 =	sne.s32 s15, $0x9800;
	s15 =	sadd.s32 $0x400, s15;
	_ =	swait.ge [sflag:s8], $0x2000  }
0x66: {  	s16 =	sshra.s32 s16, $0x2;
	[sflag:s8] =	ssyncset.done $0x0  }
0x67: {  	s17 =	sadd.s32 $0x16800, s16;
	[sflag:s8] =	ssyncadd.s32 $0xFFFFE000  }
0x68: {  	[spmem:s2] =	stream.indirect.scatter.add.f32 [tilespmem:s28], [sflag:$0x3], $0x40, s17, s4, $0xb8;
	[tilespmem:$0x1D000] =	vst v63  }
0x69: {  	_ =	swait.ge [sflag:s9], $0x2000  }
0x6a: {  	[sflag:s9] =	ssyncset.done $0x0  }
0x6b: {  	s17 =	sadd.s32 $0x16880, s16;
	[sflag:s9] =	ssyncadd.s32 $0xFFFFE000  }
0x6c: {  	[spmem:s2] =	stream.indirect.scatter.add.f32 [tilespmem:s7], [sflag:$0x4], $0x40, s17, s4, $0xb8;
	[tilespmem:$0x1D000] =	vst v63  }
0x6d: {  	_ =	swait.ge [sflag:s10], $0x2000  }
0x6e: {  	[sflag:s10] =	ssyncset.done $0x0  }
.Ltmp1:
0x6f: {  	s17 =	sadd.s32 $0x14100, s16;
	[sflag:s10] =	ssyncadd.s32 $0xFFFFE000;
	(pc) =	sbr.rel @p0 .LBB2_4-.Ltmp1, $4  }
0x70: {  	[tilespmem:s28], [sflag:$0x1] =	stream.indirect.gather [spmem:s1], $0x40, s17, s4, $0xb8;
	[tilespmem:$0x1D000] =	vst v63  }
0x71: {  	_ =	swait.ge [sflag:s11], $0x2000  }
0x72: {  	[sflag:s11] =	ssyncset.done $0x0  }
0x73: {  	s16 =	sadd.s32 $0x14180, s16;
	[sflag:s11] =	ssyncadd.s32 $0xFFFFE000  }
0x74: {  	[tilespmem:s7], [sflag:$0x2] =	stream.indirect.gather [spmem:s1], $0x40, s16, s4, $0xb8;
	[tilespmem:$0x1D000] =	vst v63  }
0x75: {  	_ =	swait.ge [sflag:s8], $0x2000  }
0x76: {  	[sflag:s8] =	ssyncset.done $0x0  }
0x77: {  	[sflag:s8] =	ssyncadd.s32 $0xFFFFE000  }
0x78: {  	[spmem:s2] =	stream.indirect.scatter.add.f32 [tilespmem:s28], [sflag:$0x3], $0x40, s12, s4, $0xb8;
	[tilespmem:$0x1D000] =	vst v63  }
0x79: {  	_ =	swait.ge [sflag:s9], $0x2000  }
0x7a: {  	[sflag:s9] =	ssyncset.done $0x0  }
0x7b: {  	[sflag:s9] =	ssyncadd.s32 $0xFFFFE000  }
0x7c: {  	[spmem:s2] =	stream.indirect.scatter.add.f32 [tilespmem:s7], [sflag:$0x4], $0x40, s13, s4, $0xb8;
	[tilespmem:$0x1D000] =	vst v63  }
0x7d: {  	_ =	swait.ge [sflag:s10], $0x2000  }
0x7e: {  	[sflag:s10] =	ssyncset.done $0x0  }
0x7f: {  	[sflag:s10] =	ssyncadd.s32 $0xFFFFE000  }
0x80: {  	_ =	swait.ge [sflag:s11], $0x2000  }
0x81: {  	[sflag:s11] =	ssyncset.done $0x0  }
0x82: {  	s15 =	simm.s32 $0x0;
	s17 =	rddreg [dreg:$0x7];
	[sflag:s11] =	ssyncadd.s32 $0xFFFFE000  }
0x83: {  	[tilespmem:s31], [sflag:$0x6] =	stream.linear.gather [hbm4b:s17+s15], $0x2800, $0x38;
	[tilespmem:$0x1D000] =	vst v63  }
0x84: {  	_ =	swait.ge [sflag:s29], $0x2800  }
0x85: {  	[sflag:s29] =	ssyncset.done $0x0  }
0x86: {  	s18 =	rddreg [dreg:$0x8];
	[sflag:s29] =	ssyncadd.s32 $0xFFFFD800  }
0x87: {  	[tilespmem:s0], [sflag:$0x6] =	stream.linear.gather [hbm4b:s18+s15], $0x2800, $0x38;
	[tilespmem:$0x1D000] =	vst v63  }
0x88: {  	_ =	swait.ge [sflag:s29], $0x2800  }
0x89: {  	[sflag:s29] =	ssyncset.done $0x0  }
0x8a: {  	[sflag:s29] =	ssyncadd.s32 $0xFFFFD800  }
0x8b: {  	[tilespmem:s28], [sflag:$0x1] =	stream.indirect.gather [spmem:s1], $0x40, s31, s4, $0xb8;
	[tilespmem:$0x1D000] =	vst v63  }
0x8c: {  	_ = 	snop  }
0x8d: {  	[tilespmem:s7], [sflag:$0x2] =	stream.indirect.gather [spmem:s1], $0x40, s6, s4, $0xb8;
	[tilespmem:$0x1D000] =	vst v63  }
0x8e: {  	_ =	swait.ge [sflag:s8], $0x2000  }
0x8f: {  	[sflag:s8] =	ssyncset.done $0x0  }
0x90: {  	s16 =	simm.s32 $0x16800;
	[sflag:s8] =	ssyncadd.s32 $0xFFFFE000  }
0x91: {  	[spmem:s2] =	stream.indirect.scatter.add.f32 [tilespmem:s28], [sflag:$0x3], $0x40, s16, s4, $0xb8;
	[tilespmem:$0x1D000] =	vst v63  }
0x92: {  	_ =	swait.ge [sflag:s9], $0x2000  }
0x93: {  	[sflag:s9] =	ssyncset.done $0x0  }
0x94: {  	s17 =	simm.s32 $0x16880;
	[sflag:s9] =	ssyncadd.s32 $0xFFFFE000  }
0x95: {  	[spmem:s2] =	stream.indirect.scatter.add.f32 [tilespmem:s7], [sflag:$0x4], $0x40, s17, s4, $0xb8;
	[tilespmem:$0x1D000] =	vst v63  }
0x96: {  	_ =	swait.ge [sflag:s10], $0x2000  }
0x97: {  	[sflag:s10] =	ssyncset.done $0x0  }
0x98: {  	s18 =	simm.s32 $0x14100;
	[sflag:s10] =	ssyncadd.s32 $0xFFFFE000  }
0x99: {  	[tilespmem:s28], [sflag:$0x1] =	stream.indirect.gather [spmem:s1], $0x40, s18, s4, $0xb8;
	[tilespmem:$0x1D000] =	vst v63  }
0x9a: {  	_ =	swait.ge [sflag:s11], $0x2000  }
0x9b: {  	[sflag:s11] =	ssyncset.done $0x0  }
0x9c: {  	s15 =	simm.s32 $0x400;
	s16 =	simm.s32 $0x14180;
	[sflag:s11] =	ssyncadd.s32 $0xFFFFE000  }
.LBB2_6:
0x9d: {  	[tilespmem:s7], [sflag:$0x2] =	stream.indirect.gather [spmem:s1], $0x40, s16, s4, $0xb8;
	[tilespmem:$0x1D000] =	vst v63  }
0x9e: {  	s16 =	smov.u32 s15  }
0x9f: {  	p0 =	sne.s32 s15, $0x9800;
	s15 =	sadd.s32 $0x400, s15;
	_ =	swait.ge [sflag:s8], $0x2000  }
0xa0: {  	s16 =	sshra.s32 s16, $0x2;
	[sflag:s8] =	ssyncset.done $0x0  }
0xa1: {  	s17 =	sadd.s32 $0x16800, s16;
	[sflag:s8] =	ssyncadd.s32 $0xFFFFE000  }
0xa2: {  	[spmem:s2] =	stream.indirect.scatter.add.f32 [tilespmem:s28], [sflag:$0x3], $0x40, s17, s4, $0xb8;
	[tilespmem:$0x1D000] =	vst v63  }
0xa3: {  	_ =	swait.ge [sflag:s9], $0x2000  }
0xa4: {  	[sflag:s9] =	ssyncset.done $0x0  }
0xa5: {  	s17 =	sadd.s32 $0x16880, s16;
	[sflag:s9] =	ssyncadd.s32 $0xFFFFE000  }
0xa6: {  	[spmem:s2] =	stream.indirect.scatter.add.f32 [tilespmem:s7], [sflag:$0x4], $0x40, s17, s4, $0xb8;
	[tilespmem:$0x1D000] =	vst v63  }
0xa7: {  	_ =	swait.ge [sflag:s10], $0x2000  }
0xa8: {  	[sflag:s10] =	ssyncset.done $0x0  }
.Ltmp2:
0xa9: {  	s17 =	sadd.s32 $0x14100, s16;
	[sflag:s10] =	ssyncadd.s32 $0xFFFFE000;
	(pc) =	sbr.rel @p0 .LBB2_6-.Ltmp2, $4  }
0xaa: {  	[tilespmem:s28], [sflag:$0x1] =	stream.indirect.gather [spmem:s1], $0x40, s17, s4, $0xb8;
	[tilespmem:$0x1D000] =	vst v63  }
0xab: {  	_ =	swait.ge [sflag:s11], $0x2000  }
0xac: {  	[sflag:s11] =	ssyncset.done $0x0  }
0xad: {  	s16 =	sadd.s32 $0x14180, s16;
	[sflag:s11] =	ssyncadd.s32 $0xFFFFE000  }
0xae: {  	[tilespmem:s7], [sflag:$0x2] =	stream.indirect.gather [spmem:s1], $0x40, s16, s4, $0xb8;
	[tilespmem:$0x1D000] =	vst v63  }
0xaf: {  	_ =	swait.ge [sflag:s8], $0x2000  }
0xb0: {  	[sflag:s8] =	ssyncset.done $0x0  }
0xb1: {  	[sflag:s8] =	ssyncadd.s32 $0xFFFFE000  }
0xb2: {  	[spmem:s2] =	stream.indirect.scatter.add.f32 [tilespmem:s28], [sflag:$0x3], $0x40, s12, s4, $0xb8;
	[tilespmem:$0x1D000] =	vst v63  }
0xb3: {  	_ =	swait.ge [sflag:s9], $0x2000  }
0xb4: {  	[sflag:s9] =	ssyncset.done $0x0  }
0xb5: {  	[sflag:s9] =	ssyncadd.s32 $0xFFFFE000  }
0xb6: {  	[spmem:s2] =	stream.indirect.scatter.add.f32 [tilespmem:s7], [sflag:$0x4], $0x40, s13, s4, $0xb8;
	[tilespmem:$0x1D000] =	vst v63  }
0xb7: {  	_ =	swait.ge [sflag:s10], $0x2000  }
0xb8: {  	[sflag:s10] =	ssyncset.done $0x0  }
0xb9: {  	[sflag:s10] =	ssyncadd.s32 $0xFFFFE000  }
0xba: {  	_ =	swait.ge [sflag:s11], $0x2000  }
0xbb: {  	[sflag:s11] =	ssyncset.done $0x0  }
0xbc: {  	[sflag:s11] =	ssyncadd.s32 $0xFFFFE000  }
0xbd: {  	[bflag:$0x0] =	sbarrier.arrive $0xFFFF  }
0xbe: {  	[tilespmem:s28], [sflag:$0x6] =	stream.linear.gather [spmem:s5], $0x2000, $0x38;
	[tilespmem:$0x1D000] =	vst v63  }
0xbf: {  	_ =	swait.ge [sflag:s29], $0x2000  }
0xc0: {  	[sflag:s29] =	ssyncset.done $0x0  }
0xc1: {  	s15 =	rddreg [dreg:$0xb];
	[sflag:s29] =	ssyncadd.s32 $0xFFFFE000  }
0xc2: {  	[hbm4b:s15+s3] =	stream.linear.scatter [tilespmem:s28], [sflag:$0x6], $0x2000, $0x38;
	[tilespmem:$0x1D000] =	vst v63  }
0xc3: {  	_ =	swait.ge [sflag:s29], $0x2000  }
0xc4: {  	[sflag:s29] =	ssyncset.done $0x0  }
0xc5: {  	[sflag:s29] =	ssyncadd.s32 $0xFFFFE000  }
0xc6: {  	[tilespmem:s28], [sflag:$0x6] =	stream.linear.gather [spmem:s19], $0x2000, $0x38;
	[tilespmem:$0x1D000] =	vst v63  }
0xc7: {  	_ =	swait.ge [sflag:s29], $0x2000  }
0xc8: {  	[sflag:s29] =	ssyncset.done $0x0  }
0xc9: {  	s17 =	rddreg [dreg:$0xc];
	[sflag:s29] =	ssyncadd.s32 $0xFFFFE000  }
0xca: {  	[hbm4b:s17+s3] =	stream.linear.scatter [tilespmem:s28], [sflag:$0x6], $0x2000, $0x38;
	[tilespmem:$0x1D000] =	vst v63  }
0xcb: {  	_ =	swait.ge [sflag:s29], $0x2000  }
0xcc: {  	[sflag:s29] =	ssyncset.done $0x0  }
0xcd: {  	[sflag:s29] =	ssyncadd.s32 $0xFFFFE000  }
0xce: {  	[tilespmem:s28], [sflag:$0x6] =	stream.linear.gather [spmem:s20], $0x2000, $0x38;
	[tilespmem:$0x1D000] =	vst v63  }
0xcf: {  	_ =	swait.ge [sflag:s29], $0x2000  }
0xd0: {  	[sflag:s29] =	ssyncset.done $0x0  }
0xd1: {  	s18 =	rddreg [dreg:$0xd];
	[sflag:s29] =	ssyncadd.s32 $0xFFFFE000  }
0xd2: {  	[hbm4b:s18+s3] =	stream.linear.scatter [tilespmem:s28], [sflag:$0x6], $0x2000, $0x38;
	[tilespmem:$0x1D000] =	vst v63  }
0xd3: {  	_ =	swait.ge [sflag:s29], $0x2000  }
0xd4: {  	[sflag:s29] =	ssyncset.done $0x0  }
0xd5: {  	[sflag:s29] =	ssyncadd.s32 $0xFFFFE000  }
0xd6: {  	[tilespmem:s28], [sflag:$0x6] =	stream.linear.gather [spmem:s21], $0x2000, $0x38;
	[tilespmem:$0x1D000] =	vst v63  }
0xd7: {  	_ =	swait.ge [sflag:s29], $0x2000  }
0xd8: {  	[sflag:s29] =	ssyncset.done $0x0  }
0xd9: {  	s16 =	rddreg [dreg:$0xe];
	[sflag:s29] =	ssyncadd.s32 $0xFFFFE000  }
0xda: {  	[hbm4b:s16+s3] =	stream.linear.scatter [tilespmem:s28], [sflag:$0x6], $0x2000, $0x38;
	[tilespmem:$0x1D000] =	vst v63  }
0xdb: {  	_ =	swait.ge [sflag:s29], $0x2000  }
0xdc: {  	[sflag:s29] =	ssyncset.done $0x0  }
0xdd: {  	[sflag:s29] =	ssyncadd.s32 $0xFFFFE000  }
0xde: {  	[tilespmem:s28], [sflag:$0x6] =	stream.linear.gather [spmem:s22], $0x2000, $0x38;
	[tilespmem:$0x1D000] =	vst v63  }
0xdf: {  	_ =	swait.ge [sflag:s29], $0x2000  }
0xe0: {  	[sflag:s29] =	ssyncset.done $0x0  }
0xe1: {  	s17 =	rddreg [dreg:$0xf];
	[sflag:s29] =	ssyncadd.s32 $0xFFFFE000  }
0xe2: {  	[hbm4b:s17+s3] =	stream.linear.scatter [tilespmem:s28], [sflag:$0x6], $0x2000, $0x38;
	[tilespmem:$0x1D000] =	vst v63  }
0xe3: {  	_ =	swait.ge [sflag:s29], $0x2000  }
0xe4: {  	s14 =	sadd.s32 $0x1, s14;
	s18 =	rddreg [dreg:$0x9]  }
0xe5: {  	p0 =	sne.s32 s14, s18  }
.Ltmp3:
0xe6: {  	_ = 	snop;
	(pc) =	sbr.rel @p0 .LBB2_1-.Ltmp3, $3  }
0xe7: {  	_ =	sdelay $0x1  }
0xe8: {  	[sflag:s29] =	ssyncset.done $0x0  }
0xe9: {  	[sflag:s29] =	ssyncadd.s32 $0xFFFFE000  }
0xea: {  	_ =	sfence.sel $0x180000  }
0xeb: {  	[bflag:$0x0] =	sbarrier.arrive $0xFFFF  }
0xec: {  	_ =	strace $0x9000004A  }
0xed: {  	s0 =	stileid.u32;
	[bflag:$0x2] =	sbarrier.arrive $0xFFFF  }
0xee: {  	p0 =	sne.s32 s0, $0x0;
	s0 =	rddreg [dreg:$0x4]  }
0xef: {  	s0 =	sadd.s32 @!p0 $0x100000, s0  }
0xf0: {  	[sflag:s0] =	ssyncadd.tile.s32 @!p0 $0x1;
	_ =	shalt  }
.Lfunc_end2:
_tile_overlayer_lowered:
.L_overlay_start_2:
0xf1: {  	(tag) =	ssettag $0x2  }
0xf2: {  	s0 =	rddreg [dreg:$0x0];
	s2 =	stileid.u32  }
0xf3: {  	s1 =	rddreg [dreg:$0x1];
	p0 =	sne.s32 s2, $0x0  }
0xf4: {  	s3 =	rddreg [dreg:$0x2];
	[bflag:$0x3] =	sbarrier.arrive $0xFFFF;
	s2 =	simm.s32 @!p0 $0x1C06  }
0xf5: {  	[timem:s3], [sflag:s2] =	dma.local @!p0 [hbm:s0], s1  }
0xf6: {  	s0 =	simm.s32 @!p0 $0x6  }
0xf7: {  	_ =	swait.ge @!p0 [sflag:s0], s1  }
0xf8: {  	s1 =	ssub.s32 @!p0 $0x0, s1;
	[sflag:s0] =	ssyncset.done @!p0 $0x0  }
0xf9: {  	[sflag:s0] =	ssyncadd.s32 @!p0 s1  }
0xfa: {  	[bflag:$0x3] =	sbarrier.arrive $0xFFFF  }
0xfb: {  	_ =	shalt  }

// kernel: kernel.14.cloned.1.call-start
scs
__scs_entry_jumppad:
0x0: {  	(pc) =	sbr.rel $0x88, $3  }
0x1: {  	(tag) =	ssettag $0x0;
	lr =	simm.s32 $0x1  }
0x2: {  	[smem:$0x3F91] =	sst lr;
	_ =	strace $0xD0000000  }
0x3: {  	_ = 	snop  }
0x4: {  	_ = 	snop  }
0x5: {  	_ = 	snop  }
0x6: {  	_ = 	snop  }
0x7: {  	_ = 	snop  }
__scs_overlays_trampoline_lowered:
0x8: {  	[smem:$0x3FA0] =	sst s0  }
0x9: {  	[smem:$0x3FA1] =	sst s1  }
0xa: {  	[smem:$0x3FA2] =	sst s2  }
0xb: {  	[smem:$0x3FA3] =	sst s3  }
0xc: {  	[smem:$0x3FA4] =	sst s4  }
0xd: {  	[smem:$0x3FA5] =	sst s5  }
0xe: {  	[smem:$0x3FA6] =	sst s6  }
0xf: {  	[smem:$0x3FA7] =	sst s7  }
0x10: {  	[smem:$0x3FA8] =	sst s8  }
0x11: {  	[smem:$0x3FA9] =	sst s9;
	s0 =	simm.s32 @!p0 $0x0  }
0x12: {  	s1 =	sld [smem:$0x3F8F];
	s0 =	simm.s32 @p0 $0x1  }
0x13: {  	[smem:$0x3FAA] =	sst s0;
	s0 =	simm.s32 @!p1 $0x0  }
0x14: {  	s2 =	sld [smem:$0x3F8E];
	s0 =	simm.s32 @p1 $0x1  }
0x15: {  	[smem:$0x3FAB] =	sst s0;
	s0 =	simm.s32 @!p2 $0x0  }
0x16: {  	s3 =	sld [smem:$0x3FDB];
	s0 =	simm.s32 @p2 $0x1  }
0x17: {  	s4 =	simm.s32 $0x1BF5;
	[smem:$0x3FAD] =	sst s0  }
0x18: {  	s0 =	sld [smem:$0x3F90];
	_ =	swait.ge [sflag:s4], $0x0  }
0x19: {  	s7 =	sld [smem:$0x3F91]  }
0x1a: {  	s8 =	sadd.s32 $0xFFFFE003, lr  }
0x1b: {  	s9 =	sadd.s32 $0xFFFFFEF7, lr;
	s5 =	simm.s32 $0xFFFFFFFF;
	p2 =	slt.u32 s8, $0xFFFFF086  }
0x1c: {  	p1 =	slt.u32 s9, $0xF7A;
	s5 =	simm.s32 @!p2 $0x0  }
0x1d: {  	s5 =	simm.s32 @p1 $0x1;
	p0 =	seq.s32 s7, s2  }
0x1e: {  	s7 =	smul.u32 @!p0 $0xF7A, s2;
	p2 =	seq.s32 @!p0 s5, $0x0  }
0x1f: {  	s9 =	smul.u32 $0xF7A, s1;
	s8 =	simm.s32 @!p0 $0x1BF5;
	p2 =	por !p2, p0  }
0x20: {  	[sflag:s8] =	ssyncset.s32 @!p0 $0xFFFFF086;
	s6 =	sadd.s32 @!p0 s3, s7;
	s7 =	simm.s32 @!p0 $0x108  }
0x21: {  	s3 =	sadd.s32 s3, s9;
	s6 =	sadd.s32 @!p0 $0x88, s6;
	s7 =	simm.s32 @p2 $0x1082  }
0x22: {  	[simem:s7], [sflag:s8] =	dma.local @!p0 [hbm:s6], $0xF7A  }
0x23: {  	s9 =	sor.u32 $0xD0000000, s2;
	s6 =	simm.s32 $0x108;
	_ =	swait.ge @!p0 [sflag:s8], $0x0  }
0x24: {  	s3 =	sadd.s32 $0x88, s3;
	s6 =	simm.s32 @!p1 $0x1082;
	[sflag:s4] =	ssyncset.s32 $0xFFFFF086  }
0x25: {  	[simem:s6], [sflag:s4] =	dma.local [hbm:s3], $0xF7A  }
0x26: {  	[smem:$0x3F91] =	sst s1;
	(tag) =	ssettag s2;
	_ =	strace s9  }
0x27: {  	s1 =	sld [smem:$0x3FA1]  }
0x28: {  	s2 =	sld [smem:$0x3FA2]  }
0x29: {  	s4 =	sld [smem:$0x3FA4]  }
0x2a: {  	p0 =	seq.s32 s5, $0x0;
	s5 =	sld [smem:$0x3FA5]  }
0x2b: {  	s6 =	sld [smem:$0x3FA6]  }
0x2c: {  	s7 =	sld [smem:$0x3FA7]  }
0x2d: {  	s3 =	simm.s32 $0x108;
	s8 =	sld [smem:$0x3FA8]  }
0x2e: {  	s3 =	simm.s32 @!p0 $0x1082;
	s9 =	sld [smem:$0x3FA9]  }
0x2f: {  	lr =	sadd.s32 s0, s3;
	s0 =	sld [smem:$0x3FA0]  }
0x30: {  	s3 =	sld [smem:$0x3FA3]  }
0x31: {  	[smem:$0x3FAC] =	sst s10  }
0x32: {  	s10 =	sld [smem:$0x3FAA];
	_ =	sdelay $0x3  }
0x33: {  	p0 =	seq.s32 s10, $0x1;
	s10 =	sld [smem:$0x3FAC];
	_ =	sdelay $0x3  }
0x34: {  	[smem:$0x3FAC] =	sst s10  }
0x35: {  	s10 =	sld [smem:$0x3FAB];
	_ =	sdelay $0x3  }
0x36: {  	p1 =	seq.s32 s10, $0x1;
	s10 =	sld [smem:$0x3FAC];
	_ =	sdelay $0x3  }
0x37: {  	[smem:$0x3FAC] =	sst s10  }
0x38: {  	s10 =	sld [smem:$0x3FAD]  }
0x39: {  	_ = 	snop;
	(pc) =	sbr.ind lr, $3  }
0x3a: {  	_ = 	snop  }
0x3b: {  	_ = 	snop  }
0x3c: {  	p2 =	seq.s32 s10, $0x1;
	s10 =	sld [smem:$0x3FAC]  }
0x3d: {  	_ =	shalt  }
0x3e: {  	_ =	shalt  }
0x3f: {  	_ =	shalt  }
0x40: {  	_ =	shalt  }
0x41: {  	_ =	shalt  }
0x42: {  	_ =	shalt  }
0x43: {  	_ =	shalt  }
0x44: {  	_ =	shalt  }
0x45: {  	_ =	shalt  }
0x46: {  	_ =	shalt  }
0x47: {  	_ =	shalt  }
0x48: {  	_ =	shalt  }
0x49: {  	_ =	shalt  }
0x4a: {  	_ =	shalt  }
0x4b: {  	_ =	shalt  }
0x4c: {  	_ =	shalt  }
0x4d: {  	_ =	shalt  }
0x4e: {  	_ =	shalt  }
0x4f: {  	_ =	shalt  }
0x50: {  	_ =	shalt  }
0x51: {  	_ =	shalt  }
0x52: {  	_ =	shalt  }
0x53: {  	_ =	shalt  }
0x54: {  	_ =	shalt  }
0x55: {  	_ =	shalt  }
0x56: {  	_ =	shalt  }
0x57: {  	_ =	shalt  }
0x58: {  	_ =	shalt  }
0x59: {  	_ =	shalt  }
0x5a: {  	_ =	shalt  }
0x5b: {  	_ =	shalt  }
0x5c: {  	_ =	shalt  }
0x5d: {  	_ =	shalt  }
0x5e: {  	_ =	shalt  }
0x5f: {  	_ =	shalt  }
0x60: {  	_ =	shalt  }
0x61: {  	_ =	shalt  }
0x62: {  	_ =	shalt  }
0x63: {  	_ =	shalt  }
0x64: {  	_ =	shalt  }
0x65: {  	_ =	shalt  }
0x66: {  	_ =	shalt  }
0x67: {  	_ =	shalt  }
0x68: {  	_ =	shalt  }
0x69: {  	_ =	shalt  }
0x6a: {  	_ =	shalt  }
0x6b: {  	_ =	shalt  }
0x6c: {  	_ =	shalt  }
0x6d: {  	_ =	shalt  }
0x6e: {  	_ =	shalt  }
0x6f: {  	_ =	shalt  }
0x70: {  	_ =	shalt  }
0x71: {  	_ =	shalt  }
0x72: {  	_ =	shalt  }
0x73: {  	_ =	shalt  }
0x74: {  	_ =	shalt  }
0x75: {  	_ =	shalt  }
0x76: {  	_ =	shalt  }
0x77: {  	_ =	shalt  }
0x78: {  	_ =	shalt  }
0x79: {  	_ =	shalt  }
0x7a: {  	_ =	shalt  }
0x7b: {  	_ =	shalt  }
0x7c: {  	_ =	shalt  }
0x7d: {  	_ =	shalt  }
0x7e: {  	_ =	shalt  }
0x7f: {  	_ =	shalt  }
0x80: {  	_ =	shalt  }
0x81: {  	_ =	shalt  }
0x82: {  	_ =	shalt  }
0x83: {  	_ =	shalt  }
0x84: {  	_ =	shalt  }
0x85: {  	_ =	shalt  }
0x86: {  	_ =	shalt  }
0x87: {  	_ =	shalt  }
.Lfunc_end0:
.L_simem_size_0:
called_computation.2_lowered:
.L_overlay_start_0:
0x88: {  	s2 =	sld [smem:$0x3FD9]  }
0x89: {  	s3 =	sld [smem:$0x3FFE];
	_ =	sdelay $0x1  }
0x8a: {  	s1 =	srdreg.scid  }
0x8b: {  	s0 =	sand.u32 $0x1, s1  }
0x8c: {  	s17 =	sshll.u32 s0, $0xA;
	s2 =	sadd.s32 s3, s2  }
0x8d: {  	s2 =	sadd.s32 s2, s17  }
0x8e: {  	[smem:$0x3FB8] =	sst s2  }
0x8f: {  	_ = 	snop  }
0x90: {  	s2 =	sld [smem:$0x3FD0];
	(tm) =	ssettm $0x1  }
0x91: {  	s18 =	sld [smem:$0x3FFB];
	_ =	sdelay $0x3  }
0x92: {  	_ =	strace s18  }
0x93: {  	s3 =	sld [smem:$0x3FFC];
	_ =	sdelay $0x3  }
0x94: {  	_ =	strace s3  }
0x95: {  	s3 =	sld [smem:$0x3FFD];
	_ =	sdelay $0x3  }
0x96: {  	_ =	strace s3  }
0x97: {  	_ =	strace $0x8FFFFFFF  }
0x98: {  	s19 =	sld [smem:$0x3FDB];
	_ =	sdelay $0x1  }
0x99: {  	s4 =	simm.s32 $_scs_section_size  }
0x9a: {  	s5 =	simm.s32 $_size__tile_overlayer_lowered;
	s6 =	simm.s32 $_tile_overlayer_lowered  }
0x9b: {  	s22 =	simm.s32 $0x1BFF;
	s21 =	sshll.u32 s6, $0x1;
	s3 =	sadd.s32 s4, s19  }
0x9c: {  	s7 =	simm.s32 $0x0;
	s20 =	sshll.u32 s5, $0x1;
	s5 =	sadd.s32 s21, s3  }
0x9d: {  	[timem:s7], [sflag:s22] =	dma.local [hbm:s5], s20  }
0x9e: {  	_ =	swait.ge [sflag:s22], s20  }
0x9f: {  	s4 =	ssub.s32 $0x0, s20;
	[sflag:s22] =	ssyncset.done $0x0  }
0xa0: {  	[sflag:s22] =	ssyncadd.s32 s4;
	_ =	sdelay $0x1  }
0xa1: {  	s23 =	simm.s32 $0x1B8B  }
0xa2: {  	_ =	swait.ge [sflag:s23], $0x1  }
0xa3: {  	[sflag:s23] =	ssyncset.done $0x0  }
0xa4: {  	s25 =	simm.s32 $0x1B8E;
	s24 =	sld [smem:$0x3FFE];
	[sflag:s23] =	ssyncadd.s32 $0xFFFFFFFF  }
0xa5: {  	s26 =	simm.s32 $execute0_lowered;
	[smem:$0x3FD2] =	sst s25  }
0xa6: {  	s5 =	sshll.u32 s26, $0x1;
	_ =	strace $0x8000004C;
	[dreg:$0x1] =	wrdreg $0xFFFFFFFF  }
0xa7: {  	s28 =	simm.s32 $_size_execute0_lowered;
	s3 =	sadd.s32 s3, s5;
	[dreg:$0x0] =	wrdreg $0x0  }
0xa8: {  	s5 =	sshll.u32 s28, $0x1;
	[dreg:$0x2] =	wrdreg s3  }
0xa9: {  	[dreg:$0x3] =	wrdreg s5  }
0xaa: {  	[dreg:$0x4] =	wrdreg $0xC0  }
0xab: {  	_ =	task [dreg:s7], $0x5FFFF  }
0xac: {  	[dreg:$0x1] =	wrdreg $0xFFFFFFFF  }
0xad: {  	[dreg:$0x0] =	wrdreg $0x60  }
0xae: {  	[dreg:$0x2] =	wrdreg s24  }
0xaf: {  	[dreg:$0x3] =	wrdreg s2  }
0xb0: {  	[dreg:$0x4] =	wrdreg $0xA0000  }
0xb1: {  	[dreg:$0x5] =	wrdreg $0x0  }
0xb2: {  	[dreg:$0x6] =	wrdreg $0x9  }
0xb3: {  	_ =	task.clear_ibuf [dreg:s7], $0x7FFFF;
	_ =	strace $0x9000004C  }
0xb4: {  	s29 =	simm.s32 $0x9;
	_ =	strace $0x8000004E  }
0xb5: {  	_ =	swait.ge [sflag:s29], $0x1  }
0xb6: {  	[sflag:s29] =	ssyncadd.s32 $0xFFFFFFFF  }
0xb7: {  	_ =	strace $0x9000004E  }
0xb8: {  	_ =	sfence  }
0xb9: {  	s30 =	sld [smem:$0x0];
	_ =	sdelay $0x2  }
0xba: {  	s31 =	sshll.u32 s1, $0xD;
	s1 =	sshrl.u32 s1, $0x2  }
0xbb: {  	s3 =	sand.u32 $0x4000, s31;
	s1 =	sadd.s32 s1, s30  }
0xbc: {  	s0 =	sor.u32 s3, s0;
	s1 =	sshll.u32 s1, $0x11  }
0xbd: {  	s0 =	sor.u32 s1, s0  }
0xbe: {  	s0 =	sadd.s32 $0x8F2B, s0  }
0xbf: {  	[sflag:s0] =	ssyncadd.remote.s32 $0x1  }
0xc0: {  	_ =	sfence.sel $0xFFFF  }
0xc1: {  	[dreg:$0x0] =	wrdreg $0xFFFFFFFF;
	(pc) =	sbr.abs _section_cstart, $3  }
0xc2: {  	[dreg:$0x1] =	wrdreg $0xFFFFFFFF  }
0xc3: {  	_ =	task.clear_ibuf [dreg:s7], $0x2FFFF;
	_ =	strace $0x9FFFFFFF  }
0xc4: {  	(tm) =	ssettm $0x7FFFFFFF  }
0xc5: {  	_ =	shalt  }
tec
execute0_lowered:
.L_overlay_start_1:
0x0: {  	(tag) =	ssettag $0x1  }
0x1: {  	s0 =	rddreg [dreg:$0x0]  }
0x2: {  	s4 =	rddreg [dreg:$0x1]  }
0x3: {  	s1 =	rddreg [dreg:$0x2]  }
0x4: {  	s2 =	rddreg [dreg:$0x3];
	s3 =	simm.s32 $0x0;
	s15 =	stileid.u32  }
0x5: {  	s5 =	srdreg.scid;
	s28 =	simm.s32 $0x19000;
	s9 =	smul.u32 $0xA000, s15  }
0x6: {  	s29 =	simm.s32 $0x6;
	s30 =	simm.s32 $0x5;
	s21 =	smul.u32 $0x28000, s15  }
0x7: {  	s31 =	simm.s32 $0x14000;
	[smem:$0x7FF] =	sst s3;
	s12 =	smul.u32 $0x5000, s15  }
0x8: {  	s6 =	sand.u32 $0x1, s5;
	s7 =	sadd.s32 $0xF000, s0;
	s13 =	smul.u32 $0xA00, s15  }
0x9: {  	s10 =	sadd.s32 $0x69000, s0;
	s14 =	smul.u32 $0x280, s15;
	_ =	strace $0x8000004D  }
0xa: {  	s5 =	ssub.s32 $0x2, s6;
	p0 =	seq.s32 s6, $0x1;
	s6 =	smul.u32 $0x2800, s6  }
0xb: {  	s8 =	sshrl.u32 s5, $0x1;
	s11 =	sadd.s32 s9, s1;
	s9 =	sshrl.u32 s9, $0x3  }
0xc: {  	s12 =	sshrl.u32 s12, $0x3;
	s16 =	sadd.s32 s7, s13;
	s13 =	sadd.s32 s4, s13  }
0xd: {  	s24 =	sadd.s32 $0x80, s14;
	s8 =	ssub.s32 s5, s8;
	[dreg:$0x5] =	wrdreg s16  }
0xe: {  	s5 =	sshrl.u32 s21, $0x2;
	s12 =	sadd.s32 $0x500, s12;
	[dreg:$0x6] =	wrdreg s13  }
0xf: {  	s23 =	sadd.s32 s6, s14;
	s26 =	sadd.s32 s6, s24;
	s16 =	sadd.s32 $0x180, s14  }
0x10: {  	s5 =	sadd.s32 s5, s2;
	s7 =	sadd.s32 s7, s12;
	s4 =	sadd.s32 s4, s12  }
0x11: {  	s22 =	smax.u32 s8, $0x1;
	s8 =	sshll.u32 s26, $0x3;
	[dreg:$0x7] =	wrdreg s7  }
0x12: {  	s12 =	sadd.s32 $0x100, s14;
	s17 =	sadd.s32 s6, s16;
	[dreg:$0x8] =	wrdreg s4  }
0x13: {  	s14 =	sadd.s32 $0x200, s14;
	s26 =	sshll.u32 s15, $0x6;
	[dreg:$0x9] =	wrdreg s22  }
0x14: {  	s25 =	sadd.s32 $0x2000, s5;
	s4 =	sshll.u32 s23, $0x3;
	s13 =	sadd.s32 s6, s12  }
0x15: {  	s18 =	sshll.u32 s17, $0x3;
	s6 =	sadd.s32 s6, s14;
	s20 =	sadd.s32 $0x4000, s5  }
0x16: {  	s21 =	sadd.s32 $0x6000, s5;
	s22 =	sshll.u32 s24, $0x6;
	s23 =	sshll.u32 s12, $0x6  }
0x17: {  	s24 =	sshll.u32 s16, $0x6;
	s7 =	simm.s32 $0x1B000;
	[dreg:$0xa] =	wrdreg s25  }
0x18: {  	s12 =	simm.s32 $0x18F00;
	s4 =	sadd.s32 s10, s4;
	[dreg:$0x10] =	wrdreg s20  }
0x19: {  	s19 =	sshll.u32 s6, $0x3;
	s6 =	simm.s32 $0x41000;
	[dreg:$0x11] =	wrdreg s21  }
0x1a: {  	s20 =	sadd.s32 s23, s2;
	s21 =	sadd.s32 s24, s2;
	s25 =	sshll.u32 s14, $0x6  }
0x1b: {  	s24 =	sor.u32 $0x1C05, s26;
	s26 =	sadd.s32 $0x8000, s5;
	s14 =	simm.s32 $0x0  }
0x1c: {  	[dreg:$0xb] =	wrdreg s4;
	s4 =	sadd.s32 s10, s8;
	s6 =	simm.s32 @!p0 $0x55000  }
0x1d: {  	s8 =	simm.s32 $0x1;
	[dreg:$0xc] =	wrdreg s4;
	s4 =	sshll.u32 s13, $0x3  }
0x1e: {  	s0 =	sadd.s32 s6, s0;
	s6 =	simm.s32 $0x14080;
	s13 =	simm.s32 $0x18F80  }
0x1f: {  	s4 =	sadd.s32 s10, s4;
	s23 =	sadd.s32 s0, s9;
	s0 =	simm.s32 $0x16800  }
0x20: {  	s9 =	simm.s32 $0x2;
	[dreg:$0xd] =	wrdreg s4;
	s4 =	sadd.s32 s10, s18  }
0x21: {  	[dreg:$0xe] =	wrdreg s4;
	s4 =	sadd.s32 s10, s19;
	s19 =	sadd.s32 s22, s2  }
0x22: {  	s22 =	sadd.s32 s25, s2;
	s25 =	sshrl.u32 s11, $0x3;
	s10 =	simm.s32 $0x3  }
0x23: {  	v0 =	vimm.f32 $0.0e+00;
	s11 =	simm.s32 $0x4;
	[dreg:$0xf] =	wrdreg s4;
	s4 =	simm.s32 $0x80  }
.LBB2_1:
0x24: {  	[spmem:s25], [sflag:s24] =	dma.local [hbm:s23], $0x1400  }
0x25: {  	s15 =	sand.u32 $0x7F00, s3  }
0x26: {  	s16 =	sand.u32 $0x30, s3;
	s17 =	sshrl.u32 s15, $0x2  }
0x27: {  	s15 =	simm.s32 $0x40;
	s17 =	sor.u32 s16, s17;
	s16 =	simm.s32 $0x0  }
.LBB2_2:
0x28: {  	p0 =	seq.s32 s15, $0x7FC0  }
0x29: {  	[tilespmem:s17+$0x19000] =	vst v0;
	s16 =	sadd.s32 $0x10, s16;
	s17 =	smov.u32 s15;
	s15 =	sadd.s32 $0x40, s15  }
.Ltmp0:
0x2a: {  	(pc) =	sbr.rel @!p0 .LBB2_2-.Ltmp0, $4  }
0x2b: {  	_ = 	snop  }
0x2c: {  	s17 =	sand.u32 $0x7F00, s17  }
0x2d: {  	s18 =	sand.u32 $0x30, s16;
	s17 =	sshrl.u32 s17, $0x2  }
0x2e: {  	s17 =	sor.u32 s18, s17  }
0x2f: {  	[tilespmem:s17+$0x19000] =	vst v0  }
0x30: {  	[spmem:s5] =	stream.linear.scatter [tilespmem:s28], [sflag:$0x6], $0x2000, $0x38;
	[tilespmem:$0x1D000] =	vst v63  }
0x31: {  	_ =	swait.ge [sflag:s29], $0x2000  }
0x32: {  	[sflag:s29] =	ssyncset.done $0x0  }
0x33: {  	s15 =	rddreg [dreg:$0xa];
	[sflag:s29] =	ssyncadd.s32 $0xFFFFE000  }
0x34: {  	[spmem:s15] =	stream.linear.scatter [tilespmem:s28], [sflag:$0x6], $0x2000, $0x38;
	[tilespmem:$0x1D000] =	vst v63  }
0x35: {  	_ =	swait.ge [sflag:s29], $0x2000  }
0x36: {  	[sflag:s29] =	ssyncset.done $0x0  }
0x37: {  	s18 =	rddreg [dreg:$0x10];
	[sflag:s29] =	ssyncadd.s32 $0xFFFFE000  }
0x38: {  	[spmem:s18] =	stream.linear.scatter [tilespmem:s28], [sflag:$0x6], $0x2000, $0x38;
	[tilespmem:$0x1D000] =	vst v63  }
0x39: {  	_ =	swait.ge [sflag:s29], $0x2000  }
0x3a: {  	[sflag:s29] =	ssyncset.done $0x0  }
0x3b: {  	s16 =	rddreg [dreg:$0x11];
	[sflag:s29] =	ssyncadd.s32 $0xFFFFE000  }
0x3c: {  	[spmem:s16] =	stream.linear.scatter [tilespmem:s28], [sflag:$0x6], $0x2000, $0x38;
	[tilespmem:$0x1D000] =	vst v63  }
0x3d: {  	_ =	swait.ge [sflag:s29], $0x2000  }
0x3e: {  	[sflag:s29] =	ssyncset.done $0x0  }
0x3f: {  	[sflag:s29] =	ssyncadd.s32 $0xFFFFE000  }
0x40: {  	[spmem:s26] =	stream.linear.scatter [tilespmem:s28], [sflag:$0x6], $0x2000, $0x38;
	[tilespmem:$0x1D000] =	vst v63  }
0x41: {  	_ =	swait.ge [sflag:s29], $0x2000  }
0x42: {  	[sflag:s29] =	ssyncset.done $0x0  }
0x43: {  	[sflag:s29] =	ssyncadd.s32 $0xFFFFE000  }
0x44: {  	_ =	swait.ge [sflag:s30], $0x1400  }
0x45: {  	[sflag:s30] =	ssyncset.done $0x0  }
0x46: {  	[sflag:s30] =	ssyncadd.s32 $0xFFFFEC00  }
0x47: {  	[bflag:$0x0] =	sbarrier.arrive $0xFFFF  }
0x48: {  	s17 =	simm.s32 $0x0;
	s16 =	rddreg [dreg:$0x5]  }
0x49: {  	[tilespmem:s31], [sflag:$0x6] =	stream.linear.gather [hbm4b:s16+s17], $0x2800, $0x38;
	[tilespmem:$0x1D000] =	vst v63  }
0x4a: {  	_ =	swait.ge [sflag:s29], $0x2800  }
0x4b: {  	[sflag:s29] =	ssyncset.done $0x0  }
0x4c: {  	s18 =	rddreg [dreg:$0x6];
	[sflag:s29] =	ssyncadd.s32 $0xFFFFD800  }
0x4d: {  	[tilespmem:s0], [sflag:$0x6] =	stream.linear.gather [hbm4b:s18+s17], $0x2800, $0x38;
	[tilespmem:$0x1D000] =	vst v63  }
0x4e: {  	_ =	swait.ge [sflag:s29], $0x2800  }
0x4f: {  	[sflag:s29] =	ssyncset.done $0x0  }
0x50: {  	[sflag:s29] =	ssyncadd.s32 $0xFFFFD800  }
0x51: {  	[tilespmem:s28], [sflag:$0x1] =	stream.indirect.gather [spmem:s1], $0x40, s31, s4, $0xb8;
	[tilespmem:$0x1D000] =	vst v63  }
0x52: {  	_ = 	snop  }
0x53: {  	[tilespmem:s7], [sflag:$0x2] =	stream.indirect.gather [spmem:s1], $0x40, s6, s4, $0xb8;
	[tilespmem:$0x1D000] =	vst v63  }
0x54: {  	_ =	swait.ge [sflag:s8], $0x2000  }
0x55: {  	[sflag:s8] =	ssyncset.done $0x0  }
0x56: {  	s16 =	simm.s32 $0x16800;
	[sflag:s8] =	ssyncadd.s32 $0xFFFFE000  }
0x57: {  	[spmem:s2] =	stream.indirect.scatter.add.f32 [tilespmem:s28], [sflag:$0x3], $0x40, s16, s4, $0xb8;
	[tilespmem:$0x1D000] =	vst v63  }
0x58: {  	_ =	swait.ge [sflag:s9], $0x2000  }
0x59: {  	[sflag:s9] =	ssyncset.done $0x0  }
0x5a: {  	s17 =	simm.s32 $0x16880;
	[sflag:s9] =	ssyncadd.s32 $0xFFFFE000  }
0x5b: {  	[spmem:s2] =	stream.indirect.scatter.add.f32 [tilespmem:s7], [sflag:$0x4], $0x40, s17, s4, $0xb8;
	[tilespmem:$0x1D000] =	vst v63  }
0x5c: {  	_ =	swait.ge [sflag:s10], $0x2000  }
0x5d: {  	[sflag:s10] =	ssyncset.done $0x0  }
0x5e: {  	s18 =	simm.s32 $0x14100;
	[sflag:s10] =	ssyncadd.s32 $0xFFFFE000  }
0x5f: {  	[tilespmem:s28], [sflag:$0x1] =	stream.indirect.gather [spmem:s1], $0x40, s18, s4, $0xb8;
	[tilespmem:$0x1D000] =	vst v63  }
0x60: {  	_ =	swait.ge [sflag:s11], $0x2000  }
0x61: {  	[sflag:s11] =	ssyncset.done $0x0  }
0x62: {  	s15 =	simm.s32 $0x400;
	s16 =	simm.s32 $0x14180;
	[sflag:s11] =	ssyncadd.s32 $0xFFFFE000  }
.LBB2_4:
0x63: {  	[tilespmem:s7], [sflag:$0x2] =	stream.indirect.gather [spmem:s1], $0x40, s16, s4, $0xb8;
	[tilespmem:$0x1D000] =	vst v63  }
0x64: {  	s16 =	smov.u32 s15  }
0x65: {  	p0 =	sne.s32 s15, $0x9800;
	s15 =	sadd.s32 $0x400, s15;
	_ =	swait.ge [sflag:s8], $0x2000  }
0x66: {  	s16 =	sshra.s32 s16, $0x2;
	[sflag:s8] =	ssyncset.done $0x0  }
0x67: {  	s17 =	sadd.s32 $0x16800, s16;
	[sflag:s8] =	ssyncadd.s32 $0xFFFFE000  }
0x68: {  	[spmem:s2] =	stream.indirect.scatter.add.f32 [tilespmem:s28], [sflag:$0x3], $0x40, s17, s4, $0xb8;
	[tilespmem:$0x1D000] =	vst v63  }
0x69: {  	_ =	swait.ge [sflag:s9], $0x2000  }
0x6a: {  	[sflag:s9] =	ssyncset.done $0x0  }
0x6b: {  	s17 =	sadd.s32 $0x16880, s16;
	[sflag:s9] =	ssyncadd.s32 $0xFFFFE000  }
0x6c: {  	[spmem:s2] =	stream.indirect.scatter.add.f32 [tilespmem:s7], [sflag:$0x4], $0x40, s17, s4, $0xb8;
	[tilespmem:$0x1D000] =	vst v63  }
0x6d: {  	_ =	swait.ge [sflag:s10], $0x2000  }
0x6e: {  	[sflag:s10] =	ssyncset.done $0x0  }
.Ltmp1:
0x6f: {  	s17 =	sadd.s32 $0x14100, s16;
	[sflag:s10] =	ssyncadd.s32 $0xFFFFE000;
	(pc) =	sbr.rel @p0 .LBB2_4-.Ltmp1, $4  }
0x70: {  	[tilespmem:s28], [sflag:$0x1] =	stream.indirect.gather [spmem:s1], $0x40, s17, s4, $0xb8;
	[tilespmem:$0x1D000] =	vst v63  }
0x71: {  	_ =	swait.ge [sflag:s11], $0x2000  }
0x72: {  	[sflag:s11] =	ssyncset.done $0x0  }
0x73: {  	s16 =	sadd.s32 $0x14180, s16;
	[sflag:s11] =	ssyncadd.s32 $0xFFFFE000  }
0x74: {  	[tilespmem:s7], [sflag:$0x2] =	stream.indirect.gather [spmem:s1], $0x40, s16, s4, $0xb8;
	[tilespmem:$0x1D000] =	vst v63  }
0x75: {  	_ =	swait.ge [sflag:s8], $0x2000  }
0x76: {  	[sflag:s8] =	ssyncset.done $0x0  }
0x77: {  	[sflag:s8] =	ssyncadd.s32 $0xFFFFE000  }
0x78: {  	[spmem:s2] =	stream.indirect.scatter.add.f32 [tilespmem:s28], [sflag:$0x3], $0x40, s12, s4, $0xb8;
	[tilespmem:$0x1D000] =	vst v63  }
0x79: {  	_ =	swait.ge [sflag:s9], $0x2000  }
0x7a: {  	[sflag:s9] =	ssyncset.done $0x0  }
0x7b: {  	[sflag:s9] =	ssyncadd.s32 $0xFFFFE000  }
0x7c: {  	[spmem:s2] =	stream.indirect.scatter.add.f32 [tilespmem:s7], [sflag:$0x4], $0x40, s13, s4, $0xb8;
	[tilespmem:$0x1D000] =	vst v63  }
0x7d: {  	_ =	swait.ge [sflag:s10], $0x2000  }
0x7e: {  	[sflag:s10] =	ssyncset.done $0x0  }
0x7f: {  	[sflag:s10] =	ssyncadd.s32 $0xFFFFE000  }
0x80: {  	_ =	swait.ge [sflag:s11], $0x2000  }
0x81: {  	[sflag:s11] =	ssyncset.done $0x0  }
0x82: {  	s15 =	simm.s32 $0x0;
	s17 =	rddreg [dreg:$0x7];
	[sflag:s11] =	ssyncadd.s32 $0xFFFFE000  }
0x83: {  	[tilespmem:s31], [sflag:$0x6] =	stream.linear.gather [hbm4b:s17+s15], $0x2800, $0x38;
	[tilespmem:$0x1D000] =	vst v63  }
0x84: {  	_ =	swait.ge [sflag:s29], $0x2800  }
0x85: {  	[sflag:s29] =	ssyncset.done $0x0  }
0x86: {  	s18 =	rddreg [dreg:$0x8];
	[sflag:s29] =	ssyncadd.s32 $0xFFFFD800  }
0x87: {  	[tilespmem:s0], [sflag:$0x6] =	stream.linear.gather [hbm4b:s18+s15], $0x2800, $0x38;
	[tilespmem:$0x1D000] =	vst v63  }
0x88: {  	_ =	swait.ge [sflag:s29], $0x2800  }
0x89: {  	[sflag:s29] =	ssyncset.done $0x0  }
0x8a: {  	[sflag:s29] =	ssyncadd.s32 $0xFFFFD800  }
0x8b: {  	[tilespmem:s28], [sflag:$0x1] =	stream.indirect.gather [spmem:s1], $0x40, s31, s4, $0xb8;
	[tilespmem:$0x1D000] =	vst v63  }
0x8c: {  	_ = 	snop  }
0x8d: {  	[tilespmem:s7], [sflag:$0x2] =	stream.indirect.gather [spmem:s1], $0x40, s6, s4, $0xb8;
	[tilespmem:$0x1D000] =	vst v63  }
0x8e: {  	_ =	swait.ge [sflag:s8], $0x2000  }
0x8f: {  	[sflag:s8] =	ssyncset.done $0x0  }
0x90: {  	s16 =	simm.s32 $0x16800;
	[sflag:s8] =	ssyncadd.s32 $0xFFFFE000  }
0x91: {  	[spmem:s2] =	stream.indirect.scatter.add.f32 [tilespmem:s28], [sflag:$0x3], $0x40, s16, s4, $0xb8;
	[tilespmem:$0x1D000] =	vst v63  }
0x92: {  	_ =	swait.ge [sflag:s9], $0x2000  }
0x93: {  	[sflag:s9] =	ssyncset.done $0x0  }
0x94: {  	s17 =	simm.s32 $0x16880;
	[sflag:s9] =	ssyncadd.s32 $0xFFFFE000  }
0x95: {  	[spmem:s2] =	stream.indirect.scatter.add.f32 [tilespmem:s7], [sflag:$0x4], $0x40, s17, s4, $0xb8;
	[tilespmem:$0x1D000] =	vst v63  }
0x96: {  	_ =	swait.ge [sflag:s10], $0x2000  }
0x97: {  	[sflag:s10] =	ssyncset.done $0x0  }
0x98: {  	s18 =	simm.s32 $0x14100;
	[sflag:s10] =	ssyncadd.s32 $0xFFFFE000  }
0x99: {  	[tilespmem:s28], [sflag:$0x1] =	stream.indirect.gather [spmem:s1], $0x40, s18, s4, $0xb8;
	[tilespmem:$0x1D000] =	vst v63  }
0x9a: {  	_ =	swait.ge [sflag:s11], $0x2000  }
0x9b: {  	[sflag:s11] =	ssyncset.done $0x0  }
0x9c: {  	s15 =	simm.s32 $0x400;
	s16 =	simm.s32 $0x14180;
	[sflag:s11] =	ssyncadd.s32 $0xFFFFE000  }
.LBB2_6:
0x9d: {  	[tilespmem:s7], [sflag:$0x2] =	stream.indirect.gather [spmem:s1], $0x40, s16, s4, $0xb8;
	[tilespmem:$0x1D000] =	vst v63  }
0x9e: {  	s16 =	smov.u32 s15  }
0x9f: {  	p0 =	sne.s32 s15, $0x9800;
	s15 =	sadd.s32 $0x400, s15;
	_ =	swait.ge [sflag:s8], $0x2000  }
0xa0: {  	s16 =	sshra.s32 s16, $0x2;
	[sflag:s8] =	ssyncset.done $0x0  }
0xa1: {  	s17 =	sadd.s32 $0x16800, s16;
	[sflag:s8] =	ssyncadd.s32 $0xFFFFE000  }
0xa2: {  	[spmem:s2] =	stream.indirect.scatter.add.f32 [tilespmem:s28], [sflag:$0x3], $0x40, s17, s4, $0xb8;
	[tilespmem:$0x1D000] =	vst v63  }
0xa3: {  	_ =	swait.ge [sflag:s9], $0x2000  }
0xa4: {  	[sflag:s9] =	ssyncset.done $0x0  }
0xa5: {  	s17 =	sadd.s32 $0x16880, s16;
	[sflag:s9] =	ssyncadd.s32 $0xFFFFE000  }
0xa6: {  	[spmem:s2] =	stream.indirect.scatter.add.f32 [tilespmem:s7], [sflag:$0x4], $0x40, s17, s4, $0xb8;
	[tilespmem:$0x1D000] =	vst v63  }
0xa7: {  	_ =	swait.ge [sflag:s10], $0x2000  }
0xa8: {  	[sflag:s10] =	ssyncset.done $0x0  }
.Ltmp2:
0xa9: {  	s17 =	sadd.s32 $0x14100, s16;
	[sflag:s10] =	ssyncadd.s32 $0xFFFFE000;
	(pc) =	sbr.rel @p0 .LBB2_6-.Ltmp2, $4  }
0xaa: {  	[tilespmem:s28], [sflag:$0x1] =	stream.indirect.gather [spmem:s1], $0x40, s17, s4, $0xb8;
	[tilespmem:$0x1D000] =	vst v63  }
0xab: {  	_ =	swait.ge [sflag:s11], $0x2000  }
0xac: {  	[sflag:s11] =	ssyncset.done $0x0  }
0xad: {  	s16 =	sadd.s32 $0x14180, s16;
	[sflag:s11] =	ssyncadd.s32 $0xFFFFE000  }
0xae: {  	[tilespmem:s7], [sflag:$0x2] =	stream.indirect.gather [spmem:s1], $0x40, s16, s4, $0xb8;
	[tilespmem:$0x1D000] =	vst v63  }
0xaf: {  	_ =	swait.ge [sflag:s8], $0x2000  }
0xb0: {  	[sflag:s8] =	ssyncset.done $0x0  }
0xb1: {  	[sflag:s8] =	ssyncadd.s32 $0xFFFFE000  }
0xb2: {  	[spmem:s2] =	stream.indirect.scatter.add.f32 [tilespmem:s28], [sflag:$0x3], $0x40, s12, s4, $0xb8;
	[tilespmem:$0x1D000] =	vst v63  }
0xb3: {  	_ =	swait.ge [sflag:s9], $0x2000  }
0xb4: {  	[sflag:s9] =	ssyncset.done $0x0  }
0xb5: {  	[sflag:s9] =	ssyncadd.s32 $0xFFFFE000  }
0xb6: {  	[spmem:s2] =	stream.indirect.scatter.add.f32 [tilespmem:s7], [sflag:$0x4], $0x40, s13, s4, $0xb8;
	[tilespmem:$0x1D000] =	vst v63  }
0xb7: {  	_ =	swait.ge [sflag:s10], $0x2000  }
0xb8: {  	[sflag:s10] =	ssyncset.done $0x0  }
0xb9: {  	[sflag:s10] =	ssyncadd.s32 $0xFFFFE000  }
0xba: {  	_ =	swait.ge [sflag:s11], $0x2000  }
0xbb: {  	[sflag:s11] =	ssyncset.done $0x0  }
0xbc: {  	[sflag:s11] =	ssyncadd.s32 $0xFFFFE000  }
0xbd: {  	[bflag:$0x0] =	sbarrier.arrive $0xFFFF  }
0xbe: {  	[tilespmem:s28], [sflag:$0x6] =	stream.linear.gather [spmem:s5], $0x2000, $0x38;
	[tilespmem:$0x1D000] =	vst v63  }
0xbf: {  	_ =	swait.ge [sflag:s29], $0x2000  }
0xc0: {  	[sflag:s29] =	ssyncset.done $0x0  }
0xc1: {  	s15 =	rddreg [dreg:$0xb];
	[sflag:s29] =	ssyncadd.s32 $0xFFFFE000  }
0xc2: {  	[hbm4b:s15+s3] =	stream.linear.scatter [tilespmem:s28], [sflag:$0x6], $0x2000, $0x38;
	[tilespmem:$0x1D000] =	vst v63  }
0xc3: {  	_ =	swait.ge [sflag:s29], $0x2000  }
0xc4: {  	[sflag:s29] =	ssyncset.done $0x0  }
0xc5: {  	[sflag:s29] =	ssyncadd.s32 $0xFFFFE000  }
0xc6: {  	[tilespmem:s28], [sflag:$0x6] =	stream.linear.gather [spmem:s19], $0x2000, $0x38;
	[tilespmem:$0x1D000] =	vst v63  }
0xc7: {  	_ =	swait.ge [sflag:s29], $0x2000  }
0xc8: {  	[sflag:s29] =	ssyncset.done $0x0  }
0xc9: {  	s17 =	rddreg [dreg:$0xc];
	[sflag:s29] =	ssyncadd.s32 $0xFFFFE000  }
0xca: {  	[hbm4b:s17+s3] =	stream.linear.scatter [tilespmem:s28], [sflag:$0x6], $0x2000, $0x38;
	[tilespmem:$0x1D000] =	vst v63  }
0xcb: {  	_ =	swait.ge [sflag:s29], $0x2000  }
0xcc: {  	[sflag:s29] =	ssyncset.done $0x0  }
0xcd: {  	[sflag:s29] =	ssyncadd.s32 $0xFFFFE000  }
0xce: {  	[tilespmem:s28], [sflag:$0x6] =	stream.linear.gather [spmem:s20], $0x2000, $0x38;
	[tilespmem:$0x1D000] =	vst v63  }
0xcf: {  	_ =	swait.ge [sflag:s29], $0x2000  }
0xd0: {  	[sflag:s29] =	ssyncset.done $0x0  }
0xd1: {  	s18 =	rddreg [dreg:$0xd];
	[sflag:s29] =	ssyncadd.s32 $0xFFFFE000  }
0xd2: {  	[hbm4b:s18+s3] =	stream.linear.scatter [tilespmem:s28], [sflag:$0x6], $0x2000, $0x38;
	[tilespmem:$0x1D000] =	vst v63  }
0xd3: {  	_ =	swait.ge [sflag:s29], $0x2000  }
0xd4: {  	[sflag:s29] =	ssyncset.done $0x0  }
0xd5: {  	[sflag:s29] =	ssyncadd.s32 $0xFFFFE000  }
0xd6: {  	[tilespmem:s28], [sflag:$0x6] =	stream.linear.gather [spmem:s21], $0x2000, $0x38;
	[tilespmem:$0x1D000] =	vst v63  }
0xd7: {  	_ =	swait.ge [sflag:s29], $0x2000  }
0xd8: {  	[sflag:s29] =	ssyncset.done $0x0  }
0xd9: {  	s16 =	rddreg [dreg:$0xe];
	[sflag:s29] =	ssyncadd.s32 $0xFFFFE000  }
0xda: {  	[hbm4b:s16+s3] =	stream.linear.scatter [tilespmem:s28], [sflag:$0x6], $0x2000, $0x38;
	[tilespmem:$0x1D000] =	vst v63  }
0xdb: {  	_ =	swait.ge [sflag:s29], $0x2000  }
0xdc: {  	[sflag:s29] =	ssyncset.done $0x0  }
0xdd: {  	[sflag:s29] =	ssyncadd.s32 $0xFFFFE000  }
0xde: {  	[tilespmem:s28], [sflag:$0x6] =	stream.linear.gather [spmem:s22], $0x2000, $0x38;
	[tilespmem:$0x1D000] =	vst v63  }
0xdf: {  	_ =	swait.ge [sflag:s29], $0x2000  }
0xe0: {  	[sflag:s29] =	ssyncset.done $0x0  }
0xe1: {  	s17 =	rddreg [dreg:$0xf];
	[sflag:s29] =	ssyncadd.s32 $0xFFFFE000  }
0xe2: {  	[hbm4b:s17+s3] =	stream.linear.scatter [tilespmem:s28], [sflag:$0x6], $0x2000, $0x38;
	[tilespmem:$0x1D000] =	vst v63  }
0xe3: {  	_ =	swait.ge [sflag:s29], $0x2000  }
0xe4: {  	s14 =	sadd.s32 $0x1, s14;
	s18 =	rddreg [dreg:$0x9]  }
0xe5: {  	p0 =	sne.s32 s14, s18  }
.Ltmp3:
0xe6: {  	_ = 	snop;
	(pc) =	sbr.rel @p0 .LBB2_1-.Ltmp3, $3  }
0xe7: {  	_ =	sdelay $0x1  }
0xe8: {  	[sflag:s29] =	ssyncset.done $0x0  }
0xe9: {  	[sflag:s29] =	ssyncadd.s32 $0xFFFFE000  }
0xea: {  	_ =	sfence.sel $0x180000  }
0xeb: {  	[bflag:$0x0] =	sbarrier.arrive $0xFFFF  }
0xec: {  	_ =	strace $0x9000004D  }
0xed: {  	s0 =	stileid.u32;
	[bflag:$0x2] =	sbarrier.arrive $0xFFFF  }
0xee: {  	p0 =	sne.s32 s0, $0x0;
	s0 =	rddreg [dreg:$0x4]  }
0xef: {  	s0 =	sadd.s32 @!p0 $0x100000, s0  }
0xf0: {  	[sflag:s0] =	ssyncadd.tile.s32 @!p0 $0x1;
	_ =	shalt  }
.Lfunc_end2:
_tile_overlayer_lowered:
.L_overlay_start_2:
0xf1: {  	(tag) =	ssettag $0x2  }
0xf2: {  	s0 =	rddreg [dreg:$0x0];
	s2 =	stileid.u32  }
0xf3: {  	s1 =	rddreg [dreg:$0x1];
	p0 =	sne.s32 s2, $0x0  }
0xf4: {  	s3 =	rddreg [dreg:$0x2];
	[bflag:$0x3] =	sbarrier.arrive $0xFFFF;
	s2 =	simm.s32 @!p0 $0x1C06  }
0xf5: {  	[timem:s3], [sflag:s2] =	dma.local @!p0 [hbm:s0], s1  }
0xf6: {  	s0 =	simm.s32 @!p0 $0x6  }
0xf7: {  	_ =	swait.ge @!p0 [sflag:s0], s1  }
0xf8: {  	s1 =	ssub.s32 @!p0 $0x0, s1;
	[sflag:s0] =	ssyncset.done @!p0 $0x0  }
0xf9: {  	[sflag:s0] =	ssyncadd.s32 @!p0 s1  }
0xfa: {  	[bflag:$0x3] =	sbarrier.arrive $0xFFFF  }
0xfb: {  	_ =	shalt  }

// kernel: kernel.8.cloned.1.call-start
scs
__scs_entry_jumppad:
0x0: {  	(pc) =	sbr.rel $0x88, $3  }
0x1: {  	(tag) =	ssettag $0x0;
	lr =	simm.s32 $0x1  }
0x2: {  	[smem:$0x3F91] =	sst lr;
	_ =	strace $0xD0000000  }
0x3: {  	_ = 	snop  }
0x4: {  	_ = 	snop  }
0x5: {  	_ = 	snop  }
0x6: {  	_ = 	snop  }
0x7: {  	_ = 	snop  }
__scs_overlays_trampoline_lowered:
0x8: {  	[smem:$0x3FA0] =	sst s0  }
0x9: {  	[smem:$0x3FA1] =	sst s1  }
0xa: {  	[smem:$0x3FA2] =	sst s2  }
0xb: {  	[smem:$0x3FA3] =	sst s3  }
0xc: {  	[smem:$0x3FA4] =	sst s4  }
0xd: {  	[smem:$0x3FA5] =	sst s5  }
0xe: {  	[smem:$0x3FA6] =	sst s6  }
0xf: {  	[smem:$0x3FA7] =	sst s7  }
0x10: {  	[smem:$0x3FA8] =	sst s8  }
0x11: {  	[smem:$0x3FA9] =	sst s9;
	s0 =	simm.s32 @!p0 $0x0  }
0x12: {  	s1 =	sld [smem:$0x3F8F];
	s0 =	simm.s32 @p0 $0x1  }
0x13: {  	[smem:$0x3FAA] =	sst s0;
	s0 =	simm.s32 @!p1 $0x0  }
0x14: {  	s2 =	sld [smem:$0x3F8E];
	s0 =	simm.s32 @p1 $0x1  }
0x15: {  	[smem:$0x3FAB] =	sst s0;
	s0 =	simm.s32 @!p2 $0x0  }
0x16: {  	s3 =	sld [smem:$0x3FDB];
	s0 =	simm.s32 @p2 $0x1  }
0x17: {  	s4 =	simm.s32 $0x1BF5;
	[smem:$0x3FAD] =	sst s0  }
0x18: {  	s0 =	sld [smem:$0x3F90];
	_ =	swait.ge [sflag:s4], $0x0  }
0x19: {  	s7 =	sld [smem:$0x3F91]  }
0x1a: {  	s8 =	sadd.s32 $0xFFFFE003, lr  }
0x1b: {  	s9 =	sadd.s32 $0xFFFFFEF7, lr;
	s5 =	simm.s32 $0xFFFFFFFF;
	p2 =	slt.u32 s8, $0xFFFFF086  }
0x1c: {  	p1 =	slt.u32 s9, $0xF7A;
	s5 =	simm.s32 @!p2 $0x0  }
0x1d: {  	s5 =	simm.s32 @p1 $0x1;
	p0 =	seq.s32 s7, s2  }
0x1e: {  	s7 =	smul.u32 @!p0 $0xF7A, s2;
	p2 =	seq.s32 @!p0 s5, $0x0  }
0x1f: {  	s9 =	smul.u32 $0xF7A, s1;
	s8 =	simm.s32 @!p0 $0x1BF5;
	p2 =	por !p2, p0  }
0x20: {  	[sflag:s8] =	ssyncset.s32 @!p0 $0xFFFFF086;
	s6 =	sadd.s32 @!p0 s3, s7;
	s7 =	simm.s32 @!p0 $0x108  }
0x21: {  	s3 =	sadd.s32 s3, s9;
	s6 =	sadd.s32 @!p0 $0x88, s6;
	s7 =	simm.s32 @p2 $0x1082  }
0x22: {  	[simem:s7], [sflag:s8] =	dma.local @!p0 [hbm:s6], $0xF7A  }
0x23: {  	s9 =	sor.u32 $0xD0000000, s2;
	s6 =	simm.s32 $0x108;
	_ =	swait.ge @!p0 [sflag:s8], $0x0  }
0x24: {  	s3 =	sadd.s32 $0x88, s3;
	s6 =	simm.s32 @!p1 $0x1082;
	[sflag:s4] =	ssyncset.s32 $0xFFFFF086  }
0x25: {  	[simem:s6], [sflag:s4] =	dma.local [hbm:s3], $0xF7A  }
0x26: {  	[smem:$0x3F91] =	sst s1;
	(tag) =	ssettag s2;
	_ =	strace s9  }
0x27: {  	s1 =	sld [smem:$0x3FA1]  }
0x28: {  	s2 =	sld [smem:$0x3FA2]  }
0x29: {  	s4 =	sld [smem:$0x3FA4]  }
0x2a: {  	p0 =	seq.s32 s5, $0x0;
	s5 =	sld [smem:$0x3FA5]  }
0x2b: {  	s6 =	sld [smem:$0x3FA6]  }
0x2c: {  	s7 =	sld [smem:$0x3FA7]  }
0x2d: {  	s3 =	simm.s32 $0x108;
	s8 =	sld [smem:$0x3FA8]  }
0x2e: {  	s3 =	simm.s32 @!p0 $0x1082;
	s9 =	sld [smem:$0x3FA9]  }
0x2f: {  	lr =	sadd.s32 s0, s3;
	s0 =	sld [smem:$0x3FA0]  }
0x30: {  	s3 =	sld [smem:$0x3FA3]  }
0x31: {  	[smem:$0x3FAC] =	sst s10  }
0x32: {  	s10 =	sld [smem:$0x3FAA];
	_ =	sdelay $0x3  }
0x33: {  	p0 =	seq.s32 s10, $0x1;
	s10 =	sld [smem:$0x3FAC];
	_ =	sdelay $0x3  }
0x34: {  	[smem:$0x3FAC] =	sst s10  }
0x35: {  	s10 =	sld [smem:$0x3FAB];
	_ =	sdelay $0x3  }
0x36: {  	p1 =	seq.s32 s10, $0x1;
	s10 =	sld [smem:$0x3FAC];
	_ =	sdelay $0x3  }
0x37: {  	[smem:$0x3FAC] =	sst s10  }
0x38: {  	s10 =	sld [smem:$0x3FAD]  }
0x39: {  	_ = 	snop;
	(pc) =	sbr.ind lr, $3  }
0x3a: {  	_ = 	snop  }
0x3b: {  	_ = 	snop  }
0x3c: {  	p2 =	seq.s32 s10, $0x1;
	s10 =	sld [smem:$0x3FAC]  }
0x3d: {  	_ =	shalt  }
0x3e: {  	_ =	shalt  }
0x3f: {  	_ =	shalt  }
0x40: {  	_ =	shalt  }
0x41: {  	_ =	shalt  }
0x42: {  	_ =	shalt  }
0x43: {  	_ =	shalt  }
0x44: {  	_ =	shalt  }
0x45: {  	_ =	shalt  }
0x46: {  	_ =	shalt  }
0x47: {  	_ =	shalt  }
0x48: {  	_ =	shalt  }
0x49: {  	_ =	shalt  }
0x4a: {  	_ =	shalt  }
0x4b: {  	_ =	shalt  }
0x4c: {  	_ =	shalt  }
0x4d: {  	_ =	shalt  }
0x4e: {  	_ =	shalt  }
0x4f: {  	_ =	shalt  }
0x50: {  	_ =	shalt  }
0x51: {  	_ =	shalt  }
0x52: {  	_ =	shalt  }
0x53: {  	_ =	shalt  }
0x54: {  	_ =	shalt  }
0x55: {  	_ =	shalt  }
0x56: {  	_ =	shalt  }
0x57: {  	_ =	shalt  }
0x58: {  	_ =	shalt  }
0x59: {  	_ =	shalt  }
0x5a: {  	_ =	shalt  }
0x5b: {  	_ =	shalt  }
0x5c: {  	_ =	shalt  }
0x5d: {  	_ =	shalt  }
0x5e: {  	_ =	shalt  }
0x5f: {  	_ =	shalt  }
0x60: {  	_ =	shalt  }
0x61: {  	_ =	shalt  }
0x62: {  	_ =	shalt  }
0x63: {  	_ =	shalt  }
0x64: {  	_ =	shalt  }
0x65: {  	_ =	shalt  }
0x66: {  	_ =	shalt  }
0x67: {  	_ =	shalt  }
0x68: {  	_ =	shalt  }
0x69: {  	_ =	shalt  }
0x6a: {  	_ =	shalt  }
0x6b: {  	_ =	shalt  }
0x6c: {  	_ =	shalt  }
0x6d: {  	_ =	shalt  }
0x6e: {  	_ =	shalt  }
0x6f: {  	_ =	shalt  }
0x70: {  	_ =	shalt  }
0x71: {  	_ =	shalt  }
0x72: {  	_ =	shalt  }
0x73: {  	_ =	shalt  }
0x74: {  	_ =	shalt  }
0x75: {  	_ =	shalt  }
0x76: {  	_ =	shalt  }
0x77: {  	_ =	shalt  }
0x78: {  	_ =	shalt  }
0x79: {  	_ =	shalt  }
0x7a: {  	_ =	shalt  }
0x7b: {  	_ =	shalt  }
0x7c: {  	_ =	shalt  }
0x7d: {  	_ =	shalt  }
0x7e: {  	_ =	shalt  }
0x7f: {  	_ =	shalt  }
0x80: {  	_ =	shalt  }
0x81: {  	_ =	shalt  }
0x82: {  	_ =	shalt  }
0x83: {  	_ =	shalt  }
0x84: {  	_ =	shalt  }
0x85: {  	_ =	shalt  }
0x86: {  	_ =	shalt  }
0x87: {  	_ =	shalt  }
.Lfunc_end0:
.L_simem_size_0:
called_computation_lowered:
.L_overlay_start_0:
0x88: {  	s2 =	sld [smem:$0x3FD9]  }
0x89: {  	s3 =	sld [smem:$0x3FFE];
	_ =	sdelay $0x1  }
0x8a: {  	s1 =	srdreg.scid  }
0x8b: {  	s0 =	sand.u32 $0x1, s1  }
0x8c: {  	s16 =	sshll.u32 s0, $0xA;
	s2 =	sadd.s32 s3, s2  }
0x8d: {  	s2 =	sadd.s32 s2, s16  }
0x8e: {  	[smem:$0x3FB8] =	sst s2  }
0x8f: {  	_ = 	snop  }
0x90: {  	(tm) =	ssettm $0x1  }
0x91: {  	s17 =	sld [smem:$0x3FFB];
	_ =	sdelay $0x3  }
0x92: {  	_ =	strace s17  }
0x93: {  	s2 =	sld [smem:$0x3FFC];
	_ =	sdelay $0x3  }
0x94: {  	_ =	strace s2  }
0x95: {  	s2 =	sld [smem:$0x3FFD];
	_ =	sdelay $0x3  }
0x96: {  	_ =	strace s2  }
0x97: {  	_ =	strace $0x8FFFFFFF  }
0x98: {  	s18 =	sld [smem:$0x3FDB];
	_ =	sdelay $0x1  }
0x99: {  	s19 =	simm.s32 $_scs_section_size  }
0x9a: {  	s4 =	simm.s32 $_size__tile_overlayer_lowered;
	s5 =	simm.s32 $_tile_overlayer_lowered  }
0x9b: {  	s22 =	simm.s32 $0x1BFF;
	s21 =	sshll.u32 s5, $0x1;
	s2 =	sadd.s32 s19, s18  }
0x9c: {  	s6 =	simm.s32 $0x0;
	s20 =	sshll.u32 s4, $0x1;
	s4 =	sadd.s32 s21, s2  }
0x9d: {  	[timem:s6], [sflag:s22] =	dma.local [hbm:s4], s20  }
0x9e: {  	_ =	swait.ge [sflag:s22], s20  }
0x9f: {  	s3 =	ssub.s32 $0x0, s20;
	[sflag:s22] =	ssyncset.done $0x0  }
0xa0: {  	[sflag:s22] =	ssyncadd.s32 s3;
	_ =	sdelay $0x1  }
0xa1: {  	s23 =	simm.s32 $0x1B8B  }
0xa2: {  	_ =	swait.ge [sflag:s23], $0x1  }
0xa3: {  	[sflag:s23] =	ssyncset.done $0x0  }
0xa4: {  	s25 =	simm.s32 $0x1B8E;
	s24 =	sld [smem:$0x3FFE];
	[sflag:s23] =	ssyncadd.s32 $0xFFFFFFFF  }
0xa5: {  	s26 =	simm.s32 $execute0_lowered;
	[smem:$0x3FD2] =	sst s25  }
0xa6: {  	s4 =	sshll.u32 s26, $0x1;
	_ =	strace $0x80000046;
	[dreg:$0x1] =	wrdreg $0xFFFFFFFF  }
0xa7: {  	s28 =	simm.s32 $_size_execute0_lowered;
	s2 =	sadd.s32 s2, s4;
	[dreg:$0x0] =	wrdreg $0x0  }
0xa8: {  	s4 =	sshll.u32 s28, $0x1;
	[dreg:$0x2] =	wrdreg s2  }
0xa9: {  	[dreg:$0x3] =	wrdreg s4  }
0xaa: {  	[dreg:$0x4] =	wrdreg $0xC0  }
0xab: {  	_ =	task [dreg:s6], $0x5FFFF  }
0xac: {  	[dreg:$0x1] =	wrdreg $0xFFFFFFFF  }
0xad: {  	[dreg:$0x0] =	wrdreg $0x60  }
0xae: {  	[dreg:$0x2] =	wrdreg s24  }
0xaf: {  	[dreg:$0x3] =	wrdreg $0x0  }
0xb0: {  	[dreg:$0x4] =	wrdreg $0x9  }
0xb1: {  	_ =	task.clear_ibuf [dreg:s6], $0x5FFFF;
	_ =	strace $0x90000046  }
0xb2: {  	s29 =	simm.s32 $0x9;
	_ =	strace $0x80000048  }
0xb3: {  	_ =	swait.ge [sflag:s29], $0x1  }
0xb4: {  	[sflag:s29] =	ssyncadd.s32 $0xFFFFFFFF  }
0xb5: {  	_ =	strace $0x90000048  }
0xb6: {  	_ =	sfence  }
0xb7: {  	s30 =	sld [smem:$0x0];
	_ =	sdelay $0x2  }
0xb8: {  	s31 =	sshll.u32 s1, $0xD;
	s1 =	sshrl.u32 s1, $0x2  }
0xb9: {  	s3 =	sand.u32 $0x4000, s31;
	s1 =	sadd.s32 s1, s30  }
0xba: {  	s0 =	sor.u32 s3, s0;
	s1 =	sshll.u32 s1, $0x11  }
0xbb: {  	s0 =	sor.u32 s1, s0  }
0xbc: {  	s0 =	sadd.s32 $0x8F2B, s0  }
0xbd: {  	[sflag:s0] =	ssyncadd.remote.s32 $0x1  }
0xbe: {  	_ =	sfence.sel $0xFFFF  }
0xbf: {  	[dreg:$0x0] =	wrdreg $0xFFFFFFFF;
	(pc) =	sbr.abs _section_cstart, $3  }
0xc0: {  	[dreg:$0x1] =	wrdreg $0xFFFFFFFF  }
0xc1: {  	_ =	task.clear_ibuf [dreg:s6], $0x2FFFF;
	_ =	strace $0x9FFFFFFF  }
0xc2: {  	(tm) =	ssettm $0x7FFFFFFF  }
0xc3: {  	_ =	shalt  }
tec
execute0_lowered:
.L_overlay_start_1:
0x0: {  	(tag) =	ssettag $0x1  }
0x1: {  	s4 =	rddreg [dreg:$0x0]  }
0x2: {  	s2 =	rddreg [dreg:$0x1]  }
0x3: {  	s0 =	rddreg [dreg:$0x2];
	s3 =	srdreg.scid  }
0x4: {  	s1 =	stileid.u32;
	s10 =	simm.s32 $0x280;
	s11 =	simm.s32 $0x80  }
0x5: {  	s12 =	simm.s32 $0x2A80;
	s13 =	simm.s32 $0x300;
	s14 =	simm.s32 $0x380  }
0x6: {  	s15 =	simm.s32 $0x400;
	s16 =	simm.s32 $0x480;
	s17 =	simm.s32 $0x1  }
0x7: {  	s18 =	simm.s32 $0x2;
	s19 =	simm.s32 $0x3;
	s20 =	simm.s32 $0x4  }
0x8: {  	s21 =	simm.s32 $0x5;
	s5 =	sand.u32 $0x1, s3;
	s7 =	smul.u32 $0x280, s1  }
0x9: {  	s6 =	sshll.u32 s1, $0x1;
	s3 =	simm.s32 $0x0;
	s8 =	smul.u32 $0x2800, s5  }
0xa: {  	s22 =	simm.s32 $0x0;
	s6 =	sor.u32 s5, s6;
	[smem:$0x7FF] =	sst s3  }
0xb: {  	s5 =	ssub.s32 $0x2, s5;
	s6 =	smul.u32 $0x500, s6;
	s8 =	sadd.s32 s7, s8  }
0xc: {  	_ =	strace $0x80000047;
	s9 =	sshrl.u32 s5, $0x1;
	s8 =	sshrl.u32 s8, $0x3  }
0xd: {  	s9 =	ssub.s32 s5, s9;
	s6 =	sadd.s32 s6, s4;
	s8 =	sadd.s32 s8, s4  }
0xe: {  	s4 =	sadd.s32 s7, s2;
	s5 =	sadd.s32 $0x4600, s6;
	s7 =	smax.u32 s9, $0x1  }
0xf: {  	v0 =	vimm.f32 $0.0e+00;
	v1 =	vimm.f32 $1.000000000e+00;
	s9 =	simm.s32 $0x6;
	s6 =	sadd.s32 $0xE600, s8;
	s8 =	simm.s32 $0x2B00  }
.LBB2_1:
0x10: {  	[tilespmem:$0x2B00] =	vst v0  }
0x11: {  	[tilespmem:$0x2B10] =	vst v0  }
0x12: {  	[tilespmem:$0x2B20] =	vst v0  }
0x13: {  	[tilespmem:$0x2B30] =	vst v0  }
0x14: {  	[tilespmem:$0x2B40] =	vst v0  }
0x15: {  	[tilespmem:$0x2B50] =	vst v0  }
0x16: {  	[tilespmem:$0x2B60] =	vst v0  }
0x17: {  	[tilespmem:$0x2B70] =	vst v0  }
0x18: {  	[tilespmem:$0x2B80] =	vst v0  }
0x19: {  	[tilespmem:$0x2B90] =	vst v0  }
0x1a: {  	[tilespmem:$0x2BA0] =	vst v0  }
0x1b: {  	[tilespmem:$0x2BB0] =	vst v0  }
0x1c: {  	[tilespmem:$0x2BC0] =	vst v0  }
0x1d: {  	[tilespmem:$0x2BD0] =	vst v0  }
0x1e: {  	[tilespmem:$0x2BE0] =	vst v0  }
0x1f: {  	[tilespmem:$0x2BF0] =	vst v0  }
0x20: {  	[tilespmem:$0x2C00] =	vst v0  }
0x21: {  	[tilespmem:$0x2C10] =	vst v0  }
0x22: {  	[tilespmem:$0x2C20] =	vst v0  }
0x23: {  	[tilespmem:$0x2C30] =	vst v0  }
0x24: {  	[tilespmem:$0x2C40] =	vst v0  }
0x25: {  	[tilespmem:$0x2C50] =	vst v0  }
0x26: {  	[tilespmem:$0x2C60] =	vst v0  }
0x27: {  	[tilespmem:$0x2C70] =	vst v0  }
0x28: {  	[tilespmem:$0x2C80] =	vst v0  }
0x29: {  	[tilespmem:$0x2C90] =	vst v0  }
0x2a: {  	[tilespmem:$0x2CA0] =	vst v0  }
0x2b: {  	[tilespmem:$0x2CB0] =	vst v0  }
0x2c: {  	[tilespmem:$0x2CC0] =	vst v0  }
0x2d: {  	[tilespmem:$0x2CD0] =	vst v0  }
0x2e: {  	[tilespmem:$0x2CE0] =	vst v0  }
0x2f: {  	[tilespmem:$0x2CF0] =	vst v0  }
0x30: {  	[tilespmem:$0x2D00] =	vst v0  }
0x31: {  	[tilespmem:$0x2D10] =	vst v0  }
0x32: {  	[tilespmem:$0x2D20] =	vst v0  }
0x33: {  	[tilespmem:$0x2D30] =	vst v0  }
0x34: {  	[tilespmem:$0x2D40] =	vst v0  }
0x35: {  	[tilespmem:$0x2D50] =	vst v0  }
0x36: {  	[tilespmem:$0x2D60] =	vst v0  }
0x37: {  	[tilespmem:$0x2D70] =	vst v0  }
0x38: {  	[tilespmem:$0x2A80] =	vst v1  }
0x39: {  	[tilespmem:$0x2A90] =	vst v1  }
0x3a: {  	[tilespmem:$0x2AA0] =	vst v1  }
0x3b: {  	[tilespmem:$0x2AB0] =	vst v1  }
0x3c: {  	[tilespmem:$0x2AC0] =	vst v1  }
0x3d: {  	[tilespmem:$0x2AD0] =	vst v1  }
0x3e: {  	[tilespmem:$0x2AE0] =	vst v1  }
0x3f: {  	[tilespmem:$0x2AF0] =	vst v1  }
0x40: {  	[spmem:s4] =	stream.linear.scatter [tilespmem:s8], [sflag:$0x6], $0x280, $0x38;
	[tilespmem:$0x2D80] =	vst v63  }
0x41: {  	_ =	swait.ge [sflag:s9], $0x280  }
0x42: {  	[sflag:s9] =	ssyncset.done $0x0  }
0x43: {  	[sflag:s9] =	ssyncadd.s32 $0xFFFFFD80  }
0x44: {  	[tilespmem:s10], [sflag:$0x6] =	stream.linear.gather [hbm4b:s5+s3], $0x2800, $0x38;
	[tilespmem:$0x2D80] =	vst v63  }
0x45: {  	_ =	swait.ge [sflag:s9], $0x2800  }
0x46: {  	[sflag:s9] =	ssyncset.done $0x0  }
0x47: {  	[sflag:s9] =	ssyncadd.s32 $0xFFFFD800  }
0x48: {  	[bflag:$0x0] =	sbarrier.arrive $0xFFFF  }
0x49: {  	[spmem:s2] =	stream.indirect.scatter.add.f32 [tilespmem:s12], [sflag:$0x1], $0x1, s10, s11, $0xb8;
	[tilespmem:$0x2D80] =	vst v63  }
0x4a: {  	_ = 	snop  }
0x4b: {  	[spmem:s2] =	stream.indirect.scatter.add.f32 [tilespmem:s12], [sflag:$0x2], $0x1, s13, s11, $0xb8;
	[tilespmem:$0x2D80] =	vst v63  }
0x4c: {  	_ = 	snop  }
0x4d: {  	[spmem:s2] =	stream.indirect.scatter.add.f32 [tilespmem:s12], [sflag:$0x3], $0x1, s14, s11, $0xb8;
	[tilespmem:$0x2D80] =	vst v63  }
0x4e: {  	_ = 	snop  }
0x4f: {  	[spmem:s2] =	stream.indirect.scatter.add.f32 [tilespmem:s12], [sflag:$0x4], $0x1, s15, s11, $0xb8;
	[tilespmem:$0x2D80] =	vst v63  }
0x50: {  	_ = 	snop  }
0x51: {  	[spmem:s2] =	stream.indirect.scatter.add.f32 [tilespmem:s12], [sflag:$0x5], $0x1, s16, s11, $0xb8;
	[tilespmem:$0x2D80] =	vst v63  }
0x52: {  	_ =	swait.ge [sflag:s17], $0x80  }
0x53: {  	[sflag:s17] =	ssyncset.done $0x0  }
0x54: {  	s23 =	simm.s32 $0x500;
	[sflag:s17] =	ssyncadd.s32 $0xFFFFFF80  }
0x55: {  	[spmem:s2] =	stream.indirect.scatter.add.f32 [tilespmem:s12], [sflag:$0x1], $0x1, s23, s11, $0xb8;
	[tilespmem:$0x2D80] =	vst v63  }
0x56: {  	_ =	swait.ge [sflag:s18], $0x80  }
0x57: {  	[sflag:s18] =	ssyncset.done $0x0  }
0x58: {  	s29 =	simm.s32 $0x580;
	[sflag:s18] =	ssyncadd.s32 $0xFFFFFF80  }
0x59: {  	[spmem:s2] =	stream.indirect.scatter.add.f32 [tilespmem:s12], [sflag:$0x2], $0x1, s29, s11, $0xb8;
	[tilespmem:$0x2D80] =	vst v63  }
0x5a: {  	_ =	swait.ge [sflag:s19], $0x80  }
0x5b: {  	[sflag:s19] =	ssyncset.done $0x0  }
0x5c: {  	s30 =	simm.s32 $0x600;
	[sflag:s19] =	ssyncadd.s32 $0xFFFFFF80  }
0x5d: {  	[spmem:s2] =	stream.indirect.scatter.add.f32 [tilespmem:s12], [sflag:$0x3], $0x1, s30, s11, $0xb8;
	[tilespmem:$0x2D80] =	vst v63  }
0x5e: {  	_ =	swait.ge [sflag:s20], $0x80  }
0x5f: {  	[sflag:s20] =	ssyncset.done $0x0  }
0x60: {  	s31 =	simm.s32 $0x680;
	[sflag:s20] =	ssyncadd.s32 $0xFFFFFF80  }
0x61: {  	[spmem:s2] =	stream.indirect.scatter.add.f32 [tilespmem:s12], [sflag:$0x4], $0x1, s31, s11, $0xb8;
	[tilespmem:$0x2D80] =	vst v63  }
0x62: {  	_ =	swait.ge [sflag:s21], $0x80  }
0x63: {  	[sflag:s21] =	ssyncset.done $0x0  }
0x64: {  	s24 =	simm.s32 $0x700;
	s23 =	simm.s32 $0xFFFF7400;
	[sflag:s21] =	ssyncadd.s32 $0xFFFFFF80  }
.LBB2_2:
0x65: {  	[spmem:s2] =	stream.indirect.scatter.add.f32 [tilespmem:s12], [sflag:$0x5], $0x1, s24, s11, $0xb8;
	[tilespmem:$0x2D80] =	vst v63  }
0x66: {  	s24 =	smov.u32 s23  }
0x67: {  	p0 =	sne.s32 s23, $0xFFFFF600;
	s23 =	sadd.s32 $0xA00, s23;
	_ =	swait.ge [sflag:s17], $0x80  }
0x68: {  	s24 =	sshra.s32 s24, $0x2;
	[sflag:s17] =	ssyncset.done $0x0  }
0x69: {  	s25 =	sadd.s32 $0x2A80, s24;
	[sflag:s17] =	ssyncadd.s32 $0xFFFFFF80  }
0x6a: {  	[spmem:s2] =	stream.indirect.scatter.add.f32 [tilespmem:s12], [sflag:$0x1], $0x1, s25, s11, $0xb8;
	[tilespmem:$0x2D80] =	vst v63  }
0x6b: {  	_ =	swait.ge [sflag:s18], $0x80  }
0x6c: {  	[sflag:s18] =	ssyncset.done $0x0  }
0x6d: {  	s25 =	sadd.s32 $0x2B00, s24;
	[sflag:s18] =	ssyncadd.s32 $0xFFFFFF80  }
0x6e: {  	[spmem:s2] =	stream.indirect.scatter.add.f32 [tilespmem:s12], [sflag:$0x2], $0x1, s25, s11, $0xb8;
	[tilespmem:$0x2D80] =	vst v63  }
0x6f: {  	_ =	swait.ge [sflag:s19], $0x80  }
0x70: {  	[sflag:s19] =	ssyncset.done $0x0  }
0x71: {  	s25 =	sadd.s32 $0x2B80, s24;
	[sflag:s19] =	ssyncadd.s32 $0xFFFFFF80  }
0x72: {  	[spmem:s2] =	stream.indirect.scatter.add.f32 [tilespmem:s12], [sflag:$0x3], $0x1, s25, s11, $0xb8;
	[tilespmem:$0x2D80] =	vst v63  }
0x73: {  	_ =	swait.ge [sflag:s20], $0x80  }
0x74: {  	[sflag:s20] =	ssyncset.done $0x0  }
.Ltmp0:
0x75: {  	s25 =	sadd.s32 $0x2C00, s24;
	[sflag:s20] =	ssyncadd.s32 $0xFFFFFF80;
	(pc) =	sbr.rel @p0 .LBB2_2-.Ltmp0, $4  }
0x76: {  	[spmem:s2] =	stream.indirect.scatter.add.f32 [tilespmem:s12], [sflag:$0x4], $0x1, s25, s11, $0xb8;
	[tilespmem:$0x2D80] =	vst v63  }
0x77: {  	_ =	swait.ge [sflag:s21], $0x80  }
0x78: {  	[sflag:s21] =	ssyncset.done $0x0  }
0x79: {  	s24 =	sadd.s32 $0x2C80, s24;
	[sflag:s21] =	ssyncadd.s32 $0xFFFFFF80  }
0x7a: {  	[spmem:s2] =	stream.indirect.scatter.add.f32 [tilespmem:s12], [sflag:$0x5], $0x1, s24, s11, $0xb8;
	[tilespmem:$0x2D80] =	vst v63  }
0x7b: {  	_ =	swait.ge [sflag:s17], $0x80  }
0x7c: {  	[sflag:s17] =	ssyncset.done $0x0  }
0x7d: {  	[sflag:s17] =	ssyncadd.s32 $0xFFFFFF80  }
0x7e: {  	_ =	swait.ge [sflag:s18], $0x80  }
0x7f: {  	[sflag:s18] =	ssyncset.done $0x0  }
0x80: {  	[sflag:s18] =	ssyncadd.s32 $0xFFFFFF80  }
0x81: {  	_ =	swait.ge [sflag:s19], $0x80  }
0x82: {  	[sflag:s19] =	ssyncset.done $0x0  }
0x83: {  	[sflag:s19] =	ssyncadd.s32 $0xFFFFFF80  }
0x84: {  	_ =	swait.ge [sflag:s20], $0x80  }
0x85: {  	[sflag:s20] =	ssyncset.done $0x0  }
0x86: {  	[sflag:s20] =	ssyncadd.s32 $0xFFFFFF80  }
0x87: {  	_ =	swait.ge [sflag:s21], $0x80  }
0x88: {  	[sflag:s21] =	ssyncset.done $0x0  }
0x89: {  	[sflag:s21] =	ssyncadd.s32 $0xFFFFFF80  }
0x8a: {  	[bflag:$0x0] =	sbarrier.arrive $0xFFFF  }
0x8b: {  	[tilespmem:s8], [sflag:$0x6] =	stream.linear.gather [spmem:s4], $0x280, $0x38;
	[tilespmem:$0x2D80] =	vst v63  }
0x8c: {  	s22 =	sadd.s32 $0x1, s22;
	_ =	swait.ge [sflag:s9], $0x280  }
0x8d: {  	p0 =	sne.s32 s22, s7;
	[sflag:s9] =	ssyncset.done $0x0  }
.Ltmp1:
0x8e: {  	[sflag:s9] =	ssyncadd.s32 $0xFFFFFD80;
	(pc) =	sbr.rel @p0 .LBB2_1-.Ltmp1, $4  }
0x8f: {  	[hbm4b:s6+s3] =	stream.linear.scatter [tilespmem:s8], [sflag:$0x6], $0x280, $0x38;
	[tilespmem:$0x2D80] =	vst v63  }
0x90: {  	_ =	swait.ge [sflag:s9], $0x280  }
0x91: {  	[sflag:s9] =	ssyncset.done $0x0  }
0x92: {  	[sflag:s9] =	ssyncadd.s32 $0xFFFFFD80  }
0x93: {  	_ =	sfence.sel $0x180000  }
0x94: {  	[bflag:$0x0] =	sbarrier.arrive $0xFFFF  }
0x95: {  	p0 =	sne.s32 s1, $0x0;
	_ =	strace $0x90000047  }
0x96: {  	s0 =	sadd.s32 @!p0 $0x100000, s0;
	[bflag:$0x2] =	sbarrier.arrive $0xFFFF  }
0x97: {  	[sflag:s0] =	ssyncadd.tile.s32 @!p0 $0x1;
	_ =	shalt  }
.Lfunc_end2:
_tile_overlayer_lowered:
.L_overlay_start_2:
0x98: {  	(tag) =	ssettag $0x2  }
0x99: {  	s0 =	rddreg [dreg:$0x0];
	s2 =	stileid.u32  }
0x9a: {  	s1 =	rddreg [dreg:$0x1];
	p0 =	sne.s32 s2, $0x0  }
0x9b: {  	s3 =	rddreg [dreg:$0x2];
	[bflag:$0x3] =	sbarrier.arrive $0xFFFF;
	s2 =	simm.s32 @!p0 $0x1C06  }
0x9c: {  	[timem:s3], [sflag:s2] =	dma.local @!p0 [hbm:s0], s1  }
0x9d: {  	s0 =	simm.s32 @!p0 $0x6  }
0x9e: {  	_ =	swait.ge @!p0 [sflag:s0], s1  }
0x9f: {  	s1 =	ssub.s32 @!p0 $0x0, s1;
	[sflag:s0] =	ssyncset.done @!p0 $0x0  }
0xa0: {  	[sflag:s0] =	ssyncadd.s32 @!p0 s1  }
0xa1: {  	[bflag:$0x3] =	sbarrier.arrive $0xFFFF  }
0xa2: {  	_ =	shalt  }

</sc_bundles>
